<compile_context>
chip_gen: v7x
topology: tpu7x:2x2x1
jax: 0.10.2.dev20260603
libtpu: 0.0.44.dev20260713+nightly
codegen_flags: <defaults>
</compile_context>

<pallas_src>
import functools

import jax
import jax.numpy as jnp
from jax import lax
from jax.experimental import pallas as pl
from jax.experimental.pallas import tpu as pltpu
from jax.experimental.pallas import tpu_sc as plsc

_B = 16384
_NC, _NS = 2, 16
_NW = _NC * _NS
_BPW = _B // _NW
_CH = 128
_NCH = _BPW // _CH
_RING = 4

_HIDDEN = 128
_NTAB = 4


_CHUNK = 65536


def _pack_table(tab_t, d, chunk=_CHUNK):
    v = tab_t.shape[1]
    per = 128 // d
    rpb = chunk // per
    nblk = (v + chunk - 1) // chunk
    grid = (nblk,)

    def body(x_ref, o_ref):
        x = x_ref[...].astype(jnp.bfloat16)
        xs = jnp.concatenate(
            [x[:, rpb * j:rpb * (j + 1)] for j in range(per)], axis=0)
        eye = (lax.broadcasted_iota(jnp.int32, (128, 128), 0)
               == lax.broadcasted_iota(jnp.int32, (128, 128), 1)
               ).astype(jnp.bfloat16)
        o_ref[...] = lax.dot_general(
            xs, eye, (((0,), (0,)), ((), ())),
            preferred_element_type=jnp.float32)

    return pl.pallas_call(
        body,
        grid=grid,
        in_specs=[pl.BlockSpec((d, chunk), lambda i: (0, i))],
        out_specs=pl.BlockSpec((rpb, 128), lambda i: (i, 0)),
        out_shape=jax.ShapeDtypeStruct((nblk * rpb, 128), jnp.float32),
    )(tab_t)


def _sc_gather(idxs, tabs):
    mesh = plsc.VectorSubcoreMesh(core_axis_name="c", subcore_axis_name="s")

    @functools.partial(
        pl.kernel,
        mesh=mesh,
        out_type=[jax.ShapeDtypeStruct((_B, 128), jnp.float32)
                  for _ in range(_NTAB)],
        scratch_types=[
            pltpu.VMEM((_NCH, _CH), jnp.int32),
            pltpu.VMEM((_NCH, _CH), jnp.int32),
            pltpu.VMEM((_NCH, _CH), jnp.int32),
            pltpu.VMEM((_NCH, _CH), jnp.int32),
            pltpu.VMEM((_RING, _CH, 128), jnp.float32),
            pltpu.SemaphoreType.DMA((_RING,)),
            pltpu.SemaphoreType.DMA((_RING,)),
            pltpu.SemaphoreType.DMA,
        ],
        compiler_params=pltpu.CompilerParams(use_tc_tiling_on_sc=True),
    )
    def k(i0, i1, i2, i3, t0, t1, t2, t3,
          o0, o1, o2, o3, x0, x1, x2, x3, ring, gsem, wsem, isem):
        wid = lax.axis_index("s") * _NC + lax.axis_index("c")
        base = wid * _BPW
        row = wid * _NCH
        idx_loads = [
            pltpu.async_copy(i0.at[pl.ds(row, _NCH)], x0, isem),
            pltpu.async_copy(i1.at[pl.ds(row, _NCH)], x1, isem),
            pltpu.async_copy(i2.at[pl.ds(row, _NCH)], x2, isem),
            pltpu.async_copy(i3.at[pl.ds(row, _NCH)], x3, isem),
        ]
        for c in idx_loads:
            c.wait()

        tasks = [(x0, t0, o0), (x1, t1, o1), (x2, t2, o2), (x3, t3, o3)]
        flat = [(x, t, o, j) for (x, t, o) in tasks for j in range(_NCH)]
        n = len(flat)

        def gather(k_, s):
            x, t, _, j = flat[k_]
            return pltpu.async_copy(t.at[x.at[j]], ring.at[s], gsem.at[s])

        def write(k_, s):
            _, _, o, j = flat[k_]
            dst = o.at[pl.ds(base + j * _CH, _CH)]
            return pltpu.async_copy(ring.at[s], dst, wsem.at[s])

        started_g = [gather(k_, k_ % _RING) for k_ in range(_RING)]
        started_w = []
        for k_ in range(n):
            s = k_ % _RING
            started_g[s].wait()
            started_w.append(write(k_, s))
            nk = k_ + _RING
            if nk < n:
                started_w[k_].wait()
                started_g[s] = gather(nk, s)
        for k_ in range(n - _RING, n):
            started_w[k_].wait()

    return k(*idxs, *tabs)


_BLK = 2048


def _mask_slot(buf, off, width):
    lane = (lax.broadcasted_iota(jnp.int32, (_BLK, 128), 1)
            // width).astype(jnp.float32)
    return buf * (lane == off).astype(jnp.float32)


def _mlp_body(s_ref, d_ref, a_ref, u_ref, i_ref,
              w1big_ref, pt_ref, pd_ref, w1n_ref,
              b1_ref, w2_ref, b2_ref, o_ref):
    scal = s_ref[...]
    iota8 = lax.broadcasted_iota(jnp.int32, (_BLK, 8), 1).astype(jnp.float32)
    t_oh = (iota8 == scal[:, 0:1]).astype(jnp.bfloat16)
    dy_oh = (iota8 == scal[:, 1:2]).astype(jnp.bfloat16)
    xbig = jnp.concatenate(
        [_mask_slot(d_ref[...], scal[:, 2:3], 16),
         _mask_slot(a_ref[...], scal[:, 3:4], 16),
         _mask_slot(u_ref[...], scal[:, 4:5], 16),
         _mask_slot(i_ref[...], scal[:, 5:6], 8)],
        axis=1).astype(jnp.bfloat16)
    h = (jnp.dot(xbig, w1big_ref[...], preferred_element_type=jnp.float32)
         + jnp.dot(t_oh, pt_ref[...], preferred_element_type=jnp.float32)
         + jnp.dot(dy_oh, pd_ref[...], preferred_element_type=jnp.float32)
         + jnp.dot(scal[:, 6:9].astype(jnp.bfloat16), w1n_ref[...],
                   preferred_element_type=jnp.float32)
         + b1_ref[...])
    h = jnp.maximum(h, 0.0)
    out = lax.dot_general(w2_ref[...], h, (((1,), (1,)), ((), ())),
                          preferred_element_type=jnp.float32)
    o_ref[...] = out + b2_ref[...]


def _tc_mlp(scal, dom, auth, user, item, w1big, pt, pd, w1n, b1, w2t, b2):
    grid = (_B // _BLK,)
    full = lambda shape: pl.BlockSpec(shape, lambda i: (0, 0))
    blk = lambda w: pl.BlockSpec((_BLK, w), lambda i: (i, 0))
    return pl.pallas_call(
        _mlp_body,
        grid=grid,
        in_specs=[
            blk(9),
            blk(128), blk(128), blk(128), blk(128),
            full((512, _HIDDEN)), full((8, _HIDDEN)), full((8, _HIDDEN)),
            full((3, _HIDDEN)),
            full((1, _HIDDEN)), full((1, _HIDDEN)), full((1, 1)),
        ],
        out_specs=pl.BlockSpec((1, _BLK), lambda i: (0, i)),
        out_shape=jax.ShapeDtypeStruct((1, _B), jnp.float32),
    )(scal, dom, auth, user, item, w1big, pt, pd, w1n, b1, w2t, b2)


def kernel(type_id, day_of_week_id, domain_id, author_id, user_id, item_id,
           hour_of_day, karma, descendants,
           type_table, day_table, domain_table, author_table, user_table,
           item_table, W1, b1, W2, b2):
    dom_id = domain_id.astype(jnp.int32)
    auth_id = author_id.astype(jnp.int32)
    usr_id = user_id.astype(jnp.int32)
    itm_id = item_id.astype(jnp.int32)

    def _pidx(r, rpb):
        return (r >> 16) * rpb + (r & (rpb - 1))

    idxs = [
        _pidx(dom_id, 8192).reshape(_B // _CH, _CH),
        _pidx(auth_id, 8192).reshape(_B // _CH, _CH),
        _pidx(usr_id, 8192).reshape(_B // _CH, _CH),
        _pidx(itm_id, 4096).reshape(_B // _CH, _CH),
    ]
    tabs = [
        _pack_table(domain_table.T, 16),
        _pack_table(author_table.T, 16),
        _pack_table(user_table.T, 16),
        _pack_table(item_table.T, 8),
    ]
    dom, auth, user, item = _sc_gather(idxs, tabs)

    scal = jnp.stack(
        [type_id.astype(jnp.float32),
         day_of_week_id.astype(jnp.float32),
         ((dom_id >> 13) & 7).astype(jnp.float32),
         ((auth_id >> 13) & 7).astype(jnp.float32),
         ((usr_id >> 13) & 7).astype(jnp.float32),
         ((itm_id >> 12) & 15).astype(jnp.float32),
         hour_of_day.astype(jnp.float32),
         karma.astype(jnp.float32),
         descendants.astype(jnp.float32)], axis=1)
    day_t8 = jnp.zeros((8, 4), day_table.dtype).at[:7].set(day_table)
    w1big = jnp.concatenate(
        [jnp.tile(W1[12:28], (8, 1)), jnp.tile(W1[28:44], (8, 1)),
         jnp.tile(W1[44:60], (8, 1)), jnp.tile(W1[60:68], (16, 1))],
        axis=0).astype(jnp.bfloat16)
    pt = (type_table @ W1[0:8]).astype(jnp.bfloat16)
    pd = (day_t8 @ W1[8:12]).astype(jnp.bfloat16)
    w1n = W1[68:71].astype(jnp.bfloat16)
    out = _tc_mlp(scal, dom, auth, user, item,
                  w1big, pt, pd, w1n,
                  b1.reshape(1, _HIDDEN), W2.reshape(1, _HIDDEN),
                  b2.reshape(1, 1))
    return out.reshape(_B)

# --- scband reference (transcript-rebuilt; emitter-appended) ---
"""Pipeline reference for scband-feature-fusion-regression-model-45956150067561 (READ-ONLY COPY).

The authoritative reference and input builder live on the scoring server;
editing this copy changes nothing except your own understanding.
"""

import jax, jax.numpy as jnp
import numpy as np

B = 16384
TYPE_V, DAY_V, DOMAIN_V, AUTHOR_V, USER_V, ITEM_V = 8, 7, 100000, 100000, 1000000, 1000000
TYPE_D, DAY_D, DOMAIN_D, AUTHOR_D, USER_D, ITEM_D = 8, 4, 16, 16, 16, 8
HIDDEN = 128
TOTAL_D = TYPE_D + DAY_D + DOMAIN_D + AUTHOR_D + USER_D + ITEM_D + 3


def setup_inputs(seed: int = 0) -> dict:
    key = jax.random.key(seed)
    ks = jax.random.split(key, 19)
    inp = {}
    inp['type_id'] = jax.random.randint(ks[0], (B,), 0, TYPE_V)
    inp['day_of_week_id'] = jax.random.randint(ks[1], (B,), 0, DAY_V)
    inp['domain_id'] = jax.random.randint(ks[2], (B,), 0, DOMAIN_V)
    inp['author_id'] = jax.random.randint(ks[3], (B,), 0, AUTHOR_V)
    inp['user_id'] = jax.random.randint(ks[4], (B,), 0, USER_V)
    inp['item_id'] = jax.random.randint(ks[5], (B,), 0, ITEM_V)
    inp['hour_of_day'] = jax.random.uniform(ks[6], (B,), dtype=jnp.float32)
    inp['karma'] = jax.random.normal(ks[7], (B,), dtype=jnp.float32)
    inp['descendants'] = jax.random.normal(ks[8], (B,), dtype=jnp.float32)
    # learned parameters
    inp['type_table'] = jax.random.normal(ks[9], (TYPE_V, TYPE_D), dtype=jnp.float32)
    inp['day_table'] = jax.random.normal(ks[10], (DAY_V, DAY_D), dtype=jnp.float32)
    inp['domain_table'] = jax.random.normal(ks[11], (DOMAIN_V, DOMAIN_D), dtype=jnp.float32)
    inp['author_table'] = jax.random.normal(ks[12], (AUTHOR_V, AUTHOR_D), dtype=jnp.float32)
    inp['user_table'] = jax.random.normal(ks[13], (USER_V, USER_D), dtype=jnp.float32)
    inp['item_table'] = jax.random.normal(ks[14], (ITEM_V, ITEM_D), dtype=jnp.float32)
    inp['W1'] = jax.random.normal(ks[15], (TOTAL_D, HIDDEN), dtype=jnp.float32) * 0.05
    inp['b1'] = jnp.zeros((HIDDEN,), dtype=jnp.float32)
    inp['W2'] = jax.random.normal(ks[16], (HIDDEN, 1), dtype=jnp.float32) * 0.05
    inp['b2'] = jnp.zeros((1,), dtype=jnp.float32)
    return inp


def reference(type_id, day_of_week_id, domain_id, author_id, user_id, item_id,
              hour_of_day, karma, descendants,
              type_table, day_table, domain_table, author_table, user_table, item_table,
              W1, b1, W2, b2):
    type_emb = jnp.take(type_table, type_id, axis=0)
    day_emb = jnp.take(day_table, day_of_week_id, axis=0)
    domain_emb = jnp.take(domain_table, domain_id, axis=0)
    author_emb = jnp.take(author_table, author_id, axis=0)
    user_emb = jnp.take(user_table, user_id, axis=0)
    item_emb = jnp.take(item_table, item_id, axis=0)
    num_feats = jnp.stack([hour_of_day.astype(jnp.float32),
                           karma.astype(jnp.float32),
                           descendants.astype(jnp.float32)], axis=1)
    x = jnp.concatenate([type_emb, day_emb, domain_emb, author_emb, user_emb, item_emb, num_feats], axis=1)
    h = jnp.maximum(x @ W1 + b1, 0.0)
    out = h @ W2 + b2
    return out.squeeze(-1)

if __name__ == "__main__":
    import jax
    _d = setup_inputs()
    print(jax.jit(kernel)(*tuple(_d.values())))

</pallas_src>

<mosaic_0001>
#map = affine_map<(d0, d1) -> (0, 0)>
module attributes {stable_mosaic.version = 14 : i64} {
  func.func @k(%arg0: i32, %arg1: i32, %arg2: memref<128x128xi32, #tpu.memory_space<hbm>>, %arg3: memref<128x128xi32, #tpu.memory_space<hbm>>, %arg4: memref<128x128xi32, #tpu.memory_space<hbm>>, %arg5: memref<128x128xi32, #tpu.memory_space<hbm>>, %arg6: memref<16384x128xf32, #tpu.memory_space<hbm>>, %arg7: memref<16384x128xf32, #tpu.memory_space<hbm>>, %arg8: memref<131072x128xf32, #tpu.memory_space<hbm>>, %arg9: memref<65536x128xf32, #tpu.memory_space<hbm>>, %arg10: memref<16384x128xf32, #tpu.memory_space<hbm>>, %arg11: memref<16384x128xf32, #tpu.memory_space<hbm>>, %arg12: memref<16384x128xf32, #tpu.memory_space<hbm>>, %arg13: memref<16384x128xf32, #tpu.memory_space<hbm>>, %arg14: memref<4x128xi32, #tpu.memory_space<vmem>>, %arg15: memref<4x128xi32, #tpu.memory_space<vmem>>, %arg16: memref<4x128xi32, #tpu.memory_space<vmem>>, %arg17: memref<4x128xi32, #tpu.memory_space<vmem>>, %arg18: memref<4x128x128xf32, #tpu.memory_space<vmem>>, %arg19: memref<4x!tpu.dma_semaphore, #tpu.memory_space<semaphore_mem>>, %arg20: memref<4x!tpu.dma_semaphore, #tpu.memory_space<semaphore_mem>>, %arg21: memref<!tpu.dma_semaphore, #tpu.memory_space<semaphore_mem>>) attributes {dimension_semantics = [#tpu.dimension_semantics<core_parallel>, #tpu.dimension_semantics<subcore_parallel>], iteration_bounds = array<i64: 2, 16>, scalar_prefetch = 0 : i64, scratch_operands = 8 : i64, tpu.core_type = #tpu.core_type<sc_vector_subcore>, window_params = [{transform_indices = #map}, {transform_indices = #map}, {transform_indices = #map}, {transform_indices = #map}, {transform_indices = #map}, {transform_indices = #map}, {transform_indices = #map}, {transform_indices = #map}, {transform_indices = #map}, {transform_indices = #map}, {transform_indices = #map}, {transform_indices = #map}]} {
    %mul3A = arith.constant 2 : i32
    %mul3A_0 = arith.muli %arg1, %mul3A : i32
    %add3A = arith.addi %mul3A_0, %arg0 : i32
    %mul3A_1 = arith.constant 512 : i32
    %mul3A_2 = arith.muli %add3A, %mul3A_1 : i32
    %mul3A_3 = arith.constant 4 : i32
    %mul3A_4 = arith.muli %add3A, %mul3A_3 : i32
    %dma_start3A = arith.constant 0 : i32
    %dma_start3A_5 = tpu.memref_slice %arg2[%mul3A_4, %dma_start3A] : memref<128x128xi32, #tpu.memory_space<hbm>> -> memref<4x128xi32, #tpu.memory_space<hbm>>
    %dma_start3A_6 = arith.constant 0 : i32
    %dma_start3A_7 = tpu.memref_slice %arg2[%mul3A_4, %dma_start3A_6] : memref<128x128xi32, #tpu.memory_space<hbm>> -> memref<4x128xi32, #tpu.memory_space<hbm>>
    tpu.enqueue_dma source(%dma_start3A_7 : memref<4x128xi32, #tpu.memory_space<hbm>>) target(%arg14 : memref<4x128xi32, #tpu.memory_space<vmem>>) target_semaphore(%arg21 : memref<!tpu.dma_semaphore, #tpu.memory_space<semaphore_mem>>)
    %dma_start3A_8 = arith.constant 0 : i32
    %dma_start3A_9 = tpu.memref_slice %arg3[%mul3A_4, %dma_start3A_8] : memref<128x128xi32, #tpu.memory_space<hbm>> -> memref<4x128xi32, #tpu.memory_space<hbm>>
    %dma_start3A_10 = arith.constant 0 : i32
    %dma_start3A_11 = tpu.memref_slice %arg3[%mul3A_4, %dma_start3A_10] : memref<128x128xi32, #tpu.memory_space<hbm>> -> memref<4x128xi32, #tpu.memory_space<hbm>>
    tpu.enqueue_dma source(%dma_start3A_11 : memref<4x128xi32, #tpu.memory_space<hbm>>) target(%arg15 : memref<4x128xi32, #tpu.memory_space<vmem>>) target_semaphore(%arg21 : memref<!tpu.dma_semaphore, #tpu.memory_space<semaphore_mem>>)
    %dma_start3A_12 = arith.constant 0 : i32
    %dma_start3A_13 = tpu.memref_slice %arg4[%mul3A_4, %dma_start3A_12] : memref<128x128xi32, #tpu.memory_space<hbm>> -> memref<4x128xi32, #tpu.memory_space<hbm>>
    %dma_start3A_14 = arith.constant 0 : i32
    %dma_start3A_15 = tpu.memref_slice %arg4[%mul3A_4, %dma_start3A_14] : memref<128x128xi32, #tpu.memory_space<hbm>> -> memref<4x128xi32, #tpu.memory_space<hbm>>
    tpu.enqueue_dma source(%dma_start3A_15 : memref<4x128xi32, #tpu.memory_space<hbm>>) target(%arg16 : memref<4x128xi32, #tpu.memory_space<vmem>>) target_semaphore(%arg21 : memref<!tpu.dma_semaphore, #tpu.memory_space<semaphore_mem>>)
    %dma_start3A_16 = arith.constant 0 : i32
    %dma_start3A_17 = tpu.memref_slice %arg5[%mul3A_4, %dma_start3A_16] : memref<128x128xi32, #tpu.memory_space<hbm>> -> memref<4x128xi32, #tpu.memory_space<hbm>>
    %dma_start3A_18 = arith.constant 0 : i32
    %dma_start3A_19 = tpu.memref_slice %arg5[%mul3A_4, %dma_start3A_18] : memref<128x128xi32, #tpu.memory_space<hbm>> -> memref<4x128xi32, #tpu.memory_space<hbm>>
    tpu.enqueue_dma source(%dma_start3A_19 : memref<4x128xi32, #tpu.memory_space<hbm>>) target(%arg17 : memref<4x128xi32, #tpu.memory_space<vmem>>) target_semaphore(%arg21 : memref<!tpu.dma_semaphore, #tpu.memory_space<semaphore_mem>>)
    %dma_wait3A = arith.constant 0 : i32
    %dma_wait3A_20 = tpu.memref_slice %arg2[%mul3A_4, %dma_wait3A] : memref<128x128xi32, #tpu.memory_space<hbm>> -> memref<4x128xi32, #tpu.memory_space<hbm>>
    %dma_wait3A_21 = arith.constant 0 : i32
    %dma_wait3A_22 = tpu.memref_slice %arg2[%mul3A_4, %dma_wait3A_21] : memref<128x128xi32, #tpu.memory_space<hbm>> -> memref<4x128xi32, #tpu.memory_space<hbm>>
    tpu.wait_dma2 semaphore(%arg21 : memref<!tpu.dma_semaphore, #tpu.memory_space<semaphore_mem>>) src(%dma_wait3A_22 : memref<4x128xi32, #tpu.memory_space<hbm>>) dst(%arg14 : memref<4x128xi32, #tpu.memory_space<vmem>>)
    %dma_wait3A_23 = arith.constant 0 : i32
    %dma_wait3A_24 = tpu.memref_slice %arg3[%mul3A_4, %dma_wait3A_23] : memref<128x128xi32, #tpu.memory_space<hbm>> -> memref<4x128xi32, #tpu.memory_space<hbm>>
    %dma_wait3A_25 = arith.constant 0 : i32
    %dma_wait3A_26 = tpu.memref_slice %arg3[%mul3A_4, %dma_wait3A_25] : memref<128x128xi32, #tpu.memory_space<hbm>> -> memref<4x128xi32, #tpu.memory_space<hbm>>
    tpu.wait_dma2 semaphore(%arg21 : memref<!tpu.dma_semaphore, #tpu.memory_space<semaphore_mem>>) src(%dma_wait3A_26 : memref<4x128xi32, #tpu.memory_space<hbm>>) dst(%arg15 : memref<4x128xi32, #tpu.memory_space<vmem>>)
    %dma_wait3A_27 = arith.constant 0 : i32
    %dma_wait3A_28 = tpu.memref_slice %arg4[%mul3A_4, %dma_wait3A_27] : memref<128x128xi32, #tpu.memory_space<hbm>> -> memref<4x128xi32, #tpu.memory_space<hbm>>
    %dma_wait3A_29 = arith.constant 0 : i32
    %dma_wait3A_30 = tpu.memref_slice %arg4[%mul3A_4, %dma_wait3A_29] : memref<128x128xi32, #tpu.memory_space<hbm>> -> memref<4x128xi32, #tpu.memory_space<hbm>>
    tpu.wait_dma2 semaphore(%arg21 : memref<!tpu.dma_semaphore, #tpu.memory_space<semaphore_mem>>) src(%dma_wait3A_30 : memref<4x128xi32, #tpu.memory_space<hbm>>) dst(%arg16 : memref<4x128xi32, #tpu.memory_space<vmem>>)
    %dma_wait3A_31 = arith.constant 0 : i32
    %dma_wait3A_32 = tpu.memref_slice %arg5[%mul3A_4, %dma_wait3A_31] : memref<128x128xi32, #tpu.memory_space<hbm>> -> memref<4x128xi32, #tpu.memory_space<hbm>>
    %dma_wait3A_33 = arith.constant 0 : i32
    %dma_wait3A_34 = tpu.memref_slice %arg5[%mul3A_4, %dma_wait3A_33] : memref<128x128xi32, #tpu.memory_space<hbm>> -> memref<4x128xi32, #tpu.memory_space<hbm>>
    tpu.wait_dma2 semaphore(%arg21 : memref<!tpu.dma_semaphore, #tpu.memory_space<semaphore_mem>>) src(%dma_wait3A_34 : memref<4x128xi32, #tpu.memory_space<hbm>>) dst(%arg17 : memref<4x128xi32, #tpu.memory_space<vmem>>)
    %dma_start3A_35 = arith.constant 0 : i32
    %dma_start3A_36 = arith.constant 0 : i32
    %dma_start3A_37 = arith.constant 0 : i32
    %dma_start3A_38 = arith.constant 0 : i32
    %dma_start3A_39 = arith.constant 0 : i32
    %dma_start3A_40 = tpu.memref_slice %arg18[%dma_start3A_36, %dma_start3A_38, %dma_start3A_39] : memref<4x128x128xf32, #tpu.memory_space<vmem>> -> memref<1x128x128xf32, #tpu.memory_space<vmem>>
    %dma_start3A_41 = tpu.memref_squeeze %dma_start3A_40 : memref<1x128x128xf32, #tpu.memory_space<vmem>> -> memref<128x128xf32, #tpu.memory_space<vmem>>
    %dma_start3A_42 = arith.constant 0 : i32
    %dma_start3A_43 = tpu.memref_slice %arg14[%dma_start3A_35, %dma_start3A_42] : memref<4x128xi32, #tpu.memory_space<vmem>> -> memref<1x128xi32, #tpu.memory_space<vmem>>
    %dma_start3A_44 = tpu.memref_squeeze %dma_start3A_43 : memref<1x128xi32, #tpu.memory_space<vmem>> -> memref<128xi32, #tpu.memory_space<vmem>>
    %dma_start3A_45 = arith.constant 0 : i32
    %dma_start3A_46 = arith.constant 0 : i32
    %dma_start3A_47 = tpu.memref_slice %arg6[%dma_start3A_45, %dma_start3A_46] : memref<16384x128xf32, #tpu.memory_space<hbm>> -> memref<16384x128xf32, #tpu.memory_space<hbm>>
    %dma_start3A_48 = tpu.memref_slice %arg19[%dma_start3A_37] : memref<4x!tpu.dma_semaphore, #tpu.memory_space<semaphore_mem>> -> memref<1x!tpu.dma_semaphore, #tpu.memory_space<semaphore_mem>>
    %dma_start3A_49 = tpu.memref_squeeze %dma_start3A_48 : memref<1x!tpu.dma_semaphore, #tpu.memory_space<semaphore_mem>> -> memref<!tpu.dma_semaphore, #tpu.memory_space<semaphore_mem>>
    tpu.enqueue_indirect_dma source(%dma_start3A_47 : memref<16384x128xf32, #tpu.memory_space<hbm>>) target(%dma_start3A_41 : memref<128x128xf32, #tpu.memory_space<vmem>>) offsets(%dma_start3A_44 : memref<128xi32, #tpu.memory_space<vmem>>) semaphore(%dma_start3A_49 : memref<!tpu.dma_semaphore, #tpu.memory_space<semaphore_mem>>)
    %dma_start3A_50 = arith.constant 1 : i32
    %dma_start3A_51 = arith.constant 1 : i32
    %dma_start3A_52 = arith.constant 1 : i32
    %dma_start3A_53 = arith.constant 0 : i32
    %dma_start3A_54 = arith.constant 0 : i32
    %dma_start3A_55 = tpu.memref_slice %arg18[%dma_start3A_51, %dma_start3A_53, %dma_start3A_54] : memref<4x128x128xf32, #tpu.memory_space<vmem>> -> memref<1x128x128xf32, #tpu.memory_space<vmem>>
    %dma_start3A_56 = tpu.memref_squeeze %dma_start3A_55 : memref<1x128x128xf32, #tpu.memory_space<vmem>> -> memref<128x128xf32, #tpu.memory_space<vmem>>
    %dma_start3A_57 = arith.constant 0 : i32
    %dma_start3A_58 = tpu.memref_slice %arg14[%dma_start3A_50, %dma_start3A_57] : memref<4x128xi32, #tpu.memory_space<vmem>> -> memref<1x128xi32, #tpu.memory_space<vmem>>
    %dma_start3A_59 = tpu.memref_squeeze %dma_start3A_58 : memref<1x128xi32, #tpu.memory_space<vmem>> -> memref<128xi32, #tpu.memory_space<vmem>>
    %dma_start3A_60 = arith.constant 0 : i32
    %dma_start3A_61 = arith.constant 0 : i32
    %dma_start3A_62 = tpu.memref_slice %arg6[%dma_start3A_60, %dma_start3A_61] : memref<16384x128xf32, #tpu.memory_space<hbm>> -> memref<16384x128xf32, #tpu.memory_space<hbm>>
    %dma_start3A_63 = tpu.memref_slice %arg19[%dma_start3A_52] : memref<4x!tpu.dma_semaphore, #tpu.memory_space<semaphore_mem>> -> memref<1x!tpu.dma_semaphore, #tpu.memory_space<semaphore_mem>>
    %dma_start3A_64 = tpu.memref_squeeze %dma_start3A_63 : memref<1x!tpu.dma_semaphore, #tpu.memory_space<semaphore_mem>> -> memref<!tpu.dma_semaphore, #tpu.memory_space<semaphore_mem>>
    tpu.enqueue_indirect_dma source(%dma_start3A_62 : memref<16384x128xf32, #tpu.memory_space<hbm>>) target(%dma_start3A_56 : memref<128x128xf32, #tpu.memory_space<vmem>>) offsets(%dma_start3A_59 : memref<128xi32, #tpu.memory_space<vmem>>) semaphore(%dma_start3A_64 : memref<!tpu.dma_semaphore, #tpu.memory_space<semaphore_mem>>)
    %dma_start3A_65 = arith.constant 2 : i32
    %dma_start3A_66 = arith.constant 2 : i32
    %dma_start3A_67 = arith.constant 2 : i32
    %dma_start3A_68 = arith.constant 0 : i32
    %dma_start3A_69 = arith.constant 0 : i32
    %dma_start3A_70 = tpu.memref_slice %arg18[%dma_start3A_66, %dma_start3A_68, %dma_start3A_69] : memref<4x128x128xf32, #tpu.memory_space<vmem>> -> memref<1x128x128xf32, #tpu.memory_space<vmem>>
    %dma_start3A_71 = tpu.memref_squeeze %dma_start3A_70 : memref<1x128x128xf32, #tpu.memory_space<vmem>> -> memref<128x128xf32, #tpu.memory_space<vmem>>
    %dma_start3A_72 = arith.constant 0 : i32
    %dma_start3A_73 = tpu.memref_slice %arg14[%dma_start3A_65, %dma_start3A_72] : memref<4x128xi32, #tpu.memory_space<vmem>> -> memref<1x128xi32, #tpu.memory_space<vmem>>
    %dma_start3A_74 = tpu.memref_squeeze %dma_start3A_73 : memref<1x128xi32, #tpu.memory_space<vmem>> -> memref<128xi32, #tpu.memory_space<vmem>>
    %dma_start3A_75 = arith.constant 0 : i32
    %dma_start3A_76 = arith.constant 0 : i32
    %dma_start3A_77 = tpu.memref_slice %arg6[%dma_start3A_75, %dma_start3A_76] : memref<16384x128xf32, #tpu.memory_space<hbm>> -> memref<16384x128xf32, #tpu.memory_space<hbm>>
    %dma_start3A_78 = tpu.memref_slice %arg19[%dma_start3A_67] : memref<4x!tpu.dma_semaphore, #tpu.memory_space<semaphore_mem>> -> memref<1x!tpu.dma_semaphore, #tpu.memory_space<semaphore_mem>>
    %dma_start3A_79 = tpu.memref_squeeze %dma_start3A_78 : memref<1x!tpu.dma_semaphore, #tpu.memory_space<semaphore_mem>> -> memref<!tpu.dma_semaphore, #tpu.memory_space<semaphore_mem>>
    tpu.enqueue_indirect_dma source(%dma_start3A_77 : memref<16384x128xf32, #tpu.memory_space<hbm>>) target(%dma_start3A_71 : memref<128x128xf32, #tpu.memory_space<vmem>>) offsets(%dma_start3A_74 : memref<128xi32, #tpu.memory_space<vmem>>) semaphore(%dma_start3A_79 : memref<!tpu.dma_semaphore, #tpu.memory_space<semaphore_mem>>)
    %dma_start3A_80 = arith.constant 3 : i32
    %dma_start3A_81 = arith.constant 3 : i32
    %dma_start3A_82 = arith.constant 3 : i32
    %dma_start3A_83 = arith.constant 0 : i32
    %dma_start3A_84 = arith.constant 0 : i32
    %dma_start3A_85 = tpu.memref_slice %arg18[%dma_start3A_81, %dma_start3A_83, %dma_start3A_84] : memref<4x128x128xf32, #tpu.memory_space<vmem>> -> memref<1x128x128xf32, #tpu.memory_space<vmem>>
    %dma_start3A_86 = tpu.memref_squeeze %dma_start3A_85 : memref<1x128x128xf32, #tpu.memory_space<vmem>> -> memref<128x128xf32, #tpu.memory_space<vmem>>
    %dma_start3A_87 = arith.constant 0 : i32
    %dma_start3A_88 = tpu.memref_slice %arg14[%dma_start3A_80, %dma_start3A_87] : memref<4x128xi32, #tpu.memory_space<vmem>> -> memref<1x128xi32, #tpu.memory_space<vmem>>
    %dma_start3A_89 = tpu.memref_squeeze %dma_start3A_88 : memref<1x128xi32, #tpu.memory_space<vmem>> -> memref<128xi32, #tpu.memory_space<vmem>>
    %dma_start3A_90 = arith.constant 0 : i32
    %dma_start3A_91 = arith.constant 0 : i32
    %dma_start3A_92 = tpu.memref_slice %arg6[%dma_start3A_90, %dma_start3A_91] : memref<16384x128xf32, #tpu.memory_space<hbm>> -> memref<16384x128xf32, #tpu.memory_space<hbm>>
    %dma_start3A_93 = tpu.memref_slice %arg19[%dma_start3A_82] : memref<4x!tpu.dma_semaphore, #tpu.memory_space<semaphore_mem>> -> memref<1x!tpu.dma_semaphore, #tpu.memory_space<semaphore_mem>>
    %dma_start3A_94 = tpu.memref_squeeze %dma_start3A_93 : memref<1x!tpu.dma_semaphore, #tpu.memory_space<semaphore_mem>> -> memref<!tpu.dma_semaphore, #tpu.memory_space<semaphore_mem>>
    tpu.enqueue_indirect_dma source(%dma_start3A_92 : memref<16384x128xf32, #tpu.memory_space<hbm>>) target(%dma_start3A_86 : memref<128x128xf32, #tpu.memory_space<vmem>>) offsets(%dma_start3A_89 : memref<128xi32, #tpu.memory_space<vmem>>) semaphore(%dma_start3A_94 : memref<!tpu.dma_semaphore, #tpu.memory_space<semaphore_mem>>)
    %dma_wait3A_95 = arith.constant 0 : i32
    %dma_wait3A_96 = arith.constant 0 : i32
    %dma_wait3A_97 = arith.constant 0 : i32
    %dma_wait3A_98 = arith.constant 0 : i32
    %dma_wait3A_99 = arith.constant 0 : i32
    %dma_wait3A_100 = tpu.memref_slice %arg18[%dma_wait3A_96, %dma_wait3A_98, %dma_wait3A_99] : memref<4x128x128xf32, #tpu.memory_space<vmem>> -> memref<1x128x128xf32, #tpu.memory_space<vmem>>
    %dma_wait3A_101 = tpu.memref_squeeze %dma_wait3A_100 : memref<1x128x128xf32, #tpu.memory_space<vmem>> -> memref<128x128xf32, #tpu.memory_space<vmem>>
    %dma_wait3A_102 = arith.constant 0 : i32
    %dma_wait3A_103 = tpu.memref_slice %arg14[%dma_wait3A_95, %dma_wait3A_102] : memref<4x128xi32, #tpu.memory_space<vmem>> -> memref<1x128xi32, #tpu.memory_space<vmem>>
    %dma_wait3A_104 = tpu.memref_squeeze %dma_wait3A_103 : memref<1x128xi32, #tpu.memory_space<vmem>> -> memref<128xi32, #tpu.memory_space<vmem>>
    %dma_wait3A_105 = arith.constant 0 : i32
    %dma_wait3A_106 = arith.constant 0 : i32
    %dma_wait3A_107 = tpu.memref_slice %arg6[%dma_wait3A_105, %dma_wait3A_106] : memref<16384x128xf32, #tpu.memory_space<hbm>> -> memref<16384x128xf32, #tpu.memory_space<hbm>>
    %dma_wait3A_108 = tpu.memref_slice %arg19[%dma_wait3A_97] : memref<4x!tpu.dma_semaphore, #tpu.memory_space<semaphore_mem>> -> memref<1x!tpu.dma_semaphore, #tpu.memory_space<semaphore_mem>>
    %dma_wait3A_109 = tpu.memref_squeeze %dma_wait3A_108 : memref<1x!tpu.dma_semaphore, #tpu.memory_space<semaphore_mem>> -> memref<!tpu.dma_semaphore, #tpu.memory_space<semaphore_mem>>
    tpu.wait_indirect_dma semaphore(%dma_wait3A_109 : memref<!tpu.dma_semaphore, #tpu.memory_space<semaphore_mem>>) src(%dma_wait3A_107 : memref<16384x128xf32, #tpu.memory_space<hbm>>) dst(%dma_wait3A_101 : memref<128x128xf32, #tpu.memory_space<vmem>>)
    %add3A_110 = arith.constant 0 : i32
    %add3A_111 = arith.addi %mul3A_2, %add3A_110 : i32
    %dma_start3A_112 = arith.constant 0 : i32
    %dma_start3A_113 = arith.constant 0 : i32
    %dma_start3A_114 = arith.constant 0 : i32
    %dma_start3A_115 = arith.constant 0 : i32
    %dma_start3A_116 = tpu.memref_slice %arg18[%dma_start3A_112, %dma_start3A_114, %dma_start3A_115] : memref<4x128x128xf32, #tpu.memory_space<vmem>> -> memref<1x128x128xf32, #tpu.memory_space<vmem>>
    %dma_start3A_117 = tpu.memref_squeeze %dma_start3A_116 : memref<1x128x128xf32, #tpu.memory_space<vmem>> -> memref<128x128xf32, #tpu.memory_space<vmem>>
    %dma_start3A_118 = arith.constant 0 : i32
    %dma_start3A_119 = tpu.memref_slice %arg10[%add3A_111, %dma_start3A_118] : memref<16384x128xf32, #tpu.memory_space<hbm>> -> memref<128x128xf32, #tpu.memory_space<hbm>>
    %dma_start3A_120 = tpu.memref_slice %arg20[%dma_start3A_113] : memref<4x!tpu.dma_semaphore, #tpu.memory_space<semaphore_mem>> -> memref<1x!tpu.dma_semaphore, #tpu.memory_space<semaphore_mem>>
    %dma_start3A_121 = tpu.memref_squeeze %dma_start3A_120 : memref<1x!tpu.dma_semaphore, #tpu.memory_space<semaphore_mem>> -> memref<!tpu.dma_semaphore, #tpu.memory_space<semaphore_mem>>
    %dma_start3A_122 = arith.constant 0 : i32
    %dma_start3A_123 = tpu.memref_slice %arg10[%add3A_111, %dma_start3A_122] : memref<16384x128xf32, #tpu.memory_space<hbm>> -> memref<128x128xf32, #tpu.memory_space<hbm>>
    %dma_start3A_124 = arith.constant 0 : i32
    %dma_start3A_125 = arith.constant 0 : i32
    %dma_start3A_126 = tpu.memref_slice %arg18[%dma_start3A_112, %dma_start3A_124, %dma_start3A_125] : memref<4x128x128xf32, #tpu.memory_space<vmem>> -> memref<1x128x128xf32, #tpu.memory_space<vmem>>
    %dma_start3A_127 = tpu.memref_squeeze %dma_start3A_126 : memref<1x128x128xf32, #tpu.memory_space<vmem>> -> memref<128x128xf32, #tpu.memory_space<vmem>>
    tpu.enqueue_dma source(%dma_start3A_127 : memref<128x128xf32, #tpu.memory_space<vmem>>) target(%dma_start3A_123 : memref<128x128xf32, #tpu.memory_space<hbm>>) target_semaphore(%dma_start3A_121 : memref<!tpu.dma_semaphore, #tpu.memory_space<semaphore_mem>>)
    %dma_wait3A_128 = arith.constant 0 : i32
    %dma_wait3A_129 = arith.constant 0 : i32
    %dma_wait3A_130 = arith.constant 0 : i32
    %dma_wait3A_131 = arith.constant 0 : i32
    %dma_wait3A_132 = tpu.memref_slice %arg18[%dma_wait3A_128, %dma_wait3A_130, %dma_wait3A_131] : memref<4x128x128xf32, #tpu.memory_space<vmem>> -> memref<1x128x128xf32, #tpu.memory_space<vmem>>
    %dma_wait3A_133 = tpu.memref_squeeze %dma_wait3A_132 : memref<1x128x128xf32, #tpu.memory_space<vmem>> -> memref<128x128xf32, #tpu.memory_space<vmem>>
    %dma_wait3A_134 = arith.constant 0 : i32
    %dma_wait3A_135 = tpu.memref_slice %arg10[%add3A_111, %dma_wait3A_134] : memref<16384x128xf32, #tpu.memory_space<hbm>> -> memref<128x128xf32, #tpu.memory_space<hbm>>
    %dma_wait3A_136 = tpu.memref_slice %arg20[%dma_wait3A_129] : memref<4x!tpu.dma_semaphore, #tpu.memory_space<semaphore_mem>> -> memref<1x!tpu.dma_semaphore, #tpu.memory_space<semaphore_mem>>
    %dma_wait3A_137 = tpu.memref_squeeze %dma_wait3A_136 : memref<1x!tpu.dma_semaphore, #tpu.memory_space<semaphore_mem>> -> memref<!tpu.dma_semaphore, #tpu.memory_space<semaphore_mem>>
    %dma_wait3A_138 = arith.constant 0 : i32
    %dma_wait3A_139 = tpu.memref_slice %arg10[%add3A_111, %dma_wait3A_138] : memref<16384x128xf32, #tpu.memory_space<hbm>> -> memref<128x128xf32, #tpu.memory_space<hbm>>
    %dma_wait3A_140 = arith.constant 0 : i32
    %dma_wait3A_141 = arith.constant 0 : i32
    %dma_wait3A_142 = tpu.memref_slice %arg18[%dma_wait3A_128, %dma_wait3A_140, %dma_wait3A_141] : memref<4x128x128xf32, #tpu.memory_space<vmem>> -> memref<1x128x128xf32, #tpu.memory_space<vmem>>
    %dma_wait3A_143 = tpu.memref_squeeze %dma_wait3A_142 : memref<1x128x128xf32, #tpu.memory_space<vmem>> -> memref<128x128xf32, #tpu.memory_space<vmem>>
    tpu.wait_dma2 semaphore(%dma_wait3A_137 : memref<!tpu.dma_semaphore, #tpu.memory_space<semaphore_mem>>) src(%dma_wait3A_143 : memref<128x128xf32, #tpu.memory_space<vmem>>) dst(%dma_wait3A_139 : memref<128x128xf32, #tpu.memory_space<hbm>>)
    %dma_start3A_144 = arith.constant 0 : i32
    %dma_start3A_145 = arith.constant 0 : i32
    %dma_start3A_146 = arith.constant 0 : i32
    %dma_start3A_147 = arith.constant 0 : i32
    %dma_start3A_148 = arith.constant 0 : i32
    %dma_start3A_149 = tpu.memref_slice %arg18[%dma_start3A_145, %dma_start3A_147, %dma_start3A_148] : memref<4x128x128xf32, #tpu.memory_space<vmem>> -> memref<1x128x128xf32, #tpu.memory_space<vmem>>
    %dma_start3A_150 = tpu.memref_squeeze %dma_start3A_149 : memref<1x128x128xf32, #tpu.memory_space<vmem>> -> memref<128x128xf32, #tpu.memory_space<vmem>>
    %dma_start3A_151 = arith.constant 0 : i32
    %dma_start3A_152 = tpu.memref_slice %arg15[%dma_start3A_144, %dma_start3A_151] : memref<4x128xi32, #tpu.memory_space<vmem>> -> memref<1x128xi32, #tpu.memory_space<vmem>>
    %dma_start3A_153 = tpu.memref_squeeze %dma_start3A_152 : memref<1x128xi32, #tpu.memory_space<vmem>> -> memref<128xi32, #tpu.memory_space<vmem>>
    %dma_start3A_154 = arith.constant 0 : i32
    %dma_start3A_155 = arith.constant 0 : i32
    %dma_start3A_156 = tpu.memref_slice %arg7[%dma_start3A_154, %dma_start3A_155] : memref<16384x128xf32, #tpu.memory_space<hbm>> -> memref<16384x128xf32, #tpu.memory_space<hbm>>
    %dma_start3A_157 = tpu.memref_slice %arg19[%dma_start3A_146] : memref<4x!tpu.dma_semaphore, #tpu.memory_space<semaphore_mem>> -> memref<1x!tpu.dma_semaphore, #tpu.memory_space<semaphore_mem>>
    %dma_start3A_158 = tpu.memref_squeeze %dma_start3A_157 : memref<1x!tpu.dma_semaphore, #tpu.memory_space<semaphore_mem>> -> memref<!tpu.dma_semaphore, #tpu.memory_space<semaphore_mem>>
    tpu.enqueue_indirect_dma source(%dma_start3A_156 : memref<16384x128xf32, #tpu.memory_space<hbm>>) target(%dma_start3A_150 : memref<128x128xf32, #tpu.memory_space<vmem>>) offsets(%dma_start3A_153 : memref<128xi32, #tpu.memory_space<vmem>>) semaphore(%dma_start3A_158 : memref<!tpu.dma_semaphore, #tpu.memory_space<semaphore_mem>>)
    %dma_wait3A_159 = arith.constant 1 : i32
    %dma_wait3A_160 = arith.constant 1 : i32
    %dma_wait3A_161 = arith.constant 1 : i32
    %dma_wait3A_162 = arith.constant 0 : i32
    %dma_wait3A_163 = arith.constant 0 : i32
    %dma_wait3A_164 = tpu.memref_slice %arg18[%dma_wait3A_160, %dma_wait3A_162, %dma_wait3A_163] : memref<4x128x128xf32, #tpu.memory_space<vmem>> -> memref<1x128x128xf32, #tpu.memory_space<vmem>>
    %dma_wait3A_165 = tpu.memref_squeeze %dma_wait3A_164 : memref<1x128x128xf32, #tpu.memory_space<vmem>> -> memref<128x128xf32, #tpu.memory_space<vmem>>
    %dma_wait3A_166 = arith.constant 0 : i32
    %dma_wait3A_167 = tpu.memref_slice %arg14[%dma_wait3A_159, %dma_wait3A_166] : memref<4x128xi32, #tpu.memory_space<vmem>> -> memref<1x128xi32, #tpu.memory_space<vmem>>
    %dma_wait3A_168 = tpu.memref_squeeze %dma_wait3A_167 : memref<1x128xi32, #tpu.memory_space<vmem>> -> memref<128xi32, #tpu.memory_space<vmem>>
    %dma_wait3A_169 = arith.constant 0 : i32
    %dma_wait3A_170 = arith.constant 0 : i32
    %dma_wait3A_171 = tpu.memref_slice %arg6[%dma_wait3A_169, %dma_wait3A_170] : memref<16384x128xf32, #tpu.memory_space<hbm>> -> memref<16384x128xf32, #tpu.memory_space<hbm>>
    %dma_wait3A_172 = tpu.memref_slice %arg19[%dma_wait3A_161] : memref<4x!tpu.dma_semaphore, #tpu.memory_space<semaphore_mem>> -> memref<1x!tpu.dma_semaphore, #tpu.memory_space<semaphore_mem>>
    %dma_wait3A_173 = tpu.memref_squeeze %dma_wait3A_172 : memref<1x!tpu.dma_semaphore, #tpu.memory_space<semaphore_mem>> -> memref<!tpu.dma_semaphore, #tpu.memory_space<semaphore_mem>>
    tpu.wait_indirect_dma semaphore(%dma_wait3A_173 : memref<!tpu.dma_semaphore, #tpu.memory_space<semaphore_mem>>) src(%dma_wait3A_171 : memref<16384x128xf32, #tpu.memory_space<hbm>>) dst(%dma_wait3A_165 : memref<128x128xf32, #tpu.memory_space<vmem>>)
    %add3A_174 = arith.constant 128 : i32
    %add3A_175 = arith.addi %mul3A_2, %add3A_174 : i32
    %dma_start3A_176 = arith.constant 1 : i32
    %dma_start3A_177 = arith.constant 1 : i32
    %dma_start3A_178 = arith.constant 0 : i32
    %dma_start3A_179 = arith.constant 0 : i32
    %dma_start3A_180 = tpu.memref_slice %arg18[%dma_start3A_176, %dma_start3A_178, %dma_start3A_179] : memref<4x128x128xf32, #tpu.memory_space<vmem>> -> memref<1x128x128xf32, #tpu.memory_space<vmem>>
    %dma_start3A_181 = tpu.memref_squeeze %dma_start3A_180 : memref<1x128x128xf32, #tpu.memory_space<vmem>> -> memref<128x128xf32, #tpu.memory_space<vmem>>
    %dma_start3A_182 = arith.constant 0 : i32
    %dma_start3A_183 = tpu.memref_slice %arg10[%add3A_175, %dma_start3A_182] : memref<16384x128xf32, #tpu.memory_space<hbm>> -> memref<128x128xf32, #tpu.memory_space<hbm>>
    %dma_start3A_184 = tpu.memref_slice %arg20[%dma_start3A_177] : memref<4x!tpu.dma_semaphore, #tpu.memory_space<semaphore_mem>> -> memref<1x!tpu.dma_semaphore, #tpu.memory_space<semaphore_mem>>
    %dma_start3A_185 = tpu.memref_squeeze %dma_start3A_184 : memref<1x!tpu.dma_semaphore, #tpu.memory_space<semaphore_mem>> -> memref<!tpu.dma_semaphore, #tpu.memory_space<semaphore_mem>>
    %dma_start3A_186 = arith.constant 0 : i32
    %dma_start3A_187 = tpu.memref_slice %arg10[%add3A_175, %dma_start3A_186] : memref<16384x128xf32, #tpu.memory_space<hbm>> -> memref<128x128xf32, #tpu.memory_space<hbm>>
    %dma_start3A_188 = arith.constant 0 : i32
    %dma_start3A_189 = arith.constant 0 : i32
    %dma_start3A_190 = tpu.memref_slice %arg18[%dma_start3A_176, %dma_start3A_188, %dma_start3A_189] : memref<4x128x128xf32, #tpu.memory_space<vmem>> -> memref<1x128x128xf32, #tpu.memory_space<vmem>>
    %dma_start3A_191 = tpu.memref_squeeze %dma_start3A_190 : memref<1x128x128xf32, #tpu.memory_space<vmem>> -> memref<128x128xf32, #tpu.memory_space<vmem>>
    tpu.enqueue_dma source(%dma_start3A_191 : memref<128x128xf32, #tpu.memory_space<vmem>>) target(%dma_start3A_187 : memref<128x128xf32, #tpu.memory_space<hbm>>) target_semaphore(%dma_start3A_185 : memref<!tpu.dma_semaphore, #tpu.memory_space<semaphore_mem>>)
    %dma_wait3A_192 = arith.constant 1 : i32
    %dma_wait3A_193 = arith.constant 1 : i32
    %dma_wait3A_194 = arith.constant 0 : i32
    %dma_wait3A_195 = arith.constant 0 : i32
    %dma_wait3A_196 = tpu.memref_slice %arg18[%dma_wait3A_192, %dma_wait3A_194, %dma_wait3A_195] : memref<4x128x128xf32, #tpu.memory_space<vmem>> -> memref<1x128x128xf32, #tpu.memory_space<vmem>>
    %dma_wait3A_197 = tpu.memref_squeeze %dma_wait3A_196 : memref<1x128x128xf32, #tpu.memory_space<vmem>> -> memref<128x128xf32, #tpu.memory_space<vmem>>
    %dma_wait3A_198 = arith.constant 0 : i32
    %dma_wait3A_199 = tpu.memref_slice %arg10[%add3A_175, %dma_wait3A_198] : memref<16384x128xf32, #tpu.memory_space<hbm>> -> memref<128x128xf32, #tpu.memory_space<hbm>>
    %dma_wait3A_200 = tpu.memref_slice %arg20[%dma_wait3A_193] : memref<4x!tpu.dma_semaphore, #tpu.memory_space<semaphore_mem>> -> memref<1x!tpu.dma_semaphore, #tpu.memory_space<semaphore_mem>>
    %dma_wait3A_201 = tpu.memref_squeeze %dma_wait3A_200 : memref<1x!tpu.dma_semaphore, #tpu.memory_space<semaphore_mem>> -> memref<!tpu.dma_semaphore, #tpu.memory_space<semaphore_mem>>
    %dma_wait3A_202 = arith.constant 0 : i32
    %dma_wait3A_203 = tpu.memref_slice %arg10[%add3A_175, %dma_wait3A_202] : memref<16384x128xf32, #tpu.memory_space<hbm>> -> memref<128x128xf32, #tpu.memory_space<hbm>>
    %dma_wait3A_204 = arith.constant 0 : i32
    %dma_wait3A_205 = arith.constant 0 : i32
    %dma_wait3A_206 = tpu.memref_slice %arg18[%dma_wait3A_192, %dma_wait3A_204, %dma_wait3A_205] : memref<4x128x128xf32, #tpu.memory_space<vmem>> -> memref<1x128x128xf32, #tpu.memory_space<vmem>>
    %dma_wait3A_207 = tpu.memref_squeeze %dma_wait3A_206 : memref<1x128x128xf32, #tpu.memory_space<vmem>> -> memref<128x128xf32, #tpu.memory_space<vmem>>
    tpu.wait_dma2 semaphore(%dma_wait3A_201 : memref<!tpu.dma_semaphore, #tpu.memory_space<semaphore_mem>>) src(%dma_wait3A_207 : memref<128x128xf32, #tpu.memory_space<vmem>>) dst(%dma_wait3A_203 : memref<128x128xf32, #tpu.memory_space<hbm>>)
    %dma_start3A_208 = arith.constant 1 : i32
    %dma_start3A_209 = arith.constant 1 : i32
    %dma_start3A_210 = arith.constant 1 : i32
    %dma_start3A_211 = arith.constant 0 : i32
    %dma_start3A_212 = arith.constant 0 : i32
    %dma_start3A_213 = tpu.memref_slice %arg18[%dma_start3A_209, %dma_start3A_211, %dma_start3A_212] : memref<4x128x128xf32, #tpu.memory_space<vmem>> -> memref<1x128x128xf32, #tpu.memory_space<vmem>>
    %dma_start3A_214 = tpu.memref_squeeze %dma_start3A_213 : memref<1x128x128xf32, #tpu.memory_space<vmem>> -> memref<128x128xf32, #tpu.memory_space<vmem>>
    %dma_start3A_215 = arith.constant 0 : i32
    %dma_start3A_216 = tpu.memref_slice %arg15[%dma_start3A_208, %dma_start3A_215] : memref<4x128xi32, #tpu.memory_space<vmem>> -> memref<1x128xi32, #tpu.memory_space<vmem>>
    %dma_start3A_217 = tpu.memref_squeeze %dma_start3A_216 : memref<1x128xi32, #tpu.memory_space<vmem>> -> memref<128xi32, #tpu.memory_space<vmem>>
    %dma_start3A_218 = arith.constant 0 : i32
    %dma_start3A_219 = arith.constant 0 : i32
    %dma_start3A_220 = tpu.memref_slice %arg7[%dma_start3A_218, %dma_start3A_219] : memref<16384x128xf32, #tpu.memory_space<hbm>> -> memref<16384x128xf32, #tpu.memory_space<hbm>>
    %dma_start3A_221 = tpu.memref_slice %arg19[%dma_start3A_210] : memref<4x!tpu.dma_semaphore, #tpu.memory_space<semaphore_mem>> -> memref<1x!tpu.dma_semaphore, #tpu.memory_space<semaphore_mem>>
    %dma_start3A_222 = tpu.memref_squeeze %dma_start3A_221 : memref<1x!tpu.dma_semaphore, #tpu.memory_space<semaphore_mem>> -> memref<!tpu.dma_semaphore, #tpu.memory_space<semaphore_mem>>
    tpu.enqueue_indirect_dma source(%dma_start3A_220 : memref<16384x128xf32, #tpu.memory_space<hbm>>) target(%dma_start3A_214 : memref<128x128xf32, #tpu.memory_space<vmem>>) offsets(%dma_start3A_217 : memref<128xi32, #tpu.memory_space<vmem>>) semaphore(%dma_start3A_222 : memref<!tpu.dma_semaphore, #tpu.memory_space<semaphore_mem>>)
    %dma_wait3A_223 = arith.constant 2 : i32
    %dma_wait3A_224 = arith.constant 2 : i32
    %dma_wait3A_225 = arith.constant 2 : i32
    %dma_wait3A_226 = arith.constant 0 : i32
    %dma_wait3A_227 = arith.constant 0 : i32
    %dma_wait3A_228 = tpu.memref_slice %arg18[%dma_wait3A_224, %dma_wait3A_226, %dma_wait3A_227] : memref<4x128x128xf32, #tpu.memory_space<vmem>> -> memref<1x128x128xf32, #tpu.memory_space<vmem>>
    %dma_wait3A_229 = tpu.memref_squeeze %dma_wait3A_228 : memref<1x128x128xf32, #tpu.memory_space<vmem>> -> memref<128x128xf32, #tpu.memory_space<vmem>>
    %dma_wait3A_230 = arith.constant 0 : i32
    %dma_wait3A_231 = tpu.memref_slice %arg14[%dma_wait3A_223, %dma_wait3A_230] : memref<4x128xi32, #tpu.memory_space<vmem>> -> memref<1x128xi32, #tpu.memory_space<vmem>>
    %dma_wait3A_232 = tpu.memref_squeeze %dma_wait3A_231 : memref<1x128xi32, #tpu.memory_space<vmem>> -> memref<128xi32, #tpu.memory_space<vmem>>
    %dma_wait3A_233 = arith.constant 0 : i32
    %dma_wait3A_234 = arith.constant 0 : i32
    %dma_wait3A_235 = tpu.memref_slice %arg6[%dma_wait3A_233, %dma_wait3A_234] : memref<16384x128xf32, #tpu.memory_space<hbm>> -> memref<16384x128xf32, #tpu.memory_space<hbm>>
    %dma_wait3A_236 = tpu.memref_slice %arg19[%dma_wait3A_225] : memref<4x!tpu.dma_semaphore, #tpu.memory_space<semaphore_mem>> -> memref<1x!tpu.dma_semaphore, #tpu.memory_space<semaphore_mem>>
    %dma_wait3A_237 = tpu.memref_squeeze %dma_wait3A_236 : memref<1x!tpu.dma_semaphore, #tpu.memory_space<semaphore_mem>> -> memref<!tpu.dma_semaphore, #tpu.memory_space<semaphore_mem>>
    tpu.wait_indirect_dma semaphore(%dma_wait3A_237 : memref<!tpu.dma_semaphore, #tpu.memory_space<semaphore_mem>>) src(%dma_wait3A_235 : memref<16384x128xf32, #tpu.memory_space<hbm>>) dst(%dma_wait3A_229 : memref<128x128xf32, #tpu.memory_space<vmem>>)
    %add3A_238 = arith.constant 256 : i32
    %add3A_239 = arith.addi %mul3A_2, %add3A_238 : i32
    %dma_start3A_240 = arith.constant 2 : i32
    %dma_start3A_241 = arith.constant 2 : i32
    %dma_start3A_242 = arith.constant 0 : i32
    %dma_start3A_243 = arith.constant 0 : i32
    %dma_start3A_244 = tpu.memref_slice %arg18[%dma_start3A_240, %dma_start3A_242, %dma_start3A_243] : memref<4x128x128xf32, #tpu.memory_space<vmem>> -> memref<1x128x128xf32, #tpu.memory_space<vmem>>
    %dma_start3A_245 = tpu.memref_squeeze %dma_start3A_244 : memref<1x128x128xf32, #tpu.memory_space<vmem>> -> memref<128x128xf32, #tpu.memory_space<vmem>>
    %dma_start3A_246 = arith.constant 0 : i32
    %dma_start3A_247 = tpu.memref_slice %arg10[%add3A_239, %dma_start3A_246] : memref<16384x128xf32, #tpu.memory_space<hbm>> -> memref<128x128xf32, #tpu.memory_space<hbm>>
    %dma_start3A_248 = tpu.memref_slice %arg20[%dma_start3A_241] : memref<4x!tpu.dma_semaphore, #tpu.memory_space<semaphore_mem>> -> memref<1x!tpu.dma_semaphore, #tpu.memory_space<semaphore_mem>>
    %dma_start3A_249 = tpu.memref_squeeze %dma_start3A_248 : memref<1x!tpu.dma_semaphore, #tpu.memory_space<semaphore_mem>> -> memref<!tpu.dma_semaphore, #tpu.memory_space<semaphore_mem>>
    %dma_start3A_250 = arith.constant 0 : i32
    %dma_start3A_251 = tpu.memref_slice %arg10[%add3A_239, %dma_start3A_250] : memref<16384x128xf32, #tpu.memory_space<hbm>> -> memref<128x128xf32, #tpu.memory_space<hbm>>
    %dma_start3A_252 = arith.constant 0 : i32
    %dma_start3A_253 = arith.constant 0 : i32
    %dma_start3A_254 = tpu.memref_slice %arg18[%dma_start3A_240, %dma_start3A_252, %dma_start3A_253] : memref<4x128x128xf32, #tpu.memory_space<vmem>> -> memref<1x128x128xf32, #tpu.memory_space<vmem>>
    %dma_start3A_255 = tpu.memref_squeeze %dma_start3A_254 : memref<1x128x128xf32, #tpu.memory_space<vmem>> -> memref<128x128xf32, #tpu.memory_space<vmem>>
    tpu.enqueue_dma source(%dma_start3A_255 : memref<128x128xf32, #tpu.memory_space<vmem>>) target(%dma_start3A_251 : memref<128x128xf32, #tpu.memory_space<hbm>>) target_semaphore(%dma_start3A_249 : memref<!tpu.dma_semaphore, #tpu.memory_space<semaphore_mem>>)
    %dma_wait3A_256 = arith.constant 2 : i32
    %dma_wait3A_257 = arith.constant 2 : i32
    %dma_wait3A_258 = arith.constant 0 : i32
    %dma_wait3A_259 = arith.constant 0 : i32
    %dma_wait3A_260 = tpu.memref_slice %arg18[%dma_wait3A_256, %dma_wait3A_258, %dma_wait3A_259] : memref<4x128x128xf32, #tpu.memory_space<vmem>> -> memref<1x128x128xf32, #tpu.memory_space<vmem>>
    %dma_wait3A_261 = tpu.memref_squeeze %dma_wait3A_260 : memref<1x128x128xf32, #tpu.memory_space<vmem>> -> memref<128x128xf32, #tpu.memory_space<vmem>>
    %dma_wait3A_262 = arith.constant 0 : i32
    %dma_wait3A_263 = tpu.memref_slice %arg10[%add3A_239, %dma_wait3A_262] : memref<16384x128xf32, #tpu.memory_space<hbm>> -> memref<128x128xf32, #tpu.memory_space<hbm>>
    %dma_wait3A_264 = tpu.memref_slice %arg20[%dma_wait3A_257] : memref<4x!tpu.dma_semaphore, #tpu.memory_space<semaphore_mem>> -> memref<1x!tpu.dma_semaphore, #tpu.memory_space<semaphore_mem>>
    %dma_wait3A_265 = tpu.memref_squeeze %dma_wait3A_264 : memref<1x!tpu.dma_semaphore, #tpu.memory_space<semaphore_mem>> -> memref<!tpu.dma_semaphore, #tpu.memory_space<semaphore_mem>>
    %dma_wait3A_266 = arith.constant 0 : i32
    %dma_wait3A_267 = tpu.memref_slice %arg10[%add3A_239, %dma_wait3A_266] : memref<16384x128xf32, #tpu.memory_space<hbm>> -> memref<128x128xf32, #tpu.memory_space<hbm>>
    %dma_wait3A_268 = arith.constant 0 : i32
    %dma_wait3A_269 = arith.constant 0 : i32
    %dma_wait3A_270 = tpu.memref_slice %arg18[%dma_wait3A_256, %dma_wait3A_268, %dma_wait3A_269] : memref<4x128x128xf32, #tpu.memory_space<vmem>> -> memref<1x128x128xf32, #tpu.memory_space<vmem>>
    %dma_wait3A_271 = tpu.memref_squeeze %dma_wait3A_270 : memref<1x128x128xf32, #tpu.memory_space<vmem>> -> memref<128x128xf32, #tpu.memory_space<vmem>>
    tpu.wait_dma2 semaphore(%dma_wait3A_265 : memref<!tpu.dma_semaphore, #tpu.memory_space<semaphore_mem>>) src(%dma_wait3A_271 : memref<128x128xf32, #tpu.memory_space<vmem>>) dst(%dma_wait3A_267 : memref<128x128xf32, #tpu.memory_space<hbm>>)
    %dma_start3A_272 = arith.constant 2 : i32
    %dma_start3A_273 = arith.constant 2 : i32
    %dma_start3A_274 = arith.constant 2 : i32
    %dma_start3A_275 = arith.constant 0 : i32
    %dma_start3A_276 = arith.constant 0 : i32
    %dma_start3A_277 = tpu.memref_slice %arg18[%dma_start3A_273, %dma_start3A_275, %dma_start3A_276] : memref<4x128x128xf32, #tpu.memory_space<vmem>> -> memref<1x128x128xf32, #tpu.memory_space<vmem>>
    %dma_start3A_278 = tpu.memref_squeeze %dma_start3A_277 : memref<1x128x128xf32, #tpu.memory_space<vmem>> -> memref<128x128xf32, #tpu.memory_space<vmem>>
    %dma_start3A_279 = arith.constant 0 : i32
    %dma_start3A_280 = tpu.memref_slice %arg15[%dma_start3A_272, %dma_start3A_279] : memref<4x128xi32, #tpu.memory_space<vmem>> -> memref<1x128xi32, #tpu.memory_space<vmem>>
    %dma_start3A_281 = tpu.memref_squeeze %dma_start3A_280 : memref<1x128xi32, #tpu.memory_space<vmem>> -> memref<128xi32, #tpu.memory_space<vmem>>
    %dma_start3A_282 = arith.constant 0 : i32
    %dma_start3A_283 = arith.constant 0 : i32
    %dma_start3A_284 = tpu.memref_slice %arg7[%dma_start3A_282, %dma_start3A_283] : memref<16384x128xf32, #tpu.memory_space<hbm>> -> memref<16384x128xf32, #tpu.memory_space<hbm>>
    %dma_start3A_285 = tpu.memref_slice %arg19[%dma_start3A_274] : memref<4x!tpu.dma_semaphore, #tpu.memory_space<semaphore_mem>> -> memref<1x!tpu.dma_semaphore, #tpu.memory_space<semaphore_mem>>
    %dma_start3A_286 = tpu.memref_squeeze %dma_start3A_285 : memref<1x!tpu.dma_semaphore, #tpu.memory_space<semaphore_mem>> -> memref<!tpu.dma_semaphore, #tpu.memory_space<semaphore_mem>>
    tpu.enqueue_indirect_dma source(%dma_start3A_284 : memref<16384x128xf32, #tpu.memory_space<hbm>>) target(%dma_start3A_278 : memref<128x128xf32, #tpu.memory_space<vmem>>) offsets(%dma_start3A_281 : memref<128xi32, #tpu.memory_space<vmem>>) semaphore(%dma_start3A_286 : memref<!tpu.dma_semaphore, #tpu.memory_space<semaphore_mem>>)
    %dma_wait3A_287 = arith.constant 3 : i32
    %dma_wait3A_288 = arith.constant 3 : i32
    %dma_wait3A_289 = arith.constant 3 : i32
    %dma_wait3A_290 = arith.constant 0 : i32
    %dma_wait3A_291 = arith.constant 0 : i32
    %dma_wait3A_292 = tpu.memref_slice %arg18[%dma_wait3A_288, %dma_wait3A_290, %dma_wait3A_291] : memref<4x128x128xf32, #tpu.memory_space<vmem>> -> memref<1x128x128xf32, #tpu.memory_space<vmem>>
    %dma_wait3A_293 = tpu.memref_squeeze %dma_wait3A_292 : memref<1x128x128xf32, #tpu.memory_space<vmem>> -> memref<128x128xf32, #tpu.memory_space<vmem>>
    %dma_wait3A_294 = arith.constant 0 : i32
    %dma_wait3A_295 = tpu.memref_slice %arg14[%dma_wait3A_287, %dma_wait3A_294] : memref<4x128xi32, #tpu.memory_space<vmem>> -> memref<1x128xi32, #tpu.memory_space<vmem>>
    %dma_wait3A_296 = tpu.memref_squeeze %dma_wait3A_295 : memref<1x128xi32, #tpu.memory_space<vmem>> -> memref<128xi32, #tpu.memory_space<vmem>>
    %dma_wait3A_297 = arith.constant 0 : i32
    %dma_wait3A_298 = arith.constant 0 : i32
    %dma_wait3A_299 = tpu.memref_slice %arg6[%dma_wait3A_297, %dma_wait3A_298] : memref<16384x128xf32, #tpu.memory_space<hbm>> -> memref<16384x128xf32, #tpu.memory_space<hbm>>
    %dma_wait3A_300 = tpu.memref_slice %arg19[%dma_wait3A_289] : memref<4x!tpu.dma_semaphore, #tpu.memory_space<semaphore_mem>> -> memref<1x!tpu.dma_semaphore, #tpu.memory_space<semaphore_mem>>
    %dma_wait3A_301 = tpu.memref_squeeze %dma_wait3A_300 : memref<1x!tpu.dma_semaphore, #tpu.memory_space<semaphore_mem>> -> memref<!tpu.dma_semaphore, #tpu.memory_space<semaphore_mem>>
    tpu.wait_indirect_dma semaphore(%dma_wait3A_301 : memref<!tpu.dma_semaphore, #tpu.memory_space<semaphore_mem>>) src(%dma_wait3A_299 : memref<16384x128xf32, #tpu.memory_space<hbm>>) dst(%dma_wait3A_293 : memref<128x128xf32, #tpu.memory_space<vmem>>)
    %add3A_302 = arith.constant 384 : i32
    %add3A_303 = arith.addi %mul3A_2, %add3A_302 : i32
    %dma_start3A_304 = arith.constant 3 : i32
    %dma_start3A_305 = arith.constant 3 : i32
    %dma_start3A_306 = arith.constant 0 : i32
    %dma_start3A_307 = arith.constant 0 : i32
    %dma_start3A_308 = tpu.memref_slice %arg18[%dma_start3A_304, %dma_start3A_306, %dma_start3A_307] : memref<4x128x128xf32, #tpu.memory_space<vmem>> -> memref<1x128x128xf32, #tpu.memory_space<vmem>>
    %dma_start3A_309 = tpu.memref_squeeze %dma_start3A_308 : memref<1x128x128xf32, #tpu.memory_space<vmem>> -> memref<128x128xf32, #tpu.memory_space<vmem>>
    %dma_start3A_310 = arith.constant 0 : i32
    %dma_start3A_311 = tpu.memref_slice %arg10[%add3A_303, %dma_start3A_310] : memref<16384x128xf32, #tpu.memory_space<hbm>> -> memref<128x128xf32, #tpu.memory_space<hbm>>
    %dma_start3A_312 = tpu.memref_slice %arg20[%dma_start3A_305] : memref<4x!tpu.dma_semaphore, #tpu.memory_space<semaphore_mem>> -> memref<1x!tpu.dma_semaphore, #tpu.memory_space<semaphore_mem>>
    %dma_start3A_313 = tpu.memref_squeeze %dma_start3A_312 : memref<1x!tpu.dma_semaphore, #tpu.memory_space<semaphore_mem>> -> memref<!tpu.dma_semaphore, #tpu.memory_space<semaphore_mem>>
    %dma_start3A_314 = arith.constant 0 : i32
    %dma_start3A_315 = tpu.memref_slice %arg10[%add3A_303, %dma_start3A_314] : memref<16384x128xf32, #tpu.memory_space<hbm>> -> memref<128x128xf32, #tpu.memory_space<hbm>>
    %dma_start3A_316 = arith.constant 0 : i32
    %dma_start3A_317 = arith.constant 0 : i32
    %dma_start3A_318 = tpu.memref_slice %arg18[%dma_start3A_304, %dma_start3A_316, %dma_start3A_317] : memref<4x128x128xf32, #tpu.memory_space<vmem>> -> memref<1x128x128xf32, #tpu.memory_space<vmem>>
    %dma_start3A_319 = tpu.memref_squeeze %dma_start3A_318 : memref<1x128x128xf32, #tpu.memory_space<vmem>> -> memref<128x128xf32, #tpu.memory_space<vmem>>
    tpu.enqueue_dma source(%dma_start3A_319 : memref<128x128xf32, #tpu.memory_space<vmem>>) target(%dma_start3A_315 : memref<128x128xf32, #tpu.memory_space<hbm>>) target_semaphore(%dma_start3A_313 : memref<!tpu.dma_semaphore, #tpu.memory_space<semaphore_mem>>)
    %dma_wait3A_320 = arith.constant 3 : i32
    %dma_wait3A_321 = arith.constant 3 : i32
    %dma_wait3A_322 = arith.constant 0 : i32
    %dma_wait3A_323 = arith.constant 0 : i32
    %dma_wait3A_324 = tpu.memref_slice %arg18[%dma_wait3A_320, %dma_wait3A_322, %dma_wait3A_323] : memref<4x128x128xf32, #tpu.memory_space<vmem>> -> memref<1x128x128xf32, #tpu.memory_space<vmem>>
    %dma_wait3A_325 = tpu.memref_squeeze %dma_wait3A_324 : memref<1x128x128xf32, #tpu.memory_space<vmem>> -> memref<128x128xf32, #tpu.memory_space<vmem>>
    %dma_wait3A_326 = arith.constant 0 : i32
    %dma_wait3A_327 = tpu.memref_slice %arg10[%add3A_303, %dma_wait3A_326] : memref<16384x128xf32, #tpu.memory_space<hbm>> -> memref<128x128xf32, #tpu.memory_space<hbm>>
    %dma_wait3A_328 = tpu.memref_slice %arg20[%dma_wait3A_321] : memref<4x!tpu.dma_semaphore, #tpu.memory_space<semaphore_mem>> -> memref<1x!tpu.dma_semaphore, #tpu.memory_space<semaphore_mem>>
    %dma_wait3A_329 = tpu.memref_squeeze %dma_wait3A_328 : memref<1x!tpu.dma_semaphore, #tpu.memory_space<semaphore_mem>> -> memref<!tpu.dma_semaphore, #tpu.memory_space<semaphore_mem>>
    %dma_wait3A_330 = arith.constant 0 : i32
    %dma_wait3A_331 = tpu.memref_slice %arg10[%add3A_303, %dma_wait3A_330] : memref<16384x128xf32, #tpu.memory_space<hbm>> -> memref<128x128xf32, #tpu.memory_space<hbm>>
    %dma_wait3A_332 = arith.constant 0 : i32
    %dma_wait3A_333 = arith.constant 0 : i32
    %dma_wait3A_334 = tpu.memref_slice %arg18[%dma_wait3A_320, %dma_wait3A_332, %dma_wait3A_333] : memref<4x128x128xf32, #tpu.memory_space<vmem>> -> memref<1x128x128xf32, #tpu.memory_space<vmem>>
    %dma_wait3A_335 = tpu.memref_squeeze %dma_wait3A_334 : memref<1x128x128xf32, #tpu.memory_space<vmem>> -> memref<128x128xf32, #tpu.memory_space<vmem>>
    tpu.wait_dma2 semaphore(%dma_wait3A_329 : memref<!tpu.dma_semaphore, #tpu.memory_space<semaphore_mem>>) src(%dma_wait3A_335 : memref<128x128xf32, #tpu.memory_space<vmem>>) dst(%dma_wait3A_331 : memref<128x128xf32, #tpu.memory_space<hbm>>)
    %dma_start3A_336 = arith.constant 3 : i32
    %dma_start3A_337 = arith.constant 3 : i32
    %dma_start3A_338 = arith.constant 3 : i32
    %dma_start3A_339 = arith.constant 0 : i32
    %dma_start3A_340 = arith.constant 0 : i32
    %dma_start3A_341 = tpu.memref_slice %arg18[%dma_start3A_337, %dma_start3A_339, %dma_start3A_340] : memref<4x128x128xf32, #tpu.memory_space<vmem>> -> memref<1x128x128xf32, #tpu.memory_space<vmem>>
    %dma_start3A_342 = tpu.memref_squeeze %dma_start3A_341 : memref<1x128x128xf32, #tpu.memory_space<vmem>> -> memref<128x128xf32, #tpu.memory_space<vmem>>
    %dma_start3A_343 = arith.constant 0 : i32
    %dma_start3A_344 = tpu.memref_slice %arg15[%dma_start3A_336, %dma_start3A_343] : memref<4x128xi32, #tpu.memory_space<vmem>> -> memref<1x128xi32, #tpu.memory_space<vmem>>
    %dma_start3A_345 = tpu.memref_squeeze %dma_start3A_344 : memref<1x128xi32, #tpu.memory_space<vmem>> -> memref<128xi32, #tpu.memory_space<vmem>>
    %dma_start3A_346 = arith.constant 0 : i32
    %dma_start3A_347 = arith.constant 0 : i32
    %dma_start3A_348 = tpu.memref_slice %arg7[%dma_start3A_346, %dma_start3A_347] : memref<16384x128xf32, #tpu.memory_space<hbm>> -> memref<16384x128xf32, #tpu.memory_space<hbm>>
    %dma_start3A_349 = tpu.memref_slice %arg19[%dma_start3A_338] : memref<4x!tpu.dma_semaphore, #tpu.memory_space<semaphore_mem>> -> memref<1x!tpu.dma_semaphore, #tpu.memory_space<semaphore_mem>>
    %dma_start3A_350 = tpu.memref_squeeze %dma_start3A_349 : memref<1x!tpu.dma_semaphore, #tpu.memory_space<semaphore_mem>> -> memref<!tpu.dma_semaphore, #tpu.memory_space<semaphore_mem>>
    tpu.enqueue_indirect_dma source(%dma_start3A_348 : memref<16384x128xf32, #tpu.memory_space<hbm>>) target(%dma_start3A_342 : memref<128x128xf32, #tpu.memory_space<vmem>>) offsets(%dma_start3A_345 : memref<128xi32, #tpu.memory_space<vmem>>) semaphore(%dma_start3A_350 : memref<!tpu.dma_semaphore, #tpu.memory_space<semaphore_mem>>)
    %dma_wait3A_351 = arith.constant 0 : i32
    %dma_wait3A_352 = arith.constant 0 : i32
    %dma_wait3A_353 = arith.constant 0 : i32
    %dma_wait3A_354 = arith.constant 0 : i32
    %dma_wait3A_355 = arith.constant 0 : i32
    %dma_wait3A_356 = tpu.memref_slice %arg18[%dma_wait3A_352, %dma_wait3A_354, %dma_wait3A_355] : memref<4x128x128xf32, #tpu.memory_space<vmem>> -> memref<1x128x128xf32, #tpu.memory_space<vmem>>
    %dma_wait3A_357 = tpu.memref_squeeze %dma_wait3A_356 : memref<1x128x128xf32, #tpu.memory_space<vmem>> -> memref<128x128xf32, #tpu.memory_space<vmem>>
    %dma_wait3A_358 = arith.constant 0 : i32
    %dma_wait3A_359 = tpu.memref_slice %arg15[%dma_wait3A_351, %dma_wait3A_358] : memref<4x128xi32, #tpu.memory_space<vmem>> -> memref<1x128xi32, #tpu.memory_space<vmem>>
    %dma_wait3A_360 = tpu.memref_squeeze %dma_wait3A_359 : memref<1x128xi32, #tpu.memory_space<vmem>> -> memref<128xi32, #tpu.memory_space<vmem>>
    %dma_wait3A_361 = arith.constant 0 : i32
    %dma_wait3A_362 = arith.constant 0 : i32
    %dma_wait3A_363 = tpu.memref_slice %arg7[%dma_wait3A_361, %dma_wait3A_362] : memref<16384x128xf32, #tpu.memory_space<hbm>> -> memref<16384x128xf32, #tpu.memory_space<hbm>>
    %dma_wait3A_364 = tpu.memref_slice %arg19[%dma_wait3A_353] : memref<4x!tpu.dma_semaphore, #tpu.memory_space<semaphore_mem>> -> memref<1x!tpu.dma_semaphore, #tpu.memory_space<semaphore_mem>>
    %dma_wait3A_365 = tpu.memref_squeeze %dma_wait3A_364 : memref<1x!tpu.dma_semaphore, #tpu.memory_space<semaphore_mem>> -> memref<!tpu.dma_semaphore, #tpu.memory_space<semaphore_mem>>
    tpu.wait_indirect_dma semaphore(%dma_wait3A_365 : memref<!tpu.dma_semaphore, #tpu.memory_space<semaphore_mem>>) src(%dma_wait3A_363 : memref<16384x128xf32, #tpu.memory_space<hbm>>) dst(%dma_wait3A_357 : memref<128x128xf32, #tpu.memory_space<vmem>>)
    %add3A_366 = arith.constant 0 : i32
    %add3A_367 = arith.addi %mul3A_2, %add3A_366 : i32
    %dma_start3A_368 = arith.constant 0 : i32
    %dma_start3A_369 = arith.constant 0 : i32
    %dma_start3A_370 = arith.constant 0 : i32
    %dma_start3A_371 = arith.constant 0 : i32
    %dma_start3A_372 = tpu.memref_slice %arg18[%dma_start3A_368, %dma_start3A_370, %dma_start3A_371] : memref<4x128x128xf32, #tpu.memory_space<vmem>> -> memref<1x128x128xf32, #tpu.memory_space<vmem>>
    %dma_start3A_373 = tpu.memref_squeeze %dma_start3A_372 : memref<1x128x128xf32, #tpu.memory_space<vmem>> -> memref<128x128xf32, #tpu.memory_space<vmem>>
    %dma_start3A_374 = arith.constant 0 : i32
    %dma_start3A_375 = tpu.memref_slice %arg11[%add3A_367, %dma_start3A_374] : memref<16384x128xf32, #tpu.memory_space<hbm>> -> memref<128x128xf32, #tpu.memory_space<hbm>>
    %dma_start3A_376 = tpu.memref_slice %arg20[%dma_start3A_369] : memref<4x!tpu.dma_semaphore, #tpu.memory_space<semaphore_mem>> -> memref<1x!tpu.dma_semaphore, #tpu.memory_space<semaphore_mem>>
    %dma_start3A_377 = tpu.memref_squeeze %dma_start3A_376 : memref<1x!tpu.dma_semaphore, #tpu.memory_space<semaphore_mem>> -> memref<!tpu.dma_semaphore, #tpu.memory_space<semaphore_mem>>
    %dma_start3A_378 = arith.constant 0 : i32
    %dma_start3A_379 = tpu.memref_slice %arg11[%add3A_367, %dma_start3A_378] : memref<16384x128xf32, #tpu.memory_space<hbm>> -> memref<128x128xf32, #tpu.memory_space<hbm>>
    %dma_start3A_380 = arith.constant 0 : i32
    %dma_start3A_381 = arith.constant 0 : i32
    %dma_start3A_382 = tpu.memref_slice %arg18[%dma_start3A_368, %dma_start3A_380, %dma_start3A_381] : memref<4x128x128xf32, #tpu.memory_space<vmem>> -> memref<1x128x128xf32, #tpu.memory_space<vmem>>
    %dma_start3A_383 = tpu.memref_squeeze %dma_start3A_382 : memref<1x128x128xf32, #tpu.memory_space<vmem>> -> memref<128x128xf32, #tpu.memory_space<vmem>>
    tpu.enqueue_dma source(%dma_start3A_383 : memref<128x128xf32, #tpu.memory_space<vmem>>) target(%dma_start3A_379 : memref<128x128xf32, #tpu.memory_space<hbm>>) target_semaphore(%dma_start3A_377 : memref<!tpu.dma_semaphore, #tpu.memory_space<semaphore_mem>>)
    %dma_wait3A_384 = arith.constant 0 : i32
    %dma_wait3A_385 = arith.constant 0 : i32
    %dma_wait3A_386 = arith.constant 0 : i32
    %dma_wait3A_387 = arith.constant 0 : i32
    %dma_wait3A_388 = tpu.memref_slice %arg18[%dma_wait3A_384, %dma_wait3A_386, %dma_wait3A_387] : memref<4x128x128xf32, #tpu.memory_space<vmem>> -> memref<1x128x128xf32, #tpu.memory_space<vmem>>
    %dma_wait3A_389 = tpu.memref_squeeze %dma_wait3A_388 : memref<1x128x128xf32, #tpu.memory_space<vmem>> -> memref<128x128xf32, #tpu.memory_space<vmem>>
    %dma_wait3A_390 = arith.constant 0 : i32
    %dma_wait3A_391 = tpu.memref_slice %arg11[%add3A_367, %dma_wait3A_390] : memref<16384x128xf32, #tpu.memory_space<hbm>> -> memref<128x128xf32, #tpu.memory_space<hbm>>
    %dma_wait3A_392 = tpu.memref_slice %arg20[%dma_wait3A_385] : memref<4x!tpu.dma_semaphore, #tpu.memory_space<semaphore_mem>> -> memref<1x!tpu.dma_semaphore, #tpu.memory_space<semaphore_mem>>
    %dma_wait3A_393 = tpu.memref_squeeze %dma_wait3A_392 : memref<1x!tpu.dma_semaphore, #tpu.memory_space<semaphore_mem>> -> memref<!tpu.dma_semaphore, #tpu.memory_space<semaphore_mem>>
    %dma_wait3A_394 = arith.constant 0 : i32
    %dma_wait3A_395 = tpu.memref_slice %arg11[%add3A_367, %dma_wait3A_394] : memref<16384x128xf32, #tpu.memory_space<hbm>> -> memref<128x128xf32, #tpu.memory_space<hbm>>
    %dma_wait3A_396 = arith.constant 0 : i32
    %dma_wait3A_397 = arith.constant 0 : i32
    %dma_wait3A_398 = tpu.memref_slice %arg18[%dma_wait3A_384, %dma_wait3A_396, %dma_wait3A_397] : memref<4x128x128xf32, #tpu.memory_space<vmem>> -> memref<1x128x128xf32, #tpu.memory_space<vmem>>
    %dma_wait3A_399 = tpu.memref_squeeze %dma_wait3A_398 : memref<1x128x128xf32, #tpu.memory_space<vmem>> -> memref<128x128xf32, #tpu.memory_space<vmem>>
    tpu.wait_dma2 semaphore(%dma_wait3A_393 : memref<!tpu.dma_semaphore, #tpu.memory_space<semaphore_mem>>) src(%dma_wait3A_399 : memref<128x128xf32, #tpu.memory_space<vmem>>) dst(%dma_wait3A_395 : memref<128x128xf32, #tpu.memory_space<hbm>>)
    %dma_start3A_400 = arith.constant 0 : i32
    %dma_start3A_401 = arith.constant 0 : i32
    %dma_start3A_402 = arith.constant 0 : i32
    %dma_start3A_403 = arith.constant 0 : i32
    %dma_start3A_404 = arith.constant 0 : i32
    %dma_start3A_405 = tpu.memref_slice %arg18[%dma_start3A_401, %dma_start3A_403, %dma_start3A_404] : memref<4x128x128xf32, #tpu.memory_space<vmem>> -> memref<1x128x128xf32, #tpu.memory_space<vmem>>
    %dma_start3A_406 = tpu.memref_squeeze %dma_start3A_405 : memref<1x128x128xf32, #tpu.memory_space<vmem>> -> memref<128x128xf32, #tpu.memory_space<vmem>>
    %dma_start3A_407 = arith.constant 0 : i32
    %dma_start3A_408 = tpu.memref_slice %arg16[%dma_start3A_400, %dma_start3A_407] : memref<4x128xi32, #tpu.memory_space<vmem>> -> memref<1x128xi32, #tpu.memory_space<vmem>>
    %dma_start3A_409 = tpu.memref_squeeze %dma_start3A_408 : memref<1x128xi32, #tpu.memory_space<vmem>> -> memref<128xi32, #tpu.memory_space<vmem>>
    %dma_start3A_410 = arith.constant 0 : i32
    %dma_start3A_411 = arith.constant 0 : i32
    %dma_start3A_412 = tpu.memref_slice %arg8[%dma_start3A_410, %dma_start3A_411] : memref<131072x128xf32, #tpu.memory_space<hbm>> -> memref<131072x128xf32, #tpu.memory_space<hbm>>
    %dma_start3A_413 = tpu.memref_slice %arg19[%dma_start3A_402] : memref<4x!tpu.dma_semaphore, #tpu.memory_space<semaphore_mem>> -> memref<1x!tpu.dma_semaphore, #tpu.memory_space<semaphore_mem>>
    %dma_start3A_414 = tpu.memref_squeeze %dma_start3A_413 : memref<1x!tpu.dma_semaphore, #tpu.memory_space<semaphore_mem>> -> memref<!tpu.dma_semaphore, #tpu.memory_space<semaphore_mem>>
    tpu.enqueue_indirect_dma source(%dma_start3A_412 : memref<131072x128xf32, #tpu.memory_space<hbm>>) target(%dma_start3A_406 : memref<128x128xf32, #tpu.memory_space<vmem>>) offsets(%dma_start3A_409 : memref<128xi32, #tpu.memory_space<vmem>>) semaphore(%dma_start3A_414 : memref<!tpu.dma_semaphore, #tpu.memory_space<semaphore_mem>>)
    %dma_wait3A_415 = arith.constant 1 : i32
    %dma_wait3A_416 = arith.constant 1 : i32
    %dma_wait3A_417 = arith.constant 1 : i32
    %dma_wait3A_418 = arith.constant 0 : i32
    %dma_wait3A_419 = arith.constant 0 : i32
    %dma_wait3A_420 = tpu.memref_slice %arg18[%dma_wait3A_416, %dma_wait3A_418, %dma_wait3A_419] : memref<4x128x128xf32, #tpu.memory_space<vmem>> -> memref<1x128x128xf32, #tpu.memory_space<vmem>>
    %dma_wait3A_421 = tpu.memref_squeeze %dma_wait3A_420 : memref<1x128x128xf32, #tpu.memory_space<vmem>> -> memref<128x128xf32, #tpu.memory_space<vmem>>
    %dma_wait3A_422 = arith.constant 0 : i32
    %dma_wait3A_423 = tpu.memref_slice %arg15[%dma_wait3A_415, %dma_wait3A_422] : memref<4x128xi32, #tpu.memory_space<vmem>> -> memref<1x128xi32, #tpu.memory_space<vmem>>
    %dma_wait3A_424 = tpu.memref_squeeze %dma_wait3A_423 : memref<1x128xi32, #tpu.memory_space<vmem>> -> memref<128xi32, #tpu.memory_space<vmem>>
    %dma_wait3A_425 = arith.constant 0 : i32
    %dma_wait3A_426 = arith.constant 0 : i32
    %dma_wait3A_427 = tpu.memref_slice %arg7[%dma_wait3A_425, %dma_wait3A_426] : memref<16384x128xf32, #tpu.memory_space<hbm>> -> memref<16384x128xf32, #tpu.memory_space<hbm>>
    %dma_wait3A_428 = tpu.memref_slice %arg19[%dma_wait3A_417] : memref<4x!tpu.dma_semaphore, #tpu.memory_space<semaphore_mem>> -> memref<1x!tpu.dma_semaphore, #tpu.memory_space<semaphore_mem>>
    %dma_wait3A_429 = tpu.memref_squeeze %dma_wait3A_428 : memref<1x!tpu.dma_semaphore, #tpu.memory_space<semaphore_mem>> -> memref<!tpu.dma_semaphore, #tpu.memory_space<semaphore_mem>>
    tpu.wait_indirect_dma semaphore(%dma_wait3A_429 : memref<!tpu.dma_semaphore, #tpu.memory_space<semaphore_mem>>) src(%dma_wait3A_427 : memref<16384x128xf32, #tpu.memory_space<hbm>>) dst(%dma_wait3A_421 : memref<128x128xf32, #tpu.memory_space<vmem>>)
    %add3A_430 = arith.constant 128 : i32
    %add3A_431 = arith.addi %mul3A_2, %add3A_430 : i32
    %dma_start3A_432 = arith.constant 1 : i32
    %dma_start3A_433 = arith.constant 1 : i32
    %dma_start3A_434 = arith.constant 0 : i32
    %dma_start3A_435 = arith.constant 0 : i32
    %dma_start3A_436 = tpu.memref_slice %arg18[%dma_start3A_432, %dma_start3A_434, %dma_start3A_435] : memref<4x128x128xf32, #tpu.memory_space<vmem>> -> memref<1x128x128xf32, #tpu.memory_space<vmem>>
    %dma_start3A_437 = tpu.memref_squeeze %dma_start3A_436 : memref<1x128x128xf32, #tpu.memory_space<vmem>> -> memref<128x128xf32, #tpu.memory_space<vmem>>
    %dma_start3A_438 = arith.constant 0 : i32
    %dma_start3A_439 = tpu.memref_slice %arg11[%add3A_431, %dma_start3A_438] : memref<16384x128xf32, #tpu.memory_space<hbm>> -> memref<128x128xf32, #tpu.memory_space<hbm>>
    %dma_start3A_440 = tpu.memref_slice %arg20[%dma_start3A_433] : memref<4x!tpu.dma_semaphore, #tpu.memory_space<semaphore_mem>> -> memref<1x!tpu.dma_semaphore, #tpu.memory_space<semaphore_mem>>
    %dma_start3A_441 = tpu.memref_squeeze %dma_start3A_440 : memref<1x!tpu.dma_semaphore, #tpu.memory_space<semaphore_mem>> -> memref<!tpu.dma_semaphore, #tpu.memory_space<semaphore_mem>>
    %dma_start3A_442 = arith.constant 0 : i32
    %dma_start3A_443 = tpu.memref_slice %arg11[%add3A_431, %dma_start3A_442] : memref<16384x128xf32, #tpu.memory_space<hbm>> -> memref<128x128xf32, #tpu.memory_space<hbm>>
    %dma_start3A_444 = arith.constant 0 : i32
    %dma_start3A_445 = arith.constant 0 : i32
    %dma_start3A_446 = tpu.memref_slice %arg18[%dma_start3A_432, %dma_start3A_444, %dma_start3A_445] : memref<4x128x128xf32, #tpu.memory_space<vmem>> -> memref<1x128x128xf32, #tpu.memory_space<vmem>>
    %dma_start3A_447 = tpu.memref_squeeze %dma_start3A_446 : memref<1x128x128xf32, #tpu.memory_space<vmem>> -> memref<128x128xf32, #tpu.memory_space<vmem>>
    tpu.enqueue_dma source(%dma_start3A_447 : memref<128x128xf32, #tpu.memory_space<vmem>>) target(%dma_start3A_443 : memref<128x128xf32, #tpu.memory_space<hbm>>) target_semaphore(%dma_start3A_441 : memref<!tpu.dma_semaphore, #tpu.memory_space<semaphore_mem>>)
    %dma_wait3A_448 = arith.constant 1 : i32
    %dma_wait3A_449 = arith.constant 1 : i32
    %dma_wait3A_450 = arith.constant 0 : i32
    %dma_wait3A_451 = arith.constant 0 : i32
    %dma_wait3A_452 = tpu.memref_slice %arg18[%dma_wait3A_448, %dma_wait3A_450, %dma_wait3A_451] : memref<4x128x128xf32, #tpu.memory_space<vmem>> -> memref<1x128x128xf32, #tpu.memory_space<vmem>>
    %dma_wait3A_453 = tpu.memref_squeeze %dma_wait3A_452 : memref<1x128x128xf32, #tpu.memory_space<vmem>> -> memref<128x128xf32, #tpu.memory_space<vmem>>
    %dma_wait3A_454 = arith.constant 0 : i32
    %dma_wait3A_455 = tpu.memref_slice %arg11[%add3A_431, %dma_wait3A_454] : memref<16384x128xf32, #tpu.memory_space<hbm>> -> memref<128x128xf32, #tpu.memory_space<hbm>>
    %dma_wait3A_456 = tpu.memref_slice %arg20[%dma_wait3A_449] : memref<4x!tpu.dma_semaphore, #tpu.memory_space<semaphore_mem>> -> memref<1x!tpu.dma_semaphore, #tpu.memory_space<semaphore_mem>>
    %dma_wait3A_457 = tpu.memref_squeeze %dma_wait3A_456 : memref<1x!tpu.dma_semaphore, #tpu.memory_space<semaphore_mem>> -> memref<!tpu.dma_semaphore, #tpu.memory_space<semaphore_mem>>
    %dma_wait3A_458 = arith.constant 0 : i32
    %dma_wait3A_459 = tpu.memref_slice %arg11[%add3A_431, %dma_wait3A_458] : memref<16384x128xf32, #tpu.memory_space<hbm>> -> memref<128x128xf32, #tpu.memory_space<hbm>>
    %dma_wait3A_460 = arith.constant 0 : i32
    %dma_wait3A_461 = arith.constant 0 : i32
    %dma_wait3A_462 = tpu.memref_slice %arg18[%dma_wait3A_448, %dma_wait3A_460, %dma_wait3A_461] : memref<4x128x128xf32, #tpu.memory_space<vmem>> -> memref<1x128x128xf32, #tpu.memory_space<vmem>>
    %dma_wait3A_463 = tpu.memref_squeeze %dma_wait3A_462 : memref<1x128x128xf32, #tpu.memory_space<vmem>> -> memref<128x128xf32, #tpu.memory_space<vmem>>
    tpu.wait_dma2 semaphore(%dma_wait3A_457 : memref<!tpu.dma_semaphore, #tpu.memory_space<semaphore_mem>>) src(%dma_wait3A_463 : memref<128x128xf32, #tpu.memory_space<vmem>>) dst(%dma_wait3A_459 : memref<128x128xf32, #tpu.memory_space<hbm>>)
    %dma_start3A_464 = arith.constant 1 : i32
    %dma_start3A_465 = arith.constant 1 : i32
    %dma_start3A_466 = arith.constant 1 : i32
    %dma_start3A_467 = arith.constant 0 : i32
    %dma_start3A_468 = arith.constant 0 : i32
    %dma_start3A_469 = tpu.memref_slice %arg18[%dma_start3A_465, %dma_start3A_467, %dma_start3A_468] : memref<4x128x128xf32, #tpu.memory_space<vmem>> -> memref<1x128x128xf32, #tpu.memory_space<vmem>>
    %dma_start3A_470 = tpu.memref_squeeze %dma_start3A_469 : memref<1x128x128xf32, #tpu.memory_space<vmem>> -> memref<128x128xf32, #tpu.memory_space<vmem>>
    %dma_start3A_471 = arith.constant 0 : i32
    %dma_start3A_472 = tpu.memref_slice %arg16[%dma_start3A_464, %dma_start3A_471] : memref<4x128xi32, #tpu.memory_space<vmem>> -> memref<1x128xi32, #tpu.memory_space<vmem>>
    %dma_start3A_473 = tpu.memref_squeeze %dma_start3A_472 : memref<1x128xi32, #tpu.memory_space<vmem>> -> memref<128xi32, #tpu.memory_space<vmem>>
    %dma_start3A_474 = arith.constant 0 : i32
    %dma_start3A_475 = arith.constant 0 : i32
    %dma_start3A_476 = tpu.memref_slice %arg8[%dma_start3A_474, %dma_start3A_475] : memref<131072x128xf32, #tpu.memory_space<hbm>> -> memref<131072x128xf32, #tpu.memory_space<hbm>>
    %dma_start3A_477 = tpu.memref_slice %arg19[%dma_start3A_466] : memref<4x!tpu.dma_semaphore, #tpu.memory_space<semaphore_mem>> -> memref<1x!tpu.dma_semaphore, #tpu.memory_space<semaphore_mem>>
    %dma_start3A_478 = tpu.memref_squeeze %dma_start3A_477 : memref<1x!tpu.dma_semaphore, #tpu.memory_space<semaphore_mem>> -> memref<!tpu.dma_semaphore, #tpu.memory_space<semaphore_mem>>
    tpu.enqueue_indirect_dma source(%dma_start3A_476 : memref<131072x128xf32, #tpu.memory_space<hbm>>) target(%dma_start3A_470 : memref<128x128xf32, #tpu.memory_space<vmem>>) offsets(%dma_start3A_473 : memref<128xi32, #tpu.memory_space<vmem>>) semaphore(%dma_start3A_478 : memref<!tpu.dma_semaphore, #tpu.memory_space<semaphore_mem>>)
    %dma_wait3A_479 = arith.constant 2 : i32
    %dma_wait3A_480 = arith.constant 2 : i32
    %dma_wait3A_481 = arith.constant 2 : i32
    %dma_wait3A_482 = arith.constant 0 : i32
    %dma_wait3A_483 = arith.constant 0 : i32
    %dma_wait3A_484 = tpu.memref_slice %arg18[%dma_wait3A_480, %dma_wait3A_482, %dma_wait3A_483] : memref<4x128x128xf32, #tpu.memory_space<vmem>> -> memref<1x128x128xf32, #tpu.memory_space<vmem>>
    %dma_wait3A_485 = tpu.memref_squeeze %dma_wait3A_484 : memref<1x128x128xf32, #tpu.memory_space<vmem>> -> memref<128x128xf32, #tpu.memory_space<vmem>>
    %dma_wait3A_486 = arith.constant 0 : i32
    %dma_wait3A_487 = tpu.memref_slice %arg15[%dma_wait3A_479, %dma_wait3A_486] : memref<4x128xi32, #tpu.memory_space<vmem>> -> memref<1x128xi32, #tpu.memory_space<vmem>>
    %dma_wait3A_488 = tpu.memref_squeeze %dma_wait3A_487 : memref<1x128xi32, #tpu.memory_space<vmem>> -> memref<128xi32, #tpu.memory_space<vmem>>
    %dma_wait3A_489 = arith.constant 0 : i32
    %dma_wait3A_490 = arith.constant 0 : i32
    %dma_wait3A_491 = tpu.memref_slice %arg7[%dma_wait3A_489, %dma_wait3A_490] : memref<16384x128xf32, #tpu.memory_space<hbm>> -> memref<16384x128xf32, #tpu.memory_space<hbm>>
    %dma_wait3A_492 = tpu.memref_slice %arg19[%dma_wait3A_481] : memref<4x!tpu.dma_semaphore, #tpu.memory_space<semaphore_mem>> -> memref<1x!tpu.dma_semaphore, #tpu.memory_space<semaphore_mem>>
    %dma_wait3A_493 = tpu.memref_squeeze %dma_wait3A_492 : memref<1x!tpu.dma_semaphore, #tpu.memory_space<semaphore_mem>> -> memref<!tpu.dma_semaphore, #tpu.memory_space<semaphore_mem>>
    tpu.wait_indirect_dma semaphore(%dma_wait3A_493 : memref<!tpu.dma_semaphore, #tpu.memory_space<semaphore_mem>>) src(%dma_wait3A_491 : memref<16384x128xf32, #tpu.memory_space<hbm>>) dst(%dma_wait3A_485 : memref<128x128xf32, #tpu.memory_space<vmem>>)
    %add3A_494 = arith.constant 256 : i32
    %add3A_495 = arith.addi %mul3A_2, %add3A_494 : i32
    %dma_start3A_496 = arith.constant 2 : i32
    %dma_start3A_497 = arith.constant 2 : i32
    %dma_start3A_498 = arith.constant 0 : i32
    %dma_start3A_499 = arith.constant 0 : i32
    %dma_start3A_500 = tpu.memref_slice %arg18[%dma_start3A_496, %dma_start3A_498, %dma_start3A_499] : memref<4x128x128xf32, #tpu.memory_space<vmem>> -> memref<1x128x128xf32, #tpu.memory_space<vmem>>
    %dma_start3A_501 = tpu.memref_squeeze %dma_start3A_500 : memref<1x128x128xf32, #tpu.memory_space<vmem>> -> memref<128x128xf32, #tpu.memory_space<vmem>>
    %dma_start3A_502 = arith.constant 0 : i32
    %dma_start3A_503 = tpu.memref_slice %arg11[%add3A_495, %dma_start3A_502] : memref<16384x128xf32, #tpu.memory_space<hbm>> -> memref<128x128xf32, #tpu.memory_space<hbm>>
    %dma_start3A_504 = tpu.memref_slice %arg20[%dma_start3A_497] : memref<4x!tpu.dma_semaphore, #tpu.memory_space<semaphore_mem>> -> memref<1x!tpu.dma_semaphore, #tpu.memory_space<semaphore_mem>>
    %dma_start3A_505 = tpu.memref_squeeze %dma_start3A_504 : memref<1x!tpu.dma_semaphore, #tpu.memory_space<semaphore_mem>> -> memref<!tpu.dma_semaphore, #tpu.memory_space<semaphore_mem>>
    %dma_start3A_506 = arith.constant 0 : i32
    %dma_start3A_507 = tpu.memref_slice %arg11[%add3A_495, %dma_start3A_506] : memref<16384x128xf32, #tpu.memory_space<hbm>> -> memref<128x128xf32, #tpu.memory_space<hbm>>
    %dma_start3A_508 = arith.constant 0 : i32
    %dma_start3A_509 = arith.constant 0 : i32
    %dma_start3A_510 = tpu.memref_slice %arg18[%dma_start3A_496, %dma_start3A_508, %dma_start3A_509] : memref<4x128x128xf32, #tpu.memory_space<vmem>> -> memref<1x128x128xf32, #tpu.memory_space<vmem>>
    %dma_start3A_511 = tpu.memref_squeeze %dma_start3A_510 : memref<1x128x128xf32, #tpu.memory_space<vmem>> -> memref<128x128xf32, #tpu.memory_space<vmem>>
    tpu.enqueue_dma source(%dma_start3A_511 : memref<128x128xf32, #tpu.memory_space<vmem>>) target(%dma_start3A_507 : memref<128x128xf32, #tpu.memory_space<hbm>>) target_semaphore(%dma_start3A_505 : memref<!tpu.dma_semaphore, #tpu.memory_space<semaphore_mem>>)
    %dma_wait3A_512 = arith.constant 2 : i32
    %dma_wait3A_513 = arith.constant 2 : i32
    %dma_wait3A_514 = arith.constant 0 : i32
    %dma_wait3A_515 = arith.constant 0 : i32
    %dma_wait3A_516 = tpu.memref_slice %arg18[%dma_wait3A_512, %dma_wait3A_514, %dma_wait3A_515] : memref<4x128x128xf32, #tpu.memory_space<vmem>> -> memref<1x128x128xf32, #tpu.memory_space<vmem>>
    %dma_wait3A_517 = tpu.memref_squeeze %dma_wait3A_516 : memref<1x128x128xf32, #tpu.memory_space<vmem>> -> memref<128x128xf32, #tpu.memory_space<vmem>>
    %dma_wait3A_518 = arith.constant 0 : i32
    %dma_wait3A_519 = tpu.memref_slice %arg11[%add3A_495, %dma_wait3A_518] : memref<16384x128xf32, #tpu.memory_space<hbm>> -> memref<128x128xf32, #tpu.memory_space<hbm>>
    %dma_wait3A_520 = tpu.memref_slice %arg20[%dma_wait3A_513] : memref<4x!tpu.dma_semaphore, #tpu.memory_space<semaphore_mem>> -> memref<1x!tpu.dma_semaphore, #tpu.memory_space<semaphore_mem>>
    %dma_wait3A_521 = tpu.memref_squeeze %dma_wait3A_520 : memref<1x!tpu.dma_semaphore, #tpu.memory_space<semaphore_mem>> -> memref<!tpu.dma_semaphore, #tpu.memory_space<semaphore_mem>>
    %dma_wait3A_522 = arith.constant 0 : i32
    %dma_wait3A_523 = tpu.memref_slice %arg11[%add3A_495, %dma_wait3A_522] : memref<16384x128xf32, #tpu.memory_space<hbm>> -> memref<128x128xf32, #tpu.memory_space<hbm>>
    %dma_wait3A_524 = arith.constant 0 : i32
    %dma_wait3A_525 = arith.constant 0 : i32
    %dma_wait3A_526 = tpu.memref_slice %arg18[%dma_wait3A_512, %dma_wait3A_524, %dma_wait3A_525] : memref<4x128x128xf32, #tpu.memory_space<vmem>> -> memref<1x128x128xf32, #tpu.memory_space<vmem>>
    %dma_wait3A_527 = tpu.memref_squeeze %dma_wait3A_526 : memref<1x128x128xf32, #tpu.memory_space<vmem>> -> memref<128x128xf32, #tpu.memory_space<vmem>>
    tpu.wait_dma2 semaphore(%dma_wait3A_521 : memref<!tpu.dma_semaphore, #tpu.memory_space<semaphore_mem>>) src(%dma_wait3A_527 : memref<128x128xf32, #tpu.memory_space<vmem>>) dst(%dma_wait3A_523 : memref<128x128xf32, #tpu.memory_space<hbm>>)
    %dma_start3A_528 = arith.constant 2 : i32
    %dma_start3A_529 = arith.constant 2 : i32
    %dma_start3A_530 = arith.constant 2 : i32
    %dma_start3A_531 = arith.constant 0 : i32
    %dma_start3A_532 = arith.constant 0 : i32
    %dma_start3A_533 = tpu.memref_slice %arg18[%dma_start3A_529, %dma_start3A_531, %dma_start3A_532] : memref<4x128x128xf32, #tpu.memory_space<vmem>> -> memref<1x128x128xf32, #tpu.memory_space<vmem>>
    %dma_start3A_534 = tpu.memref_squeeze %dma_start3A_533 : memref<1x128x128xf32, #tpu.memory_space<vmem>> -> memref<128x128xf32, #tpu.memory_space<vmem>>
    %dma_start3A_535 = arith.constant 0 : i32
    %dma_start3A_536 = tpu.memref_slice %arg16[%dma_start3A_528, %dma_start3A_535] : memref<4x128xi32, #tpu.memory_space<vmem>> -> memref<1x128xi32, #tpu.memory_space<vmem>>
    %dma_start3A_537 = tpu.memref_squeeze %dma_start3A_536 : memref<1x128xi32, #tpu.memory_space<vmem>> -> memref<128xi32, #tpu.memory_space<vmem>>
    %dma_start3A_538 = arith.constant 0 : i32
    %dma_start3A_539 = arith.constant 0 : i32
    %dma_start3A_540 = tpu.memref_slice %arg8[%dma_start3A_538, %dma_start3A_539] : memref<131072x128xf32, #tpu.memory_space<hbm>> -> memref<131072x128xf32, #tpu.memory_space<hbm>>
    %dma_start3A_541 = tpu.memref_slice %arg19[%dma_start3A_530] : memref<4x!tpu.dma_semaphore, #tpu.memory_space<semaphore_mem>> -> memref<1x!tpu.dma_semaphore, #tpu.memory_space<semaphore_mem>>
    %dma_start3A_542 = tpu.memref_squeeze %dma_start3A_541 : memref<1x!tpu.dma_semaphore, #tpu.memory_space<semaphore_mem>> -> memref<!tpu.dma_semaphore, #tpu.memory_space<semaphore_mem>>
    tpu.enqueue_indirect_dma source(%dma_start3A_540 : memref<131072x128xf32, #tpu.memory_space<hbm>>) target(%dma_start3A_534 : memref<128x128xf32, #tpu.memory_space<vmem>>) offsets(%dma_start3A_537 : memref<128xi32, #tpu.memory_space<vmem>>) semaphore(%dma_start3A_542 : memref<!tpu.dma_semaphore, #tpu.memory_space<semaphore_mem>>)
    %dma_wait3A_543 = arith.constant 3 : i32
    %dma_wait3A_544 = arith.constant 3 : i32
    %dma_wait3A_545 = arith.constant 3 : i32
    %dma_wait3A_546 = arith.constant 0 : i32
    %dma_wait3A_547 = arith.constant 0 : i32
    %dma_wait3A_548 = tpu.memref_slice %arg18[%dma_wait3A_544, %dma_wait3A_546, %dma_wait3A_547] : memref<4x128x128xf32, #tpu.memory_space<vmem>> -> memref<1x128x128xf32, #tpu.memory_space<vmem>>
    %dma_wait3A_549 = tpu.memref_squeeze %dma_wait3A_548 : memref<1x128x128xf32, #tpu.memory_space<vmem>> -> memref<128x128xf32, #tpu.memory_space<vmem>>
    %dma_wait3A_550 = arith.constant 0 : i32
    %dma_wait3A_551 = tpu.memref_slice %arg15[%dma_wait3A_543, %dma_wait3A_550] : memref<4x128xi32, #tpu.memory_space<vmem>> -> memref<1x128xi32, #tpu.memory_space<vmem>>
    %dma_wait3A_552 = tpu.memref_squeeze %dma_wait3A_551 : memref<1x128xi32, #tpu.memory_space<vmem>> -> memref<128xi32, #tpu.memory_space<vmem>>
    %dma_wait3A_553 = arith.constant 0 : i32
    %dma_wait3A_554 = arith.constant 0 : i32
    %dma_wait3A_555 = tpu.memref_slice %arg7[%dma_wait3A_553, %dma_wait3A_554] : memref<16384x128xf32, #tpu.memory_space<hbm>> -> memref<16384x128xf32, #tpu.memory_space<hbm>>
    %dma_wait3A_556 = tpu.memref_slice %arg19[%dma_wait3A_545] : memref<4x!tpu.dma_semaphore, #tpu.memory_space<semaphore_mem>> -> memref<1x!tpu.dma_semaphore, #tpu.memory_space<semaphore_mem>>
    %dma_wait3A_557 = tpu.memref_squeeze %dma_wait3A_556 : memref<1x!tpu.dma_semaphore, #tpu.memory_space<semaphore_mem>> -> memref<!tpu.dma_semaphore, #tpu.memory_space<semaphore_mem>>
    tpu.wait_indirect_dma semaphore(%dma_wait3A_557 : memref<!tpu.dma_semaphore, #tpu.memory_space<semaphore_mem>>) src(%dma_wait3A_555 : memref<16384x128xf32, #tpu.memory_space<hbm>>) dst(%dma_wait3A_549 : memref<128x128xf32, #tpu.memory_space<vmem>>)
    %add3A_558 = arith.constant 384 : i32
    %add3A_559 = arith.addi %mul3A_2, %add3A_558 : i32
    %dma_start3A_560 = arith.constant 3 : i32
    %dma_start3A_561 = arith.constant 3 : i32
    %dma_start3A_562 = arith.constant 0 : i32
    %dma_start3A_563 = arith.constant 0 : i32
    %dma_start3A_564 = tpu.memref_slice %arg18[%dma_start3A_560, %dma_start3A_562, %dma_start3A_563] : memref<4x128x128xf32, #tpu.memory_space<vmem>> -> memref<1x128x128xf32, #tpu.memory_space<vmem>>
    %dma_start3A_565 = tpu.memref_squeeze %dma_start3A_564 : memref<1x128x128xf32, #tpu.memory_space<vmem>> -> memref<128x128xf32, #tpu.memory_space<vmem>>
    %dma_start3A_566 = arith.constant 0 : i32
    %dma_start3A_567 = tpu.memref_slice %arg11[%add3A_559, %dma_start3A_566] : memref<16384x128xf32, #tpu.memory_space<hbm>> -> memref<128x128xf32, #tpu.memory_space<hbm>>
    %dma_start3A_568 = tpu.memref_slice %arg20[%dma_start3A_561] : memref<4x!tpu.dma_semaphore, #tpu.memory_space<semaphore_mem>> -> memref<1x!tpu.dma_semaphore, #tpu.memory_space<semaphore_mem>>
    %dma_start3A_569 = tpu.memref_squeeze %dma_start3A_568 : memref<1x!tpu.dma_semaphore, #tpu.memory_space<semaphore_mem>> -> memref<!tpu.dma_semaphore, #tpu.memory_space<semaphore_mem>>
    %dma_start3A_570 = arith.constant 0 : i32
    %dma_start3A_571 = tpu.memref_slice %arg11[%add3A_559, %dma_start3A_570] : memref<16384x128xf32, #tpu.memory_space<hbm>> -> memref<128x128xf32, #tpu.memory_space<hbm>>
    %dma_start3A_572 = arith.constant 0 : i32
    %dma_start3A_573 = arith.constant 0 : i32
    %dma_start3A_574 = tpu.memref_slice %arg18[%dma_start3A_560, %dma_start3A_572, %dma_start3A_573] : memref<4x128x128xf32, #tpu.memory_space<vmem>> -> memref<1x128x128xf32, #tpu.memory_space<vmem>>
    %dma_start3A_575 = tpu.memref_squeeze %dma_start3A_574 : memref<1x128x128xf32, #tpu.memory_space<vmem>> -> memref<128x128xf32, #tpu.memory_space<vmem>>
    tpu.enqueue_dma source(%dma_start3A_575 : memref<128x128xf32, #tpu.memory_space<vmem>>) target(%dma_start3A_571 : memref<128x128xf32, #tpu.memory_space<hbm>>) target_semaphore(%dma_start3A_569 : memref<!tpu.dma_semaphore, #tpu.memory_space<semaphore_mem>>)
    %dma_wait3A_576 = arith.constant 3 : i32
    %dma_wait3A_577 = arith.constant 3 : i32
    %dma_wait3A_578 = arith.constant 0 : i32
    %dma_wait3A_579 = arith.constant 0 : i32
    %dma_wait3A_580 = tpu.memref_slice %arg18[%dma_wait3A_576, %dma_wait3A_578, %dma_wait3A_579] : memref<4x128x128xf32, #tpu.memory_space<vmem>> -> memref<1x128x128xf32, #tpu.memory_space<vmem>>
    %dma_wait3A_581 = tpu.memref_squeeze %dma_wait3A_580 : memref<1x128x128xf32, #tpu.memory_space<vmem>> -> memref<128x128xf32, #tpu.memory_space<vmem>>
    %dma_wait3A_582 = arith.constant 0 : i32
    %dma_wait3A_583 = tpu.memref_slice %arg11[%add3A_559, %dma_wait3A_582] : memref<16384x128xf32, #tpu.memory_space<hbm>> -> memref<128x128xf32, #tpu.memory_space<hbm>>
    %dma_wait3A_584 = tpu.memref_slice %arg20[%dma_wait3A_577] : memref<4x!tpu.dma_semaphore, #tpu.memory_space<semaphore_mem>> -> memref<1x!tpu.dma_semaphore, #tpu.memory_space<semaphore_mem>>
    %dma_wait3A_585 = tpu.memref_squeeze %dma_wait3A_584 : memref<1x!tpu.dma_semaphore, #tpu.memory_space<semaphore_mem>> -> memref<!tpu.dma_semaphore, #tpu.memory_space<semaphore_mem>>
    %dma_wait3A_586 = arith.constant 0 : i32
    %dma_wait3A_587 = tpu.memref_slice %arg11[%add3A_559, %dma_wait3A_586] : memref<16384x128xf32, #tpu.memory_space<hbm>> -> memref<128x128xf32, #tpu.memory_space<hbm>>
    %dma_wait3A_588 = arith.constant 0 : i32
    %dma_wait3A_589 = arith.constant 0 : i32
    %dma_wait3A_590 = tpu.memref_slice %arg18[%dma_wait3A_576, %dma_wait3A_588, %dma_wait3A_589] : memref<4x128x128xf32, #tpu.memory_space<vmem>> -> memref<1x128x128xf32, #tpu.memory_space<vmem>>
    %dma_wait3A_591 = tpu.memref_squeeze %dma_wait3A_590 : memref<1x128x128xf32, #tpu.memory_space<vmem>> -> memref<128x128xf32, #tpu.memory_space<vmem>>
    tpu.wait_dma2 semaphore(%dma_wait3A_585 : memref<!tpu.dma_semaphore, #tpu.memory_space<semaphore_mem>>) src(%dma_wait3A_591 : memref<128x128xf32, #tpu.memory_space<vmem>>) dst(%dma_wait3A_587 : memref<128x128xf32, #tpu.memory_space<hbm>>)
    %dma_start3A_592 = arith.constant 3 : i32
    %dma_start3A_593 = arith.constant 3 : i32
    %dma_start3A_594 = arith.constant 3 : i32
    %dma_start3A_595 = arith.constant 0 : i32
    %dma_start3A_596 = arith.constant 0 : i32
    %dma_start3A_597 = tpu.memref_slice %arg18[%dma_start3A_593, %dma_start3A_595, %dma_start3A_596] : memref<4x128x128xf32, #tpu.memory_space<vmem>> -> memref<1x128x128xf32, #tpu.memory_space<vmem>>
    %dma_start3A_598 = tpu.memref_squeeze %dma_start3A_597 : memref<1x128x128xf32, #tpu.memory_space<vmem>> -> memref<128x128xf32, #tpu.memory_space<vmem>>
    %dma_start3A_599 = arith.constant 0 : i32
    %dma_start3A_600 = tpu.memref_slice %arg16[%dma_start3A_592, %dma_start3A_599] : memref<4x128xi32, #tpu.memory_space<vmem>> -> memref<1x128xi32, #tpu.memory_space<vmem>>
    %dma_start3A_601 = tpu.memref_squeeze %dma_start3A_600 : memref<1x128xi32, #tpu.memory_space<vmem>> -> memref<128xi32, #tpu.memory_space<vmem>>
    %dma_start3A_602 = arith.constant 0 : i32
    %dma_start3A_603 = arith.constant 0 : i32
    %dma_start3A_604 = tpu.memref_slice %arg8[%dma_start3A_602, %dma_start3A_603] : memref<131072x128xf32, #tpu.memory_space<hbm>> -> memref<131072x128xf32, #tpu.memory_space<hbm>>
    %dma_start3A_605 = tpu.memref_slice %arg19[%dma_start3A_594] : memref<4x!tpu.dma_semaphore, #tpu.memory_space<semaphore_mem>> -> memref<1x!tpu.dma_semaphore, #tpu.memory_space<semaphore_mem>>
    %dma_start3A_606 = tpu.memref_squeeze %dma_start3A_605 : memref<1x!tpu.dma_semaphore, #tpu.memory_space<semaphore_mem>> -> memref<!tpu.dma_semaphore, #tpu.memory_space<semaphore_mem>>
    tpu.enqueue_indirect_dma source(%dma_start3A_604 : memref<131072x128xf32, #tpu.memory_space<hbm>>) target(%dma_start3A_598 : memref<128x128xf32, #tpu.memory_space<vmem>>) offsets(%dma_start3A_601 : memref<128xi32, #tpu.memory_space<vmem>>) semaphore(%dma_start3A_606 : memref<!tpu.dma_semaphore, #tpu.memory_space<semaphore_mem>>)
    %dma_wait3A_607 = arith.constant 0 : i32
    %dma_wait3A_608 = arith.constant 0 : i32
    %dma_wait3A_609 = arith.constant 0 : i32
    %dma_wait3A_610 = arith.constant 0 : i32
    %dma_wait3A_611 = arith.constant 0 : i32
    %dma_wait3A_612 = tpu.memref_slice %arg18[%dma_wait3A_608, %dma_wait3A_610, %dma_wait3A_611] : memref<4x128x128xf32, #tpu.memory_space<vmem>> -> memref<1x128x128xf32, #tpu.memory_space<vmem>>
    %dma_wait3A_613 = tpu.memref_squeeze %dma_wait3A_612 : memref<1x128x128xf32, #tpu.memory_space<vmem>> -> memref<128x128xf32, #tpu.memory_space<vmem>>
    %dma_wait3A_614 = arith.constant 0 : i32
    %dma_wait3A_615 = tpu.memref_slice %arg16[%dma_wait3A_607, %dma_wait3A_614] : memref<4x128xi32, #tpu.memory_space<vmem>> -> memref<1x128xi32, #tpu.memory_space<vmem>>
    %dma_wait3A_616 = tpu.memref_squeeze %dma_wait3A_615 : memref<1x128xi32, #tpu.memory_space<vmem>> -> memref<128xi32, #tpu.memory_space<vmem>>
    %dma_wait3A_617 = arith.constant 0 : i32
    %dma_wait3A_618 = arith.constant 0 : i32
    %dma_wait3A_619 = tpu.memref_slice %arg8[%dma_wait3A_617, %dma_wait3A_618] : memref<131072x128xf32, #tpu.memory_space<hbm>> -> memref<131072x128xf32, #tpu.memory_space<hbm>>
    %dma_wait3A_620 = tpu.memref_slice %arg19[%dma_wait3A_609] : memref<4x!tpu.dma_semaphore, #tpu.memory_space<semaphore_mem>> -> memref<1x!tpu.dma_semaphore, #tpu.memory_space<semaphore_mem>>
    %dma_wait3A_621 = tpu.memref_squeeze %dma_wait3A_620 : memref<1x!tpu.dma_semaphore, #tpu.memory_space<semaphore_mem>> -> memref<!tpu.dma_semaphore, #tpu.memory_space<semaphore_mem>>
    tpu.wait_indirect_dma semaphore(%dma_wait3A_621 : memref<!tpu.dma_semaphore, #tpu.memory_space<semaphore_mem>>) src(%dma_wait3A_619 : memref<131072x128xf32, #tpu.memory_space<hbm>>) dst(%dma_wait3A_613 : memref<128x128xf32, #tpu.memory_space<vmem>>)
    %add3A_622 = arith.constant 0 : i32
    %add3A_623 = arith.addi %mul3A_2, %add3A_622 : i32
    %dma_start3A_624 = arith.constant 0 : i32
    %dma_start3A_625 = arith.constant 0 : i32
    %dma_start3A_626 = arith.constant 0 : i32
    %dma_start3A_627 = arith.constant 0 : i32
    %dma_start3A_628 = tpu.memref_slice %arg18[%dma_start3A_624, %dma_start3A_626, %dma_start3A_627] : memref<4x128x128xf32, #tpu.memory_space<vmem>> -> memref<1x128x128xf32, #tpu.memory_space<vmem>>
    %dma_start3A_629 = tpu.memref_squeeze %dma_start3A_628 : memref<1x128x128xf32, #tpu.memory_space<vmem>> -> memref<128x128xf32, #tpu.memory_space<vmem>>
    %dma_start3A_630 = arith.constant 0 : i32
    %dma_start3A_631 = tpu.memref_slice %arg12[%add3A_623, %dma_start3A_630] : memref<16384x128xf32, #tpu.memory_space<hbm>> -> memref<128x128xf32, #tpu.memory_space<hbm>>
    %dma_start3A_632 = tpu.memref_slice %arg20[%dma_start3A_625] : memref<4x!tpu.dma_semaphore, #tpu.memory_space<semaphore_mem>> -> memref<1x!tpu.dma_semaphore, #tpu.memory_space<semaphore_mem>>
    %dma_start3A_633 = tpu.memref_squeeze %dma_start3A_632 : memref<1x!tpu.dma_semaphore, #tpu.memory_space<semaphore_mem>> -> memref<!tpu.dma_semaphore, #tpu.memory_space<semaphore_mem>>
    %dma_start3A_634 = arith.constant 0 : i32
    %dma_start3A_635 = tpu.memref_slice %arg12[%add3A_623, %dma_start3A_634] : memref<16384x128xf32, #tpu.memory_space<hbm>> -> memref<128x128xf32, #tpu.memory_space<hbm>>
    %dma_start3A_636 = arith.constant 0 : i32
    %dma_start3A_637 = arith.constant 0 : i32
    %dma_start3A_638 = tpu.memref_slice %arg18[%dma_start3A_624, %dma_start3A_636, %dma_start3A_637] : memref<4x128x128xf32, #tpu.memory_space<vmem>> -> memref<1x128x128xf32, #tpu.memory_space<vmem>>
    %dma_start3A_639 = tpu.memref_squeeze %dma_start3A_638 : memref<1x128x128xf32, #tpu.memory_space<vmem>> -> memref<128x128xf32, #tpu.memory_space<vmem>>
    tpu.enqueue_dma source(%dma_start3A_639 : memref<128x128xf32, #tpu.memory_space<vmem>>) target(%dma_start3A_635 : memref<128x128xf32, #tpu.memory_space<hbm>>) target_semaphore(%dma_start3A_633 : memref<!tpu.dma_semaphore, #tpu.memory_space<semaphore_mem>>)
    %dma_wait3A_640 = arith.constant 0 : i32
    %dma_wait3A_641 = arith.constant 0 : i32
    %dma_wait3A_642 = arith.constant 0 : i32
    %dma_wait3A_643 = arith.constant 0 : i32
    %dma_wait3A_644 = tpu.memref_slice %arg18[%dma_wait3A_640, %dma_wait3A_642, %dma_wait3A_643] : memref<4x128x128xf32, #tpu.memory_space<vmem>> -> memref<1x128x128xf32, #tpu.memory_space<vmem>>
    %dma_wait3A_645 = tpu.memref_squeeze %dma_wait3A_644 : memref<1x128x128xf32, #tpu.memory_space<vmem>> -> memref<128x128xf32, #tpu.memory_space<vmem>>
    %dma_wait3A_646 = arith.constant 0 : i32
    %dma_wait3A_647 = tpu.memref_slice %arg12[%add3A_623, %dma_wait3A_646] : memref<16384x128xf32, #tpu.memory_space<hbm>> -> memref<128x128xf32, #tpu.memory_space<hbm>>
    %dma_wait3A_648 = tpu.memref_slice %arg20[%dma_wait3A_641] : memref<4x!tpu.dma_semaphore, #tpu.memory_space<semaphore_mem>> -> memref<1x!tpu.dma_semaphore, #tpu.memory_space<semaphore_mem>>
    %dma_wait3A_649 = tpu.memref_squeeze %dma_wait3A_648 : memref<1x!tpu.dma_semaphore, #tpu.memory_space<semaphore_mem>> -> memref<!tpu.dma_semaphore, #tpu.memory_space<semaphore_mem>>
    %dma_wait3A_650 = arith.constant 0 : i32
    %dma_wait3A_651 = tpu.memref_slice %arg12[%add3A_623, %dma_wait3A_650] : memref<16384x128xf32, #tpu.memory_space<hbm>> -> memref<128x128xf32, #tpu.memory_space<hbm>>
    %dma_wait3A_652 = arith.constant 0 : i32
    %dma_wait3A_653 = arith.constant 0 : i32
    %dma_wait3A_654 = tpu.memref_slice %arg18[%dma_wait3A_640, %dma_wait3A_652, %dma_wait3A_653] : memref<4x128x128xf32, #tpu.memory_space<vmem>> -> memref<1x128x128xf32, #tpu.memory_space<vmem>>
    %dma_wait3A_655 = tpu.memref_squeeze %dma_wait3A_654 : memref<1x128x128xf32, #tpu.memory_space<vmem>> -> memref<128x128xf32, #tpu.memory_space<vmem>>
    tpu.wait_dma2 semaphore(%dma_wait3A_649 : memref<!tpu.dma_semaphore, #tpu.memory_space<semaphore_mem>>) src(%dma_wait3A_655 : memref<128x128xf32, #tpu.memory_space<vmem>>) dst(%dma_wait3A_651 : memref<128x128xf32, #tpu.memory_space<hbm>>)
    %dma_start3A_656 = arith.constant 0 : i32
    %dma_start3A_657 = arith.constant 0 : i32
    %dma_start3A_658 = arith.constant 0 : i32
    %dma_start3A_659 = arith.constant 0 : i32
    %dma_start3A_660 = arith.constant 0 : i32
    %dma_start3A_661 = tpu.memref_slice %arg18[%dma_start3A_657, %dma_start3A_659, %dma_start3A_660] : memref<4x128x128xf32, #tpu.memory_space<vmem>> -> memref<1x128x128xf32, #tpu.memory_space<vmem>>
    %dma_start3A_662 = tpu.memref_squeeze %dma_start3A_661 : memref<1x128x128xf32, #tpu.memory_space<vmem>> -> memref<128x128xf32, #tpu.memory_space<vmem>>
    %dma_start3A_663 = arith.constant 0 : i32
    %dma_start3A_664 = tpu.memref_slice %arg17[%dma_start3A_656, %dma_start3A_663] : memref<4x128xi32, #tpu.memory_space<vmem>> -> memref<1x128xi32, #tpu.memory_space<vmem>>
    %dma_start3A_665 = tpu.memref_squeeze %dma_start3A_664 : memref<1x128xi32, #tpu.memory_space<vmem>> -> memref<128xi32, #tpu.memory_space<vmem>>
    %dma_start3A_666 = arith.constant 0 : i32
    %dma_start3A_667 = arith.constant 0 : i32
    %dma_start3A_668 = tpu.memref_slice %arg9[%dma_start3A_666, %dma_start3A_667] : memref<65536x128xf32, #tpu.memory_space<hbm>> -> memref<65536x128xf32, #tpu.memory_space<hbm>>
    %dma_start3A_669 = tpu.memref_slice %arg19[%dma_start3A_658] : memref<4x!tpu.dma_semaphore, #tpu.memory_space<semaphore_mem>> -> memref<1x!tpu.dma_semaphore, #tpu.memory_space<semaphore_mem>>
    %dma_start3A_670 = tpu.memref_squeeze %dma_start3A_669 : memref<1x!tpu.dma_semaphore, #tpu.memory_space<semaphore_mem>> -> memref<!tpu.dma_semaphore, #tpu.memory_space<semaphore_mem>>
    tpu.enqueue_indirect_dma source(%dma_start3A_668 : memref<65536x128xf32, #tpu.memory_space<hbm>>) target(%dma_start3A_662 : memref<128x128xf32, #tpu.memory_space<vmem>>) offsets(%dma_start3A_665 : memref<128xi32, #tpu.memory_space<vmem>>) semaphore(%dma_start3A_670 : memref<!tpu.dma_semaphore, #tpu.memory_space<semaphore_mem>>)
    %dma_wait3A_671 = arith.constant 1 : i32
    %dma_wait3A_672 = arith.constant 1 : i32
    %dma_wait3A_673 = arith.constant 1 : i32
    %dma_wait3A_674 = arith.constant 0 : i32
    %dma_wait3A_675 = arith.constant 0 : i32
    %dma_wait3A_676 = tpu.memref_slice %arg18[%dma_wait3A_672, %dma_wait3A_674, %dma_wait3A_675] : memref<4x128x128xf32, #tpu.memory_space<vmem>> -> memref<1x128x128xf32, #tpu.memory_space<vmem>>
    %dma_wait3A_677 = tpu.memref_squeeze %dma_wait3A_676 : memref<1x128x128xf32, #tpu.memory_space<vmem>> -> memref<128x128xf32, #tpu.memory_space<vmem>>
    %dma_wait3A_678 = arith.constant 0 : i32
    %dma_wait3A_679 = tpu.memref_slice %arg16[%dma_wait3A_671, %dma_wait3A_678] : memref<4x128xi32, #tpu.memory_space<vmem>> -> memref<1x128xi32, #tpu.memory_space<vmem>>
    %dma_wait3A_680 = tpu.memref_squeeze %dma_wait3A_679 : memref<1x128xi32, #tpu.memory_space<vmem>> -> memref<128xi32, #tpu.memory_space<vmem>>
    %dma_wait3A_681 = arith.constant 0 : i32
    %dma_wait3A_682 = arith.constant 0 : i32
    %dma_wait3A_683 = tpu.memref_slice %arg8[%dma_wait3A_681, %dma_wait3A_682] : memref<131072x128xf32, #tpu.memory_space<hbm>> -> memref<131072x128xf32, #tpu.memory_space<hbm>>
    %dma_wait3A_684 = tpu.memref_slice %arg19[%dma_wait3A_673] : memref<4x!tpu.dma_semaphore, #tpu.memory_space<semaphore_mem>> -> memref<1x!tpu.dma_semaphore, #tpu.memory_space<semaphore_mem>>
    %dma_wait3A_685 = tpu.memref_squeeze %dma_wait3A_684 : memref<1x!tpu.dma_semaphore, #tpu.memory_space<semaphore_mem>> -> memref<!tpu.dma_semaphore, #tpu.memory_space<semaphore_mem>>
    tpu.wait_indirect_dma semaphore(%dma_wait3A_685 : memref<!tpu.dma_semaphore, #tpu.memory_space<semaphore_mem>>) src(%dma_wait3A_683 : memref<131072x128xf32, #tpu.memory_space<hbm>>) dst(%dma_wait3A_677 : memref<128x128xf32, #tpu.memory_space<vmem>>)
    %add3A_686 = arith.constant 128 : i32
    %add3A_687 = arith.addi %mul3A_2, %add3A_686 : i32
    %dma_start3A_688 = arith.constant 1 : i32
    %dma_start3A_689 = arith.constant 1 : i32
    %dma_start3A_690 = arith.constant 0 : i32
    %dma_start3A_691 = arith.constant 0 : i32
    %dma_start3A_692 = tpu.memref_slice %arg18[%dma_start3A_688, %dma_start3A_690, %dma_start3A_691] : memref<4x128x128xf32, #tpu.memory_space<vmem>> -> memref<1x128x128xf32, #tpu.memory_space<vmem>>
    %dma_start3A_693 = tpu.memref_squeeze %dma_start3A_692 : memref<1x128x128xf32, #tpu.memory_space<vmem>> -> memref<128x128xf32, #tpu.memory_space<vmem>>
    %dma_start3A_694 = arith.constant 0 : i32
    %dma_start3A_695 = tpu.memref_slice %arg12[%add3A_687, %dma_start3A_694] : memref<16384x128xf32, #tpu.memory_space<hbm>> -> memref<128x128xf32, #tpu.memory_space<hbm>>
    %dma_start3A_696 = tpu.memref_slice %arg20[%dma_start3A_689] : memref<4x!tpu.dma_semaphore, #tpu.memory_space<semaphore_mem>> -> memref<1x!tpu.dma_semaphore, #tpu.memory_space<semaphore_mem>>
    %dma_start3A_697 = tpu.memref_squeeze %dma_start3A_696 : memref<1x!tpu.dma_semaphore, #tpu.memory_space<semaphore_mem>> -> memref<!tpu.dma_semaphore, #tpu.memory_space<semaphore_mem>>
    %dma_start3A_698 = arith.constant 0 : i32
    %dma_start3A_699 = tpu.memref_slice %arg12[%add3A_687, %dma_start3A_698] : memref<16384x128xf32, #tpu.memory_space<hbm>> -> memref<128x128xf32, #tpu.memory_space<hbm>>
    %dma_start3A_700 = arith.constant 0 : i32
    %dma_start3A_701 = arith.constant 0 : i32
    %dma_start3A_702 = tpu.memref_slice %arg18[%dma_start3A_688, %dma_start3A_700, %dma_start3A_701] : memref<4x128x128xf32, #tpu.memory_space<vmem>> -> memref<1x128x128xf32, #tpu.memory_space<vmem>>
    %dma_start3A_703 = tpu.memref_squeeze %dma_start3A_702 : memref<1x128x128xf32, #tpu.memory_space<vmem>> -> memref<128x128xf32, #tpu.memory_space<vmem>>
    tpu.enqueue_dma source(%dma_start3A_703 : memref<128x128xf32, #tpu.memory_space<vmem>>) target(%dma_start3A_699 : memref<128x128xf32, #tpu.memory_space<hbm>>) target_semaphore(%dma_start3A_697 : memref<!tpu.dma_semaphore, #tpu.memory_space<semaphore_mem>>)
    %dma_wait3A_704 = arith.constant 1 : i32
    %dma_wait3A_705 = arith.constant 1 : i32
    %dma_wait3A_706 = arith.constant 0 : i32
    %dma_wait3A_707 = arith.constant 0 : i32
    %dma_wait3A_708 = tpu.memref_slice %arg18[%dma_wait3A_704, %dma_wait3A_706, %dma_wait3A_707] : memref<4x128x128xf32, #tpu.memory_space<vmem>> -> memref<1x128x128xf32, #tpu.memory_space<vmem>>
    %dma_wait3A_709 = tpu.memref_squeeze %dma_wait3A_708 : memref<1x128x128xf32, #tpu.memory_space<vmem>> -> memref<128x128xf32, #tpu.memory_space<vmem>>
    %dma_wait3A_710 = arith.constant 0 : i32
    %dma_wait3A_711 = tpu.memref_slice %arg12[%add3A_687, %dma_wait3A_710] : memref<16384x128xf32, #tpu.memory_space<hbm>> -> memref<128x128xf32, #tpu.memory_space<hbm>>
    %dma_wait3A_712 = tpu.memref_slice %arg20[%dma_wait3A_705] : memref<4x!tpu.dma_semaphore, #tpu.memory_space<semaphore_mem>> -> memref<1x!tpu.dma_semaphore, #tpu.memory_space<semaphore_mem>>
    %dma_wait3A_713 = tpu.memref_squeeze %dma_wait3A_712 : memref<1x!tpu.dma_semaphore, #tpu.memory_space<semaphore_mem>> -> memref<!tpu.dma_semaphore, #tpu.memory_space<semaphore_mem>>
    %dma_wait3A_714 = arith.constant 0 : i32
    %dma_wait3A_715 = tpu.memref_slice %arg12[%add3A_687, %dma_wait3A_714] : memref<16384x128xf32, #tpu.memory_space<hbm>> -> memref<128x128xf32, #tpu.memory_space<hbm>>
    %dma_wait3A_716 = arith.constant 0 : i32
    %dma_wait3A_717 = arith.constant 0 : i32
    %dma_wait3A_718 = tpu.memref_slice %arg18[%dma_wait3A_704, %dma_wait3A_716, %dma_wait3A_717] : memref<4x128x128xf32, #tpu.memory_space<vmem>> -> memref<1x128x128xf32, #tpu.memory_space<vmem>>
    %dma_wait3A_719 = tpu.memref_squeeze %dma_wait3A_718 : memref<1x128x128xf32, #tpu.memory_space<vmem>> -> memref<128x128xf32, #tpu.memory_space<vmem>>
    tpu.wait_dma2 semaphore(%dma_wait3A_713 : memref<!tpu.dma_semaphore, #tpu.memory_space<semaphore_mem>>) src(%dma_wait3A_719 : memref<128x128xf32, #tpu.memory_space<vmem>>) dst(%dma_wait3A_715 : memref<128x128xf32, #tpu.memory_space<hbm>>)
    %dma_start3A_720 = arith.constant 1 : i32
    %dma_start3A_721 = arith.constant 1 : i32
    %dma_start3A_722 = arith.constant 1 : i32
    %dma_start3A_723 = arith.constant 0 : i32
    %dma_start3A_724 = arith.constant 0 : i32
    %dma_start3A_725 = tpu.memref_slice %arg18[%dma_start3A_721, %dma_start3A_723, %dma_start3A_724] : memref<4x128x128xf32, #tpu.memory_space<vmem>> -> memref<1x128x128xf32, #tpu.memory_space<vmem>>
    %dma_start3A_726 = tpu.memref_squeeze %dma_start3A_725 : memref<1x128x128xf32, #tpu.memory_space<vmem>> -> memref<128x128xf32, #tpu.memory_space<vmem>>
    %dma_start3A_727 = arith.constant 0 : i32
    %dma_start3A_728 = tpu.memref_slice %arg17[%dma_start3A_720, %dma_start3A_727] : memref<4x128xi32, #tpu.memory_space<vmem>> -> memref<1x128xi32, #tpu.memory_space<vmem>>
    %dma_start3A_729 = tpu.memref_squeeze %dma_start3A_728 : memref<1x128xi32, #tpu.memory_space<vmem>> -> memref<128xi32, #tpu.memory_space<vmem>>
    %dma_start3A_730 = arith.constant 0 : i32
    %dma_start3A_731 = arith.constant 0 : i32
    %dma_start3A_732 = tpu.memref_slice %arg9[%dma_start3A_730, %dma_start3A_731] : memref<65536x128xf32, #tpu.memory_space<hbm>> -> memref<65536x128xf32, #tpu.memory_space<hbm>>
    %dma_start3A_733 = tpu.memref_slice %arg19[%dma_start3A_722] : memref<4x!tpu.dma_semaphore, #tpu.memory_space<semaphore_mem>> -> memref<1x!tpu.dma_semaphore, #tpu.memory_space<semaphore_mem>>
    %dma_start3A_734 = tpu.memref_squeeze %dma_start3A_733 : memref<1x!tpu.dma_semaphore, #tpu.memory_space<semaphore_mem>> -> memref<!tpu.dma_semaphore, #tpu.memory_space<semaphore_mem>>
    tpu.enqueue_indirect_dma source(%dma_start3A_732 : memref<65536x128xf32, #tpu.memory_space<hbm>>) target(%dma_start3A_726 : memref<128x128xf32, #tpu.memory_space<vmem>>) offsets(%dma_start3A_729 : memref<128xi32, #tpu.memory_space<vmem>>) semaphore(%dma_start3A_734 : memref<!tpu.dma_semaphore, #tpu.memory_space<semaphore_mem>>)
    %dma_wait3A_735 = arith.constant 2 : i32
    %dma_wait3A_736 = arith.constant 2 : i32
    %dma_wait3A_737 = arith.constant 2 : i32
    %dma_wait3A_738 = arith.constant 0 : i32
    %dma_wait3A_739 = arith.constant 0 : i32
    %dma_wait3A_740 = tpu.memref_slice %arg18[%dma_wait3A_736, %dma_wait3A_738, %dma_wait3A_739] : memref<4x128x128xf32, #tpu.memory_space<vmem>> -> memref<1x128x128xf32, #tpu.memory_space<vmem>>
    %dma_wait3A_741 = tpu.memref_squeeze %dma_wait3A_740 : memref<1x128x128xf32, #tpu.memory_space<vmem>> -> memref<128x128xf32, #tpu.memory_space<vmem>>
    %dma_wait3A_742 = arith.constant 0 : i32
    %dma_wait3A_743 = tpu.memref_slice %arg16[%dma_wait3A_735, %dma_wait3A_742] : memref<4x128xi32, #tpu.memory_space<vmem>> -> memref<1x128xi32, #tpu.memory_space<vmem>>
    %dma_wait3A_744 = tpu.memref_squeeze %dma_wait3A_743 : memref<1x128xi32, #tpu.memory_space<vmem>> -> memref<128xi32, #tpu.memory_space<vmem>>
    %dma_wait3A_745 = arith.constant 0 : i32
    %dma_wait3A_746 = arith.constant 0 : i32
    %dma_wait3A_747 = tpu.memref_slice %arg8[%dma_wait3A_745, %dma_wait3A_746] : memref<131072x128xf32, #tpu.memory_space<hbm>> -> memref<131072x128xf32, #tpu.memory_space<hbm>>
    %dma_wait3A_748 = tpu.memref_slice %arg19[%dma_wait3A_737] : memref<4x!tpu.dma_semaphore, #tpu.memory_space<semaphore_mem>> -> memref<1x!tpu.dma_semaphore, #tpu.memory_space<semaphore_mem>>
    %dma_wait3A_749 = tpu.memref_squeeze %dma_wait3A_748 : memref<1x!tpu.dma_semaphore, #tpu.memory_space<semaphore_mem>> -> memref<!tpu.dma_semaphore, #tpu.memory_space<semaphore_mem>>
    tpu.wait_indirect_dma semaphore(%dma_wait3A_749 : memref<!tpu.dma_semaphore, #tpu.memory_space<semaphore_mem>>) src(%dma_wait3A_747 : memref<131072x128xf32, #tpu.memory_space<hbm>>) dst(%dma_wait3A_741 : memref<128x128xf32, #tpu.memory_space<vmem>>)
    %add3A_750 = arith.constant 256 : i32
    %add3A_751 = arith.addi %mul3A_2, %add3A_750 : i32
    %dma_start3A_752 = arith.constant 2 : i32
    %dma_start3A_753 = arith.constant 2 : i32
    %dma_start3A_754 = arith.constant 0 : i32
    %dma_start3A_755 = arith.constant 0 : i32
    %dma_start3A_756 = tpu.memref_slice %arg18[%dma_start3A_752, %dma_start3A_754, %dma_start3A_755] : memref<4x128x128xf32, #tpu.memory_space<vmem>> -> memref<1x128x128xf32, #tpu.memory_space<vmem>>
    %dma_start3A_757 = tpu.memref_squeeze %dma_start3A_756 : memref<1x128x128xf32, #tpu.memory_space<vmem>> -> memref<128x128xf32, #tpu.memory_space<vmem>>
    %dma_start3A_758 = arith.constant 0 : i32
    %dma_start3A_759 = tpu.memref_slice %arg12[%add3A_751, %dma_start3A_758] : memref<16384x128xf32, #tpu.memory_space<hbm>> -> memref<128x128xf32, #tpu.memory_space<hbm>>
    %dma_start3A_760 = tpu.memref_slice %arg20[%dma_start3A_753] : memref<4x!tpu.dma_semaphore, #tpu.memory_space<semaphore_mem>> -> memref<1x!tpu.dma_semaphore, #tpu.memory_space<semaphore_mem>>
    %dma_start3A_761 = tpu.memref_squeeze %dma_start3A_760 : memref<1x!tpu.dma_semaphore, #tpu.memory_space<semaphore_mem>> -> memref<!tpu.dma_semaphore, #tpu.memory_space<semaphore_mem>>
    %dma_start3A_762 = arith.constant 0 : i32
    %dma_start3A_763 = tpu.memref_slice %arg12[%add3A_751, %dma_start3A_762] : memref<16384x128xf32, #tpu.memory_space<hbm>> -> memref<128x128xf32, #tpu.memory_space<hbm>>
    %dma_start3A_764 = arith.constant 0 : i32
    %dma_start3A_765 = arith.constant 0 : i32
    %dma_start3A_766 = tpu.memref_slice %arg18[%dma_start3A_752, %dma_start3A_764, %dma_start3A_765] : memref<4x128x128xf32, #tpu.memory_space<vmem>> -> memref<1x128x128xf32, #tpu.memory_space<vmem>>
    %dma_start3A_767 = tpu.memref_squeeze %dma_start3A_766 : memref<1x128x128xf32, #tpu.memory_space<vmem>> -> memref<128x128xf32, #tpu.memory_space<vmem>>
    tpu.enqueue_dma source(%dma_start3A_767 : memref<128x128xf32, #tpu.memory_space<vmem>>) target(%dma_start3A_763 : memref<128x128xf32, #tpu.memory_space<hbm>>) target_semaphore(%dma_start3A_761 : memref<!tpu.dma_semaphore, #tpu.memory_space<semaphore_mem>>)
    %dma_wait3A_768 = arith.constant 2 : i32
    %dma_wait3A_769 = arith.constant 2 : i32
    %dma_wait3A_770 = arith.constant 0 : i32
    %dma_wait3A_771 = arith.constant 0 : i32
    %dma_wait3A_772 = tpu.memref_slice %arg18[%dma_wait3A_768, %dma_wait3A_770, %dma_wait3A_771] : memref<4x128x128xf32, #tpu.memory_space<vmem>> -> memref<1x128x128xf32, #tpu.memory_space<vmem>>
    %dma_wait3A_773 = tpu.memref_squeeze %dma_wait3A_772 : memref<1x128x128xf32, #tpu.memory_space<vmem>> -> memref<128x128xf32, #tpu.memory_space<vmem>>
    %dma_wait3A_774 = arith.constant 0 : i32
    %dma_wait3A_775 = tpu.memref_slice %arg12[%add3A_751, %dma_wait3A_774] : memref<16384x128xf32, #tpu.memory_space<hbm>> -> memref<128x128xf32, #tpu.memory_space<hbm>>
    %dma_wait3A_776 = tpu.memref_slice %arg20[%dma_wait3A_769] : memref<4x!tpu.dma_semaphore, #tpu.memory_space<semaphore_mem>> -> memref<1x!tpu.dma_semaphore, #tpu.memory_space<semaphore_mem>>
    %dma_wait3A_777 = tpu.memref_squeeze %dma_wait3A_776 : memref<1x!tpu.dma_semaphore, #tpu.memory_space<semaphore_mem>> -> memref<!tpu.dma_semaphore, #tpu.memory_space<semaphore_mem>>
    %dma_wait3A_778 = arith.constant 0 : i32
    %dma_wait3A_779 = tpu.memref_slice %arg12[%add3A_751, %dma_wait3A_778] : memref<16384x128xf32, #tpu.memory_space<hbm>> -> memref<128x128xf32, #tpu.memory_space<hbm>>
    %dma_wait3A_780 = arith.constant 0 : i32
    %dma_wait3A_781 = arith.constant 0 : i32
    %dma_wait3A_782 = tpu.memref_slice %arg18[%dma_wait3A_768, %dma_wait3A_780, %dma_wait3A_781] : memref<4x128x128xf32, #tpu.memory_space<vmem>> -> memref<1x128x128xf32, #tpu.memory_space<vmem>>
    %dma_wait3A_783 = tpu.memref_squeeze %dma_wait3A_782 : memref<1x128x128xf32, #tpu.memory_space<vmem>> -> memref<128x128xf32, #tpu.memory_space<vmem>>
    tpu.wait_dma2 semaphore(%dma_wait3A_777 : memref<!tpu.dma_semaphore, #tpu.memory_space<semaphore_mem>>) src(%dma_wait3A_783 : memref<128x128xf32, #tpu.memory_space<vmem>>) dst(%dma_wait3A_779 : memref<128x128xf32, #tpu.memory_space<hbm>>)
    %dma_start3A_784 = arith.constant 2 : i32
    %dma_start3A_785 = arith.constant 2 : i32
    %dma_start3A_786 = arith.constant 2 : i32
    %dma_start3A_787 = arith.constant 0 : i32
    %dma_start3A_788 = arith.constant 0 : i32
    %dma_start3A_789 = tpu.memref_slice %arg18[%dma_start3A_785, %dma_start3A_787, %dma_start3A_788] : memref<4x128x128xf32, #tpu.memory_space<vmem>> -> memref<1x128x128xf32, #tpu.memory_space<vmem>>
    %dma_start3A_790 = tpu.memref_squeeze %dma_start3A_789 : memref<1x128x128xf32, #tpu.memory_space<vmem>> -> memref<128x128xf32, #tpu.memory_space<vmem>>
    %dma_start3A_791 = arith.constant 0 : i32
    %dma_start3A_792 = tpu.memref_slice %arg17[%dma_start3A_784, %dma_start3A_791] : memref<4x128xi32, #tpu.memory_space<vmem>> -> memref<1x128xi32, #tpu.memory_space<vmem>>
    %dma_start3A_793 = tpu.memref_squeeze %dma_start3A_792 : memref<1x128xi32, #tpu.memory_space<vmem>> -> memref<128xi32, #tpu.memory_space<vmem>>
    %dma_start3A_794 = arith.constant 0 : i32
    %dma_start3A_795 = arith.constant 0 : i32
    %dma_start3A_796 = tpu.memref_slice %arg9[%dma_start3A_794, %dma_start3A_795] : memref<65536x128xf32, #tpu.memory_space<hbm>> -> memref<65536x128xf32, #tpu.memory_space<hbm>>
    %dma_start3A_797 = tpu.memref_slice %arg19[%dma_start3A_786] : memref<4x!tpu.dma_semaphore, #tpu.memory_space<semaphore_mem>> -> memref<1x!tpu.dma_semaphore, #tpu.memory_space<semaphore_mem>>
    %dma_start3A_798 = tpu.memref_squeeze %dma_start3A_797 : memref<1x!tpu.dma_semaphore, #tpu.memory_space<semaphore_mem>> -> memref<!tpu.dma_semaphore, #tpu.memory_space<semaphore_mem>>
    tpu.enqueue_indirect_dma source(%dma_start3A_796 : memref<65536x128xf32, #tpu.memory_space<hbm>>) target(%dma_start3A_790 : memref<128x128xf32, #tpu.memory_space<vmem>>) offsets(%dma_start3A_793 : memref<128xi32, #tpu.memory_space<vmem>>) semaphore(%dma_start3A_798 : memref<!tpu.dma_semaphore, #tpu.memory_space<semaphore_mem>>)
    %dma_wait3A_799 = arith.constant 3 : i32
    %dma_wait3A_800 = arith.constant 3 : i32
    %dma_wait3A_801 = arith.constant 3 : i32
    %dma_wait3A_802 = arith.constant 0 : i32
    %dma_wait3A_803 = arith.constant 0 : i32
    %dma_wait3A_804 = tpu.memref_slice %arg18[%dma_wait3A_800, %dma_wait3A_802, %dma_wait3A_803] : memref<4x128x128xf32, #tpu.memory_space<vmem>> -> memref<1x128x128xf32, #tpu.memory_space<vmem>>
    %dma_wait3A_805 = tpu.memref_squeeze %dma_wait3A_804 : memref<1x128x128xf32, #tpu.memory_space<vmem>> -> memref<128x128xf32, #tpu.memory_space<vmem>>
    %dma_wait3A_806 = arith.constant 0 : i32
    %dma_wait3A_807 = tpu.memref_slice %arg16[%dma_wait3A_799, %dma_wait3A_806] : memref<4x128xi32, #tpu.memory_space<vmem>> -> memref<1x128xi32, #tpu.memory_space<vmem>>
    %dma_wait3A_808 = tpu.memref_squeeze %dma_wait3A_807 : memref<1x128xi32, #tpu.memory_space<vmem>> -> memref<128xi32, #tpu.memory_space<vmem>>
    %dma_wait3A_809 = arith.constant 0 : i32
    %dma_wait3A_810 = arith.constant 0 : i32
    %dma_wait3A_811 = tpu.memref_slice %arg8[%dma_wait3A_809, %dma_wait3A_810] : memref<131072x128xf32, #tpu.memory_space<hbm>> -> memref<131072x128xf32, #tpu.memory_space<hbm>>
    %dma_wait3A_812 = tpu.memref_slice %arg19[%dma_wait3A_801] : memref<4x!tpu.dma_semaphore, #tpu.memory_space<semaphore_mem>> -> memref<1x!tpu.dma_semaphore, #tpu.memory_space<semaphore_mem>>
    %dma_wait3A_813 = tpu.memref_squeeze %dma_wait3A_812 : memref<1x!tpu.dma_semaphore, #tpu.memory_space<semaphore_mem>> -> memref<!tpu.dma_semaphore, #tpu.memory_space<semaphore_mem>>
    tpu.wait_indirect_dma semaphore(%dma_wait3A_813 : memref<!tpu.dma_semaphore, #tpu.memory_space<semaphore_mem>>) src(%dma_wait3A_811 : memref<131072x128xf32, #tpu.memory_space<hbm>>) dst(%dma_wait3A_805 : memref<128x128xf32, #tpu.memory_space<vmem>>)
    %add3A_814 = arith.constant 384 : i32
    %add3A_815 = arith.addi %mul3A_2, %add3A_814 : i32
    %dma_start3A_816 = arith.constant 3 : i32
    %dma_start3A_817 = arith.constant 3 : i32
    %dma_start3A_818 = arith.constant 0 : i32
    %dma_start3A_819 = arith.constant 0 : i32
    %dma_start3A_820 = tpu.memref_slice %arg18[%dma_start3A_816, %dma_start3A_818, %dma_start3A_819] : memref<4x128x128xf32, #tpu.memory_space<vmem>> -> memref<1x128x128xf32, #tpu.memory_space<vmem>>
    %dma_start3A_821 = tpu.memref_squeeze %dma_start3A_820 : memref<1x128x128xf32, #tpu.memory_space<vmem>> -> memref<128x128xf32, #tpu.memory_space<vmem>>
    %dma_start3A_822 = arith.constant 0 : i32
    %dma_start3A_823 = tpu.memref_slice %arg12[%add3A_815, %dma_start3A_822] : memref<16384x128xf32, #tpu.memory_space<hbm>> -> memref<128x128xf32, #tpu.memory_space<hbm>>
    %dma_start3A_824 = tpu.memref_slice %arg20[%dma_start3A_817] : memref<4x!tpu.dma_semaphore, #tpu.memory_space<semaphore_mem>> -> memref<1x!tpu.dma_semaphore, #tpu.memory_space<semaphore_mem>>
    %dma_start3A_825 = tpu.memref_squeeze %dma_start3A_824 : memref<1x!tpu.dma_semaphore, #tpu.memory_space<semaphore_mem>> -> memref<!tpu.dma_semaphore, #tpu.memory_space<semaphore_mem>>
    %dma_start3A_826 = arith.constant 0 : i32
    %dma_start3A_827 = tpu.memref_slice %arg12[%add3A_815, %dma_start3A_826] : memref<16384x128xf32, #tpu.memory_space<hbm>> -> memref<128x128xf32, #tpu.memory_space<hbm>>
    %dma_start3A_828 = arith.constant 0 : i32
    %dma_start3A_829 = arith.constant 0 : i32
    %dma_start3A_830 = tpu.memref_slice %arg18[%dma_start3A_816, %dma_start3A_828, %dma_start3A_829] : memref<4x128x128xf32, #tpu.memory_space<vmem>> -> memref<1x128x128xf32, #tpu.memory_space<vmem>>
    %dma_start3A_831 = tpu.memref_squeeze %dma_start3A_830 : memref<1x128x128xf32, #tpu.memory_space<vmem>> -> memref<128x128xf32, #tpu.memory_space<vmem>>
    tpu.enqueue_dma source(%dma_start3A_831 : memref<128x128xf32, #tpu.memory_space<vmem>>) target(%dma_start3A_827 : memref<128x128xf32, #tpu.memory_space<hbm>>) target_semaphore(%dma_start3A_825 : memref<!tpu.dma_semaphore, #tpu.memory_space<semaphore_mem>>)
    %dma_wait3A_832 = arith.constant 3 : i32
    %dma_wait3A_833 = arith.constant 3 : i32
    %dma_wait3A_834 = arith.constant 0 : i32
    %dma_wait3A_835 = arith.constant 0 : i32
    %dma_wait3A_836 = tpu.memref_slice %arg18[%dma_wait3A_832, %dma_wait3A_834, %dma_wait3A_835] : memref<4x128x128xf32, #tpu.memory_space<vmem>> -> memref<1x128x128xf32, #tpu.memory_space<vmem>>
    %dma_wait3A_837 = tpu.memref_squeeze %dma_wait3A_836 : memref<1x128x128xf32, #tpu.memory_space<vmem>> -> memref<128x128xf32, #tpu.memory_space<vmem>>
    %dma_wait3A_838 = arith.constant 0 : i32
    %dma_wait3A_839 = tpu.memref_slice %arg12[%add3A_815, %dma_wait3A_838] : memref<16384x128xf32, #tpu.memory_space<hbm>> -> memref<128x128xf32, #tpu.memory_space<hbm>>
    %dma_wait3A_840 = tpu.memref_slice %arg20[%dma_wait3A_833] : memref<4x!tpu.dma_semaphore, #tpu.memory_space<semaphore_mem>> -> memref<1x!tpu.dma_semaphore, #tpu.memory_space<semaphore_mem>>
    %dma_wait3A_841 = tpu.memref_squeeze %dma_wait3A_840 : memref<1x!tpu.dma_semaphore, #tpu.memory_space<semaphore_mem>> -> memref<!tpu.dma_semaphore, #tpu.memory_space<semaphore_mem>>
    %dma_wait3A_842 = arith.constant 0 : i32
    %dma_wait3A_843 = tpu.memref_slice %arg12[%add3A_815, %dma_wait3A_842] : memref<16384x128xf32, #tpu.memory_space<hbm>> -> memref<128x128xf32, #tpu.memory_space<hbm>>
    %dma_wait3A_844 = arith.constant 0 : i32
    %dma_wait3A_845 = arith.constant 0 : i32
    %dma_wait3A_846 = tpu.memref_slice %arg18[%dma_wait3A_832, %dma_wait3A_844, %dma_wait3A_845] : memref<4x128x128xf32, #tpu.memory_space<vmem>> -> memref<1x128x128xf32, #tpu.memory_space<vmem>>
    %dma_wait3A_847 = tpu.memref_squeeze %dma_wait3A_846 : memref<1x128x128xf32, #tpu.memory_space<vmem>> -> memref<128x128xf32, #tpu.memory_space<vmem>>
    tpu.wait_dma2 semaphore(%dma_wait3A_841 : memref<!tpu.dma_semaphore, #tpu.memory_space<semaphore_mem>>) src(%dma_wait3A_847 : memref<128x128xf32, #tpu.memory_space<vmem>>) dst(%dma_wait3A_843 : memref<128x128xf32, #tpu.memory_space<hbm>>)
    %dma_start3A_848 = arith.constant 3 : i32
    %dma_start3A_849 = arith.constant 3 : i32
    %dma_start3A_850 = arith.constant 3 : i32
    %dma_start3A_851 = arith.constant 0 : i32
    %dma_start3A_852 = arith.constant 0 : i32
    %dma_start3A_853 = tpu.memref_slice %arg18[%dma_start3A_849, %dma_start3A_851, %dma_start3A_852] : memref<4x128x128xf32, #tpu.memory_space<vmem>> -> memref<1x128x128xf32, #tpu.memory_space<vmem>>
    %dma_start3A_854 = tpu.memref_squeeze %dma_start3A_853 : memref<1x128x128xf32, #tpu.memory_space<vmem>> -> memref<128x128xf32, #tpu.memory_space<vmem>>
    %dma_start3A_855 = arith.constant 0 : i32
    %dma_start3A_856 = tpu.memref_slice %arg17[%dma_start3A_848, %dma_start3A_855] : memref<4x128xi32, #tpu.memory_space<vmem>> -> memref<1x128xi32, #tpu.memory_space<vmem>>
    %dma_start3A_857 = tpu.memref_squeeze %dma_start3A_856 : memref<1x128xi32, #tpu.memory_space<vmem>> -> memref<128xi32, #tpu.memory_space<vmem>>
    %dma_start3A_858 = arith.constant 0 : i32
    %dma_start3A_859 = arith.constant 0 : i32
    %dma_start3A_860 = tpu.memref_slice %arg9[%dma_start3A_858, %dma_start3A_859] : memref<65536x128xf32, #tpu.memory_space<hbm>> -> memref<65536x128xf32, #tpu.memory_space<hbm>>
    %dma_start3A_861 = tpu.memref_slice %arg19[%dma_start3A_850] : memref<4x!tpu.dma_semaphore, #tpu.memory_space<semaphore_mem>> -> memref<1x!tpu.dma_semaphore, #tpu.memory_space<semaphore_mem>>
    %dma_start3A_862 = tpu.memref_squeeze %dma_start3A_861 : memref<1x!tpu.dma_semaphore, #tpu.memory_space<semaphore_mem>> -> memref<!tpu.dma_semaphore, #tpu.memory_space<semaphore_mem>>
    tpu.enqueue_indirect_dma source(%dma_start3A_860 : memref<65536x128xf32, #tpu.memory_space<hbm>>) target(%dma_start3A_854 : memref<128x128xf32, #tpu.memory_space<vmem>>) offsets(%dma_start3A_857 : memref<128xi32, #tpu.memory_space<vmem>>) semaphore(%dma_start3A_862 : memref<!tpu.dma_semaphore, #tpu.memory_space<semaphore_mem>>)
    %dma_wait3A_863 = arith.constant 0 : i32
    %dma_wait3A_864 = arith.constant 0 : i32
    %dma_wait3A_865 = arith.constant 0 : i32
    %dma_wait3A_866 = arith.constant 0 : i32
    %dma_wait3A_867 = arith.constant 0 : i32
    %dma_wait3A_868 = tpu.memref_slice %arg18[%dma_wait3A_864, %dma_wait3A_866, %dma_wait3A_867] : memref<4x128x128xf32, #tpu.memory_space<vmem>> -> memref<1x128x128xf32, #tpu.memory_space<vmem>>
    %dma_wait3A_869 = tpu.memref_squeeze %dma_wait3A_868 : memref<1x128x128xf32, #tpu.memory_space<vmem>> -> memref<128x128xf32, #tpu.memory_space<vmem>>
    %dma_wait3A_870 = arith.constant 0 : i32
    %dma_wait3A_871 = tpu.memref_slice %arg17[%dma_wait3A_863, %dma_wait3A_870] : memref<4x128xi32, #tpu.memory_space<vmem>> -> memref<1x128xi32, #tpu.memory_space<vmem>>
    %dma_wait3A_872 = tpu.memref_squeeze %dma_wait3A_871 : memref<1x128xi32, #tpu.memory_space<vmem>> -> memref<128xi32, #tpu.memory_space<vmem>>
    %dma_wait3A_873 = arith.constant 0 : i32
    %dma_wait3A_874 = arith.constant 0 : i32
    %dma_wait3A_875 = tpu.memref_slice %arg9[%dma_wait3A_873, %dma_wait3A_874] : memref<65536x128xf32, #tpu.memory_space<hbm>> -> memref<65536x128xf32, #tpu.memory_space<hbm>>
    %dma_wait3A_876 = tpu.memref_slice %arg19[%dma_wait3A_865] : memref<4x!tpu.dma_semaphore, #tpu.memory_space<semaphore_mem>> -> memref<1x!tpu.dma_semaphore, #tpu.memory_space<semaphore_mem>>
    %dma_wait3A_877 = tpu.memref_squeeze %dma_wait3A_876 : memref<1x!tpu.dma_semaphore, #tpu.memory_space<semaphore_mem>> -> memref<!tpu.dma_semaphore, #tpu.memory_space<semaphore_mem>>
    tpu.wait_indirect_dma semaphore(%dma_wait3A_877 : memref<!tpu.dma_semaphore, #tpu.memory_space<semaphore_mem>>) src(%dma_wait3A_875 : memref<65536x128xf32, #tpu.memory_space<hbm>>) dst(%dma_wait3A_869 : memref<128x128xf32, #tpu.memory_space<vmem>>)
    %add3A_878 = arith.constant 0 : i32
    %add3A_879 = arith.addi %mul3A_2, %add3A_878 : i32
    %dma_start3A_880 = arith.constant 0 : i32
    %dma_start3A_881 = arith.constant 0 : i32
    %dma_start3A_882 = arith.constant 0 : i32
    %dma_start3A_883 = arith.constant 0 : i32
    %dma_start3A_884 = tpu.memref_slice %arg18[%dma_start3A_880, %dma_start3A_882, %dma_start3A_883] : memref<4x128x128xf32, #tpu.memory_space<vmem>> -> memref<1x128x128xf32, #tpu.memory_space<vmem>>
    %dma_start3A_885 = tpu.memref_squeeze %dma_start3A_884 : memref<1x128x128xf32, #tpu.memory_space<vmem>> -> memref<128x128xf32, #tpu.memory_space<vmem>>
    %dma_start3A_886 = arith.constant 0 : i32
    %dma_start3A_887 = tpu.memref_slice %arg13[%add3A_879, %dma_start3A_886] : memref<16384x128xf32, #tpu.memory_space<hbm>> -> memref<128x128xf32, #tpu.memory_space<hbm>>
    %dma_start3A_888 = tpu.memref_slice %arg20[%dma_start3A_881] : memref<4x!tpu.dma_semaphore, #tpu.memory_space<semaphore_mem>> -> memref<1x!tpu.dma_semaphore, #tpu.memory_space<semaphore_mem>>
    %dma_start3A_889 = tpu.memref_squeeze %dma_start3A_888 : memref<1x!tpu.dma_semaphore, #tpu.memory_space<semaphore_mem>> -> memref<!tpu.dma_semaphore, #tpu.memory_space<semaphore_mem>>
    %dma_start3A_890 = arith.constant 0 : i32
    %dma_start3A_891 = tpu.memref_slice %arg13[%add3A_879, %dma_start3A_890] : memref<16384x128xf32, #tpu.memory_space<hbm>> -> memref<128x128xf32, #tpu.memory_space<hbm>>
    %dma_start3A_892 = arith.constant 0 : i32
    %dma_start3A_893 = arith.constant 0 : i32
    %dma_start3A_894 = tpu.memref_slice %arg18[%dma_start3A_880, %dma_start3A_892, %dma_start3A_893] : memref<4x128x128xf32, #tpu.memory_space<vmem>> -> memref<1x128x128xf32, #tpu.memory_space<vmem>>
    %dma_start3A_895 = tpu.memref_squeeze %dma_start3A_894 : memref<1x128x128xf32, #tpu.memory_space<vmem>> -> memref<128x128xf32, #tpu.memory_space<vmem>>
    tpu.enqueue_dma source(%dma_start3A_895 : memref<128x128xf32, #tpu.memory_space<vmem>>) target(%dma_start3A_891 : memref<128x128xf32, #tpu.memory_space<hbm>>) target_semaphore(%dma_start3A_889 : memref<!tpu.dma_semaphore, #tpu.memory_space<semaphore_mem>>)
    %dma_wait3A_896 = arith.constant 1 : i32
    %dma_wait3A_897 = arith.constant 1 : i32
    %dma_wait3A_898 = arith.constant 1 : i32
    %dma_wait3A_899 = arith.constant 0 : i32
    %dma_wait3A_900 = arith.constant 0 : i32
    %dma_wait3A_901 = tpu.memref_slice %arg18[%dma_wait3A_897, %dma_wait3A_899, %dma_wait3A_900] : memref<4x128x128xf32, #tpu.memory_space<vmem>> -> memref<1x128x128xf32, #tpu.memory_space<vmem>>
    %dma_wait3A_902 = tpu.memref_squeeze %dma_wait3A_901 : memref<1x128x128xf32, #tpu.memory_space<vmem>> -> memref<128x128xf32, #tpu.memory_space<vmem>>
    %dma_wait3A_903 = arith.constant 0 : i32
    %dma_wait3A_904 = tpu.memref_slice %arg17[%dma_wait3A_896, %dma_wait3A_903] : memref<4x128xi32, #tpu.memory_space<vmem>> -> memref<1x128xi32, #tpu.memory_space<vmem>>
    %dma_wait3A_905 = tpu.memref_squeeze %dma_wait3A_904 : memref<1x128xi32, #tpu.memory_space<vmem>> -> memref<128xi32, #tpu.memory_space<vmem>>
    %dma_wait3A_906 = arith.constant 0 : i32
    %dma_wait3A_907 = arith.constant 0 : i32
    %dma_wait3A_908 = tpu.memref_slice %arg9[%dma_wait3A_906, %dma_wait3A_907] : memref<65536x128xf32, #tpu.memory_space<hbm>> -> memref<65536x128xf32, #tpu.memory_space<hbm>>
    %dma_wait3A_909 = tpu.memref_slice %arg19[%dma_wait3A_898] : memref<4x!tpu.dma_semaphore, #tpu.memory_space<semaphore_mem>> -> memref<1x!tpu.dma_semaphore, #tpu.memory_space<semaphore_mem>>
    %dma_wait3A_910 = tpu.memref_squeeze %dma_wait3A_909 : memref<1x!tpu.dma_semaphore, #tpu.memory_space<semaphore_mem>> -> memref<!tpu.dma_semaphore, #tpu.memory_space<semaphore_mem>>
    tpu.wait_indirect_dma semaphore(%dma_wait3A_910 : memref<!tpu.dma_semaphore, #tpu.memory_space<semaphore_mem>>) src(%dma_wait3A_908 : memref<65536x128xf32, #tpu.memory_space<hbm>>) dst(%dma_wait3A_902 : memref<128x128xf32, #tpu.memory_space<vmem>>)
    %add3A_911 = arith.constant 128 : i32
    %add3A_912 = arith.addi %mul3A_2, %add3A_911 : i32
    %dma_start3A_913 = arith.constant 1 : i32
    %dma_start3A_914 = arith.constant 1 : i32
    %dma_start3A_915 = arith.constant 0 : i32
    %dma_start3A_916 = arith.constant 0 : i32
    %dma_start3A_917 = tpu.memref_slice %arg18[%dma_start3A_913, %dma_start3A_915, %dma_start3A_916] : memref<4x128x128xf32, #tpu.memory_space<vmem>> -> memref<1x128x128xf32, #tpu.memory_space<vmem>>
    %dma_start3A_918 = tpu.memref_squeeze %dma_start3A_917 : memref<1x128x128xf32, #tpu.memory_space<vmem>> -> memref<128x128xf32, #tpu.memory_space<vmem>>
    %dma_start3A_919 = arith.constant 0 : i32
    %dma_start3A_920 = tpu.memref_slice %arg13[%add3A_912, %dma_start3A_919] : memref<16384x128xf32, #tpu.memory_space<hbm>> -> memref<128x128xf32, #tpu.memory_space<hbm>>
    %dma_start3A_921 = tpu.memref_slice %arg20[%dma_start3A_914] : memref<4x!tpu.dma_semaphore, #tpu.memory_space<semaphore_mem>> -> memref<1x!tpu.dma_semaphore, #tpu.memory_space<semaphore_mem>>
    %dma_start3A_922 = tpu.memref_squeeze %dma_start3A_921 : memref<1x!tpu.dma_semaphore, #tpu.memory_space<semaphore_mem>> -> memref<!tpu.dma_semaphore, #tpu.memory_space<semaphore_mem>>
    %dma_start3A_923 = arith.constant 0 : i32
    %dma_start3A_924 = tpu.memref_slice %arg13[%add3A_912, %dma_start3A_923] : memref<16384x128xf32, #tpu.memory_space<hbm>> -> memref<128x128xf32, #tpu.memory_space<hbm>>
    %dma_start3A_925 = arith.constant 0 : i32
    %dma_start3A_926 = arith.constant 0 : i32
    %dma_start3A_927 = tpu.memref_slice %arg18[%dma_start3A_913, %dma_start3A_925, %dma_start3A_926] : memref<4x128x128xf32, #tpu.memory_space<vmem>> -> memref<1x128x128xf32, #tpu.memory_space<vmem>>
    %dma_start3A_928 = tpu.memref_squeeze %dma_start3A_927 : memref<1x128x128xf32, #tpu.memory_space<vmem>> -> memref<128x128xf32, #tpu.memory_space<vmem>>
    tpu.enqueue_dma source(%dma_start3A_928 : memref<128x128xf32, #tpu.memory_space<vmem>>) target(%dma_start3A_924 : memref<128x128xf32, #tpu.memory_space<hbm>>) target_semaphore(%dma_start3A_922 : memref<!tpu.dma_semaphore, #tpu.memory_space<semaphore_mem>>)
    %dma_wait3A_929 = arith.constant 2 : i32
    %dma_wait3A_930 = arith.constant 2 : i32
    %dma_wait3A_931 = arith.constant 2 : i32
    %dma_wait3A_932 = arith.constant 0 : i32
    %dma_wait3A_933 = arith.constant 0 : i32
    %dma_wait3A_934 = tpu.memref_slice %arg18[%dma_wait3A_930, %dma_wait3A_932, %dma_wait3A_933] : memref<4x128x128xf32, #tpu.memory_space<vmem>> -> memref<1x128x128xf32, #tpu.memory_space<vmem>>
    %dma_wait3A_935 = tpu.memref_squeeze %dma_wait3A_934 : memref<1x128x128xf32, #tpu.memory_space<vmem>> -> memref<128x128xf32, #tpu.memory_space<vmem>>
    %dma_wait3A_936 = arith.constant 0 : i32
    %dma_wait3A_937 = tpu.memref_slice %arg17[%dma_wait3A_929, %dma_wait3A_936] : memref<4x128xi32, #tpu.memory_space<vmem>> -> memref<1x128xi32, #tpu.memory_space<vmem>>
    %dma_wait3A_938 = tpu.memref_squeeze %dma_wait3A_937 : memref<1x128xi32, #tpu.memory_space<vmem>> -> memref<128xi32, #tpu.memory_space<vmem>>
    %dma_wait3A_939 = arith.constant 0 : i32
    %dma_wait3A_940 = arith.constant 0 : i32
    %dma_wait3A_941 = tpu.memref_slice %arg9[%dma_wait3A_939, %dma_wait3A_940] : memref<65536x128xf32, #tpu.memory_space<hbm>> -> memref<65536x128xf32, #tpu.memory_space<hbm>>
    %dma_wait3A_942 = tpu.memref_slice %arg19[%dma_wait3A_931] : memref<4x!tpu.dma_semaphore, #tpu.memory_space<semaphore_mem>> -> memref<1x!tpu.dma_semaphore, #tpu.memory_space<semaphore_mem>>
    %dma_wait3A_943 = tpu.memref_squeeze %dma_wait3A_942 : memref<1x!tpu.dma_semaphore, #tpu.memory_space<semaphore_mem>> -> memref<!tpu.dma_semaphore, #tpu.memory_space<semaphore_mem>>
    tpu.wait_indirect_dma semaphore(%dma_wait3A_943 : memref<!tpu.dma_semaphore, #tpu.memory_space<semaphore_mem>>) src(%dma_wait3A_941 : memref<65536x128xf32, #tpu.memory_space<hbm>>) dst(%dma_wait3A_935 : memref<128x128xf32, #tpu.memory_space<vmem>>)
    %add3A_944 = arith.constant 256 : i32
    %add3A_945 = arith.addi %mul3A_2, %add3A_944 : i32
    %dma_start3A_946 = arith.constant 2 : i32
    %dma_start3A_947 = arith.constant 2 : i32
    %dma_start3A_948 = arith.constant 0 : i32
    %dma_start3A_949 = arith.constant 0 : i32
    %dma_start3A_950 = tpu.memref_slice %arg18[%dma_start3A_946, %dma_start3A_948, %dma_start3A_949] : memref<4x128x128xf32, #tpu.memory_space<vmem>> -> memref<1x128x128xf32, #tpu.memory_space<vmem>>
    %dma_start3A_951 = tpu.memref_squeeze %dma_start3A_950 : memref<1x128x128xf32, #tpu.memory_space<vmem>> -> memref<128x128xf32, #tpu.memory_space<vmem>>
    %dma_start3A_952 = arith.constant 0 : i32
    %dma_start3A_953 = tpu.memref_slice %arg13[%add3A_945, %dma_start3A_952] : memref<16384x128xf32, #tpu.memory_space<hbm>> -> memref<128x128xf32, #tpu.memory_space<hbm>>
    %dma_start3A_954 = tpu.memref_slice %arg20[%dma_start3A_947] : memref<4x!tpu.dma_semaphore, #tpu.memory_space<semaphore_mem>> -> memref<1x!tpu.dma_semaphore, #tpu.memory_space<semaphore_mem>>
    %dma_start3A_955 = tpu.memref_squeeze %dma_start3A_954 : memref<1x!tpu.dma_semaphore, #tpu.memory_space<semaphore_mem>> -> memref<!tpu.dma_semaphore, #tpu.memory_space<semaphore_mem>>
    %dma_start3A_956 = arith.constant 0 : i32
    %dma_start3A_957 = tpu.memref_slice %arg13[%add3A_945, %dma_start3A_956] : memref<16384x128xf32, #tpu.memory_space<hbm>> -> memref<128x128xf32, #tpu.memory_space<hbm>>
    %dma_start3A_958 = arith.constant 0 : i32
    %dma_start3A_959 = arith.constant 0 : i32
    %dma_start3A_960 = tpu.memref_slice %arg18[%dma_start3A_946, %dma_start3A_958, %dma_start3A_959] : memref<4x128x128xf32, #tpu.memory_space<vmem>> -> memref<1x128x128xf32, #tpu.memory_space<vmem>>
    %dma_start3A_961 = tpu.memref_squeeze %dma_start3A_960 : memref<1x128x128xf32, #tpu.memory_space<vmem>> -> memref<128x128xf32, #tpu.memory_space<vmem>>
    tpu.enqueue_dma source(%dma_start3A_961 : memref<128x128xf32, #tpu.memory_space<vmem>>) target(%dma_start3A_957 : memref<128x128xf32, #tpu.memory_space<hbm>>) target_semaphore(%dma_start3A_955 : memref<!tpu.dma_semaphore, #tpu.memory_space<semaphore_mem>>)
    %dma_wait3A_962 = arith.constant 3 : i32
    %dma_wait3A_963 = arith.constant 3 : i32
    %dma_wait3A_964 = arith.constant 3 : i32
    %dma_wait3A_965 = arith.constant 0 : i32
    %dma_wait3A_966 = arith.constant 0 : i32
    %dma_wait3A_967 = tpu.memref_slice %arg18[%dma_wait3A_963, %dma_wait3A_965, %dma_wait3A_966] : memref<4x128x128xf32, #tpu.memory_space<vmem>> -> memref<1x128x128xf32, #tpu.memory_space<vmem>>
    %dma_wait3A_968 = tpu.memref_squeeze %dma_wait3A_967 : memref<1x128x128xf32, #tpu.memory_space<vmem>> -> memref<128x128xf32, #tpu.memory_space<vmem>>
    %dma_wait3A_969 = arith.constant 0 : i32
    %dma_wait3A_970 = tpu.memref_slice %arg17[%dma_wait3A_962, %dma_wait3A_969] : memref<4x128xi32, #tpu.memory_space<vmem>> -> memref<1x128xi32, #tpu.memory_space<vmem>>
    %dma_wait3A_971 = tpu.memref_squeeze %dma_wait3A_970 : memref<1x128xi32, #tpu.memory_space<vmem>> -> memref<128xi32, #tpu.memory_space<vmem>>
    %dma_wait3A_972 = arith.constant 0 : i32
    %dma_wait3A_973 = arith.constant 0 : i32
    %dma_wait3A_974 = tpu.memref_slice %arg9[%dma_wait3A_972, %dma_wait3A_973] : memref<65536x128xf32, #tpu.memory_space<hbm>> -> memref<65536x128xf32, #tpu.memory_space<hbm>>
    %dma_wait3A_975 = tpu.memref_slice %arg19[%dma_wait3A_964] : memref<4x!tpu.dma_semaphore, #tpu.memory_space<semaphore_mem>> -> memref<1x!tpu.dma_semaphore, #tpu.memory_space<semaphore_mem>>
    %dma_wait3A_976 = tpu.memref_squeeze %dma_wait3A_975 : memref<1x!tpu.dma_semaphore, #tpu.memory_space<semaphore_mem>> -> memref<!tpu.dma_semaphore, #tpu.memory_space<semaphore_mem>>
    tpu.wait_indirect_dma semaphore(%dma_wait3A_976 : memref<!tpu.dma_semaphore, #tpu.memory_space<semaphore_mem>>) src(%dma_wait3A_974 : memref<65536x128xf32, #tpu.memory_space<hbm>>) dst(%dma_wait3A_968 : memref<128x128xf32, #tpu.memory_space<vmem>>)
    %add3A_977 = arith.constant 384 : i32
    %add3A_978 = arith.addi %mul3A_2, %add3A_977 : i32
    %dma_start3A_979 = arith.constant 3 : i32
    %dma_start3A_980 = arith.constant 3 : i32
    %dma_start3A_981 = arith.constant 0 : i32
    %dma_start3A_982 = arith.constant 0 : i32
    %dma_start3A_983 = tpu.memref_slice %arg18[%dma_start3A_979, %dma_start3A_981, %dma_start3A_982] : memref<4x128x128xf32, #tpu.memory_space<vmem>> -> memref<1x128x128xf32, #tpu.memory_space<vmem>>
    %dma_start3A_984 = tpu.memref_squeeze %dma_start3A_983 : memref<1x128x128xf32, #tpu.memory_space<vmem>> -> memref<128x128xf32, #tpu.memory_space<vmem>>
    %dma_start3A_985 = arith.constant 0 : i32
    %dma_start3A_986 = tpu.memref_slice %arg13[%add3A_978, %dma_start3A_985] : memref<16384x128xf32, #tpu.memory_space<hbm>> -> memref<128x128xf32, #tpu.memory_space<hbm>>
    %dma_start3A_987 = tpu.memref_slice %arg20[%dma_start3A_980] : memref<4x!tpu.dma_semaphore, #tpu.memory_space<semaphore_mem>> -> memref<1x!tpu.dma_semaphore, #tpu.memory_space<semaphore_mem>>
    %dma_start3A_988 = tpu.memref_squeeze %dma_start3A_987 : memref<1x!tpu.dma_semaphore, #tpu.memory_space<semaphore_mem>> -> memref<!tpu.dma_semaphore, #tpu.memory_space<semaphore_mem>>
    %dma_start3A_989 = arith.constant 0 : i32
    %dma_start3A_990 = tpu.memref_slice %arg13[%add3A_978, %dma_start3A_989] : memref<16384x128xf32, #tpu.memory_space<hbm>> -> memref<128x128xf32, #tpu.memory_space<hbm>>
    %dma_start3A_991 = arith.constant 0 : i32
    %dma_start3A_992 = arith.constant 0 : i32
    %dma_start3A_993 = tpu.memref_slice %arg18[%dma_start3A_979, %dma_start3A_991, %dma_start3A_992] : memref<4x128x128xf32, #tpu.memory_space<vmem>> -> memref<1x128x128xf32, #tpu.memory_space<vmem>>
    %dma_start3A_994 = tpu.memref_squeeze %dma_start3A_993 : memref<1x128x128xf32, #tpu.memory_space<vmem>> -> memref<128x128xf32, #tpu.memory_space<vmem>>
    tpu.enqueue_dma source(%dma_start3A_994 : memref<128x128xf32, #tpu.memory_space<vmem>>) target(%dma_start3A_990 : memref<128x128xf32, #tpu.memory_space<hbm>>) target_semaphore(%dma_start3A_988 : memref<!tpu.dma_semaphore, #tpu.memory_space<semaphore_mem>>)
    %dma_wait3A_995 = arith.constant 0 : i32
    %dma_wait3A_996 = arith.constant 0 : i32
    %dma_wait3A_997 = arith.constant 0 : i32
    %dma_wait3A_998 = arith.constant 0 : i32
    %dma_wait3A_999 = tpu.memref_slice %arg18[%dma_wait3A_995, %dma_wait3A_997, %dma_wait3A_998] : memref<4x128x128xf32, #tpu.memory_space<vmem>> -> memref<1x128x128xf32, #tpu.memory_space<vmem>>
    %dma_wait3A_1000 = tpu.memref_squeeze %dma_wait3A_999 : memref<1x128x128xf32, #tpu.memory_space<vmem>> -> memref<128x128xf32, #tpu.memory_space<vmem>>
    %dma_wait3A_1001 = arith.constant 0 : i32
    %dma_wait3A_1002 = tpu.memref_slice %arg13[%add3A_879, %dma_wait3A_1001] : memref<16384x128xf32, #tpu.memory_space<hbm>> -> memref<128x128xf32, #tpu.memory_space<hbm>>
    %dma_wait3A_1003 = tpu.memref_slice %arg20[%dma_wait3A_996] : memref<4x!tpu.dma_semaphore, #tpu.memory_space<semaphore_mem>> -> memref<1x!tpu.dma_semaphore, #tpu.memory_space<semaphore_mem>>
    %dma_wait3A_1004 = tpu.memref_squeeze %dma_wait3A_1003 : memref<1x!tpu.dma_semaphore, #tpu.memory_space<semaphore_mem>> -> memref<!tpu.dma_semaphore, #tpu.memory_space<semaphore_mem>>
    %dma_wait3A_1005 = arith.constant 0 : i32
    %dma_wait3A_1006 = tpu.memref_slice %arg13[%add3A_879, %dma_wait3A_1005] : memref<16384x128xf32, #tpu.memory_space<hbm>> -> memref<128x128xf32, #tpu.memory_space<hbm>>
    %dma_wait3A_1007 = arith.constant 0 : i32
    %dma_wait3A_1008 = arith.constant 0 : i32
    %dma_wait3A_1009 = tpu.memref_slice %arg18[%dma_wait3A_995, %dma_wait3A_1007, %dma_wait3A_1008] : memref<4x128x128xf32, #tpu.memory_space<vmem>> -> memref<1x128x128xf32, #tpu.memory_space<vmem>>
    %dma_wait3A_1010 = tpu.memref_squeeze %dma_wait3A_1009 : memref<1x128x128xf32, #tpu.memory_space<vmem>> -> memref<128x128xf32, #tpu.memory_space<vmem>>
    tpu.wait_dma2 semaphore(%dma_wait3A_1004 : memref<!tpu.dma_semaphore, #tpu.memory_space<semaphore_mem>>) src(%dma_wait3A_1010 : memref<128x128xf32, #tpu.memory_space<vmem>>) dst(%dma_wait3A_1006 : memref<128x128xf32, #tpu.memory_space<hbm>>)
    %dma_wait3A_1011 = arith.constant 1 : i32
    %dma_wait3A_1012 = arith.constant 1 : i32
    %dma_wait3A_1013 = arith.constant 0 : i32
    %dma_wait3A_1014 = arith.constant 0 : i32
    %dma_wait3A_1015 = tpu.memref_slice %arg18[%dma_wait3A_1011, %dma_wait3A_1013, %dma_wait3A_1014] : memref<4x128x128xf32, #tpu.memory_space<vmem>> -> memref<1x128x128xf32, #tpu.memory_space<vmem>>
    %dma_wait3A_1016 = tpu.memref_squeeze %dma_wait3A_1015 : memref<1x128x128xf32, #tpu.memory_space<vmem>> -> memref<128x128xf32, #tpu.memory_space<vmem>>
    %dma_wait3A_1017 = arith.constant 0 : i32
    %dma_wait3A_1018 = tpu.memref_slice %arg13[%add3A_912, %dma_wait3A_1017] : memref<16384x128xf32, #tpu.memory_space<hbm>> -> memref<128x128xf32, #tpu.memory_space<hbm>>
    %dma_wait3A_1019 = tpu.memref_slice %arg20[%dma_wait3A_1012] : memref<4x!tpu.dma_semaphore, #tpu.memory_space<semaphore_mem>> -> memref<1x!tpu.dma_semaphore, #tpu.memory_space<semaphore_mem>>
    %dma_wait3A_1020 = tpu.memref_squeeze %dma_wait3A_1019 : memref<1x!tpu.dma_semaphore, #tpu.memory_space<semaphore_mem>> -> memref<!tpu.dma_semaphore, #tpu.memory_space<semaphore_mem>>
    %dma_wait3A_1021 = arith.constant 0 : i32
    %dma_wait3A_1022 = tpu.memref_slice %arg13[%add3A_912, %dma_wait3A_1021] : memref<16384x128xf32, #tpu.memory_space<hbm>> -> memref<128x128xf32, #tpu.memory_space<hbm>>
    %dma_wait3A_1023 = arith.constant 0 : i32
    %dma_wait3A_1024 = arith.constant 0 : i32
    %dma_wait3A_1025 = tpu.memref_slice %arg18[%dma_wait3A_1011, %dma_wait3A_1023, %dma_wait3A_1024] : memref<4x128x128xf32, #tpu.memory_space<vmem>> -> memref<1x128x128xf32, #tpu.memory_space<vmem>>
    %dma_wait3A_1026 = tpu.memref_squeeze %dma_wait3A_1025 : memref<1x128x128xf32, #tpu.memory_space<vmem>> -> memref<128x128xf32, #tpu.memory_space<vmem>>
    tpu.wait_dma2 semaphore(%dma_wait3A_1020 : memref<!tpu.dma_semaphore, #tpu.memory_space<semaphore_mem>>) src(%dma_wait3A_1026 : memref<128x128xf32, #tpu.memory_space<vmem>>) dst(%dma_wait3A_1022 : memref<128x128xf32, #tpu.memory_space<hbm>>)
    %dma_wait3A_1027 = arith.constant 2 : i32
    %dma_wait3A_1028 = arith.constant 2 : i32
    %dma_wait3A_1029 = arith.constant 0 : i32
    %dma_wait3A_1030 = arith.constant 0 : i32
    %dma_wait3A_1031 = tpu.memref_slice %arg18[%dma_wait3A_1027, %dma_wait3A_1029, %dma_wait3A_1030] : memref<4x128x128xf32, #tpu.memory_space<vmem>> -> memref<1x128x128xf32, #tpu.memory_space<vmem>>
    %dma_wait3A_1032 = tpu.memref_squeeze %dma_wait3A_1031 : memref<1x128x128xf32, #tpu.memory_space<vmem>> -> memref<128x128xf32, #tpu.memory_space<vmem>>
    %dma_wait3A_1033 = arith.constant 0 : i32
    %dma_wait3A_1034 = tpu.memref_slice %arg13[%add3A_945, %dma_wait3A_1033] : memref<16384x128xf32, #tpu.memory_space<hbm>> -> memref<128x128xf32, #tpu.memory_space<hbm>>
    %dma_wait3A_1035 = tpu.memref_slice %arg20[%dma_wait3A_1028] : memref<4x!tpu.dma_semaphore, #tpu.memory_space<semaphore_mem>> -> memref<1x!tpu.dma_semaphore, #tpu.memory_space<semaphore_mem>>
    %dma_wait3A_1036 = tpu.memref_squeeze %dma_wait3A_1035 : memref<1x!tpu.dma_semaphore, #tpu.memory_space<semaphore_mem>> -> memref<!tpu.dma_semaphore, #tpu.memory_space<semaphore_mem>>
    %dma_wait3A_1037 = arith.constant 0 : i32
    %dma_wait3A_1038 = tpu.memref_slice %arg13[%add3A_945, %dma_wait3A_1037] : memref<16384x128xf32, #tpu.memory_space<hbm>> -> memref<128x128xf32, #tpu.memory_space<hbm>>
    %dma_wait3A_1039 = arith.constant 0 : i32
    %dma_wait3A_1040 = arith.constant 0 : i32
    %dma_wait3A_1041 = tpu.memref_slice %arg18[%dma_wait3A_1027, %dma_wait3A_1039, %dma_wait3A_1040] : memref<4x128x128xf32, #tpu.memory_space<vmem>> -> memref<1x128x128xf32, #tpu.memory_space<vmem>>
    %dma_wait3A_1042 = tpu.memref_squeeze %dma_wait3A_1041 : memref<1x128x128xf32, #tpu.memory_space<vmem>> -> memref<128x128xf32, #tpu.memory_space<vmem>>
    tpu.wait_dma2 semaphore(%dma_wait3A_1036 : memref<!tpu.dma_semaphore, #tpu.memory_space<semaphore_mem>>) src(%dma_wait3A_1042 : memref<128x128xf32, #tpu.memory_space<vmem>>) dst(%dma_wait3A_1038 : memref<128x128xf32, #tpu.memory_space<hbm>>)
    %dma_wait3A_1043 = arith.constant 3 : i32
    %dma_wait3A_1044 = arith.constant 3 : i32
    %dma_wait3A_1045 = arith.constant 0 : i32
    %dma_wait3A_1046 = arith.constant 0 : i32
    %dma_wait3A_1047 = tpu.memref_slice %arg18[%dma_wait3A_1043, %dma_wait3A_1045, %dma_wait3A_1046] : memref<4x128x128xf32, #tpu.memory_space<vmem>> -> memref<1x128x128xf32, #tpu.memory_space<vmem>>
    %dma_wait3A_1048 = tpu.memref_squeeze %dma_wait3A_1047 : memref<1x128x128xf32, #tpu.memory_space<vmem>> -> memref<128x128xf32, #tpu.memory_space<vmem>>
    %dma_wait3A_1049 = arith.constant 0 : i32
    %dma_wait3A_1050 = tpu.memref_slice %arg13[%add3A_978, %dma_wait3A_1049] : memref<16384x128xf32, #tpu.memory_space<hbm>> -> memref<128x128xf32, #tpu.memory_space<hbm>>
    %dma_wait3A_1051 = tpu.memref_slice %arg20[%dma_wait3A_1044] : memref<4x!tpu.dma_semaphore, #tpu.memory_space<semaphore_mem>> -> memref<1x!tpu.dma_semaphore, #tpu.memory_space<semaphore_mem>>
    %dma_wait3A_1052 = tpu.memref_squeeze %dma_wait3A_1051 : memref<1x!tpu.dma_semaphore, #tpu.memory_space<semaphore_mem>> -> memref<!tpu.dma_semaphore, #tpu.memory_space<semaphore_mem>>
    %dma_wait3A_1053 = arith.constant 0 : i32
    %dma_wait3A_1054 = tpu.memref_slice %arg13[%add3A_978, %dma_wait3A_1053] : memref<16384x128xf32, #tpu.memory_space<hbm>> -> memref<128x128xf32, #tpu.memory_space<hbm>>
    %dma_wait3A_1055 = arith.constant 0 : i32
    %dma_wait3A_1056 = arith.constant 0 : i32
    %dma_wait3A_1057 = tpu.memref_slice %arg18[%dma_wait3A_1043, %dma_wait3A_1055, %dma_wait3A_1056] : memref<4x128x128xf32, #tpu.memory_space<vmem>> -> memref<1x128x128xf32, #tpu.memory_space<vmem>>
    %dma_wait3A_1058 = tpu.memref_squeeze %dma_wait3A_1057 : memref<1x128x128xf32, #tpu.memory_space<vmem>> -> memref<128x128xf32, #tpu.memory_space<vmem>>
    tpu.wait_dma2 semaphore(%dma_wait3A_1052 : memref<!tpu.dma_semaphore, #tpu.memory_space<semaphore_mem>>) src(%dma_wait3A_1058 : memref<128x128xf32, #tpu.memory_space<vmem>>) dst(%dma_wait3A_1054 : memref<128x128xf32, #tpu.memory_space<hbm>>)
    return
  }
}

module attributes {stable_mosaic.version = 14 : i64} {
  func.func @body(%arg0: i32, %arg1: memref<16x65536xf32, #tpu.memory_space<vmem>>, %arg2: memref<8192x128xf32, #tpu.memory_space<vmem>>) attributes {dimension_semantics = [#tpu.dimension_semantics<arbitrary>], iteration_bounds = array<i64: 2>, scalar_prefetch = 0 : i64, scratch_operands = 0 : i64, tpu.core_type = #tpu.core_type<tc>, window_params = [{transform_indices = @transform_0, window_bounds = array<i64: 16, 65536>}, {transform_indices = @transform_1, window_bounds = array<i64: 8192, 128>}]} {
    %get3A = arith.constant 0 : index
    %get3A_0 = arith.constant 0 : index
    %get3A_1 = vector.load %arg1[%get3A, %get3A_0] : memref<16x65536xf32, #tpu.memory_space<vmem>>, vector<16x65536xf32>
    %convert_element_type3A = arith.truncf %get3A_1 : vector<16x65536xf32> to vector<16x65536xbf16>
    %slice3A = vector.extract_strided_slice %convert_element_type3A {offsets = [0, 0], sizes = [16, 8192], strides = [1, 1]} : vector<16x65536xbf16> to vector<16x8192xbf16>
    %slice3A_2 = vector.extract_strided_slice %convert_element_type3A {offsets = [0, 8192], sizes = [16, 8192], strides = [1, 1]} : vector<16x65536xbf16> to vector<16x8192xbf16>
    %slice3A_3 = vector.extract_strided_slice %convert_element_type3A {offsets = [0, 16384], sizes = [16, 8192], strides = [1, 1]} : vector<16x65536xbf16> to vector<16x8192xbf16>
    %slice3A_4 = vector.extract_strided_slice %convert_element_type3A {offsets = [0, 24576], sizes = [16, 8192], strides = [1, 1]} : vector<16x65536xbf16> to vector<16x8192xbf16>
    %slice3A_5 = vector.extract_strided_slice %convert_element_type3A {offsets = [0, 32768], sizes = [16, 8192], strides = [1, 1]} : vector<16x65536xbf16> to vector<16x8192xbf16>
    %slice3A_6 = vector.extract_strided_slice %convert_element_type3A {offsets = [0, 40960], sizes = [16, 8192], strides = [1, 1]} : vector<16x65536xbf16> to vector<16x8192xbf16>
    %slice3A_7 = vector.extract_strided_slice %convert_element_type3A {offsets = [0, 49152], sizes = [16, 8192], strides = [1, 1]} : vector<16x65536xbf16> to vector<16x8192xbf16>
    %slice3A_8 = vector.extract_strided_slice %convert_element_type3A {offsets = [0, 57344], sizes = [16, 8192], strides = [1, 1]} : vector<16x65536xbf16> to vector<16x8192xbf16>
    %concatenate3A = tpu.concatenate %slice3A, %slice3A_2, %slice3A_3, %slice3A_4, %slice3A_5, %slice3A_6, %slice3A_7, %slice3A_8 in 0 : vector<16x8192xbf16>, vector<16x8192xbf16>, vector<16x8192xbf16>, vector<16x8192xbf16>, vector<16x8192xbf16>, vector<16x8192xbf16>, vector<16x8192xbf16>, vector<16x8192xbf16> -> vector<128x8192xbf16>
    %iota3A = tpu.iota {dimensions = array<i32: 0>} : vector<128x128xi32>
    %iota3A_9 = tpu.iota {dimensions = array<i32: 1>} : vector<128x128xi32>
    %eq3A = arith.cmpi eq, %iota3A, %iota3A_9 : vector<128x128xi32>
    %convert_element_type3A_10 = arith.extui %eq3A : vector<128x128xi1> to vector<128x128xi32>
    %convert_element_type3A_11 = arith.sitofp %convert_element_type3A_10 : vector<128x128xi32> to vector<128x128xf32>
    %convert_element_type3A_12 = arith.truncf %convert_element_type3A_11 : vector<128x128xf32> to vector<128x128xbf16>
    %dot_general3A = arith.constant dense<0.000000e+00> : vector<8192x128xf32>
    %dot_general3A_13 = tpu.matmul %concatenate3A, %convert_element_type3A_12, %dot_general3A {dimension_numbers = #tpu.dot_dimension_numbers<[0], [0], [1], [1], [0, 1, 1, 1], [], []>, transpose_lhs_hint = false} : vector<128x8192xbf16>, vector<128x128xbf16>, vector<8192x128xf32> -> vector<8192x128xf32>
    %swap3A = arith.constant 0 : index
    %swap3A_14 = arith.constant 0 : index
    %swap3A_15 = vector.load %arg2[%swap3A, %swap3A_14] : memref<8192x128xf32, #tpu.memory_space<vmem>>, vector<8192x128xf32>
    tpu.vector_store %arg2[%swap3A, %swap3A_14], %dot_general3A_13 {strides = array<i32>} : memref<8192x128xf32, #tpu.memory_space<vmem>>, vector<8192x128xf32>,
    return
  }
  func.func @transform_0(%arg0: i32) -> (i32, i32) {
    %c0_i32 = arith.constant 0 : i32
    %c0_i32_0 = arith.constant 0 : i32
    return %c0_i32, %arg0 : i32, i32
  }
  func.func @transform_1(%arg0: i32) -> (i32, i32) {
    %c0_i32 = arith.constant 0 : i32
    %c0_i32_0 = arith.constant 0 : i32
    return %arg0, %c0_i32 : i32, i32
  }
}

module attributes {stable_mosaic.version = 14 : i64} {
  func.func @body(%arg0: i32, %arg1: memref<8x65536xf32, #tpu.memory_space<vmem>>, %arg2: memref<4096x128xf32, #tpu.memory_space<vmem>>) attributes {dimension_semantics = [#tpu.dimension_semantics<arbitrary>], iteration_bounds = array<i64: 16>, scalar_prefetch = 0 : i64, scratch_operands = 0 : i64, tpu.core_type = #tpu.core_type<tc>, window_params = [{transform_indices = @transform_0, window_bounds = array<i64: 8, 65536>}, {transform_indices = @transform_1, window_bounds = array<i64: 4096, 128>}]} {
    %get3A = arith.constant 0 : index
    %get3A_0 = arith.constant 0 : index
    %get3A_1 = vector.load %arg1[%get3A, %get3A_0] : memref<8x65536xf32, #tpu.memory_space<vmem>>, vector<8x65536xf32>
    %convert_element_type3A = arith.truncf %get3A_1 : vector<8x65536xf32> to vector<8x65536xbf16>
    %slice3A = vector.extract_strided_slice %convert_element_type3A {offsets = [0, 0], sizes = [8, 4096], strides = [1, 1]} : vector<8x65536xbf16> to vector<8x4096xbf16>
    %slice3A_2 = vector.extract_strided_slice %convert_element_type3A {offsets = [0, 4096], sizes = [8, 4096], strides = [1, 1]} : vector<8x65536xbf16> to vector<8x4096xbf16>
    %slice3A_3 = vector.extract_strided_slice %convert_element_type3A {offsets = [0, 8192], sizes = [8, 4096], strides = [1, 1]} : vector<8x65536xbf16> to vector<8x4096xbf16>
    %slice3A_4 = vector.extract_strided_slice %convert_element_type3A {offsets = [0, 12288], sizes = [8, 4096], strides = [1, 1]} : vector<8x65536xbf16> to vector<8x4096xbf16>
    %slice3A_5 = vector.extract_strided_slice %convert_element_type3A {offsets = [0, 16384], sizes = [8, 4096], strides = [1, 1]} : vector<8x65536xbf16> to vector<8x4096xbf16>
    %slice3A_6 = vector.extract_strided_slice %convert_element_type3A {offsets = [0, 20480], sizes = [8, 4096], strides = [1, 1]} : vector<8x65536xbf16> to vector<8x4096xbf16>
    %slice3A_7 = vector.extract_strided_slice %convert_element_type3A {offsets = [0, 24576], sizes = [8, 4096], strides = [1, 1]} : vector<8x65536xbf16> to vector<8x4096xbf16>
    %slice3A_8 = vector.extract_strided_slice %convert_element_type3A {offsets = [0, 28672], sizes = [8, 4096], strides = [1, 1]} : vector<8x65536xbf16> to vector<8x4096xbf16>
    %slice3A_9 = vector.extract_strided_slice %convert_element_type3A {offsets = [0, 32768], sizes = [8, 4096], strides = [1, 1]} : vector<8x65536xbf16> to vector<8x4096xbf16>
    %slice3A_10 = vector.extract_strided_slice %convert_element_type3A {offsets = [0, 36864], sizes = [8, 4096], strides = [1, 1]} : vector<8x65536xbf16> to vector<8x4096xbf16>
    %slice3A_11 = vector.extract_strided_slice %convert_element_type3A {offsets = [0, 40960], sizes = [8, 4096], strides = [1, 1]} : vector<8x65536xbf16> to vector<8x4096xbf16>
    %slice3A_12 = vector.extract_strided_slice %convert_element_type3A {offsets = [0, 45056], sizes = [8, 4096], strides = [1, 1]} : vector<8x65536xbf16> to vector<8x4096xbf16>
    %slice3A_13 = vector.extract_strided_slice %convert_element_type3A {offsets = [0, 49152], sizes = [8, 4096], strides = [1, 1]} : vector<8x65536xbf16> to vector<8x4096xbf16>
    %slice3A_14 = vector.extract_strided_slice %convert_element_type3A {offsets = [0, 53248], sizes = [8, 4096], strides = [1, 1]} : vector<8x65536xbf16> to vector<8x4096xbf16>
    %slice3A_15 = vector.extract_strided_slice %convert_element_type3A {offsets = [0, 57344], sizes = [8, 4096], strides = [1, 1]} : vector<8x65536xbf16> to vector<8x4096xbf16>
    %slice3A_16 = vector.extract_strided_slice %convert_element_type3A {offsets = [0, 61440], sizes = [8, 4096], strides = [1, 1]} : vector<8x65536xbf16> to vector<8x4096xbf16>
    %concatenate3A = tpu.concatenate %slice3A, %slice3A_2, %slice3A_3, %slice3A_4, %slice3A_5, %slice3A_6, %slice3A_7, %slice3A_8, %slice3A_9, %slice3A_10, %slice3A_11, %slice3A_12, %slice3A_13, %slice3A_14, %slice3A_15, %slice3A_16 in 0 : vector<8x4096xbf16>, vector<8x4096xbf16>, vector<8x4096xbf16>, vector<8x4096xbf16>, vector<8x4096xbf16>, vector<8x4096xbf16>, vector<8x4096xbf16>, vector<8x4096xbf16>, vector<8x4096xbf16>, vector<8x4096xbf16>, vector<8x4096xbf16>, vector<8x4096xbf16>, vector<8x4096xbf16>, vector<8x4096xbf16>, vector<8x4096xbf16>, vector<8x4096xbf16> -> vector<128x4096xbf16>
    %iota3A = tpu.iota {dimensions = array<i32: 0>} : vector<128x128xi32>
    %iota3A_17 = tpu.iota {dimensions = array<i32: 1>} : vector<128x128xi32>
    %eq3A = arith.cmpi eq, %iota3A, %iota3A_17 : vector<128x128xi32>
    %convert_element_type3A_18 = arith.extui %eq3A : vector<128x128xi1> to vector<128x128xi32>
    %convert_element_type3A_19 = arith.sitofp %convert_element_type3A_18 : vector<128x128xi32> to vector<128x128xf32>
    %convert_element_type3A_20 = arith.truncf %convert_element_type3A_19 : vector<128x128xf32> to vector<128x128xbf16>
    %dot_general3A = arith.constant dense<0.000000e+00> : vector<4096x128xf32>
    %dot_general3A_21 = tpu.matmul %concatenate3A, %convert_element_type3A_20, %dot_general3A {dimension_numbers = #tpu.dot_dimension_numbers<[0], [0], [1], [1], [0, 1, 1, 1], [], []>, transpose_lhs_hint = false} : vector<128x4096xbf16>, vector<128x128xbf16>, vector<4096x128xf32> -> vector<4096x128xf32>
    %swap3A = arith.constant 0 : index
    %swap3A_22 = arith.constant 0 : index
    %swap3A_23 = vector.load %arg2[%swap3A, %swap3A_22] : memref<4096x128xf32, #tpu.memory_space<vmem>>, vector<4096x128xf32>
    tpu.vector_store %arg2[%swap3A, %swap3A_22], %dot_general3A_21 {strides = array<i32>} : memref<4096x128xf32, #tpu.memory_space<vmem>>, vector<4096x128xf32>,
    return
  }
  func.func @transform_0(%arg0: i32) -> (i32, i32) {
    %c0_i32 = arith.constant 0 : i32
    %c0_i32_0 = arith.constant 0 : i32
    return %c0_i32, %arg0 : i32, i32
  }
  func.func @transform_1(%arg0: i32) -> (i32, i32) {
    %c0_i32 = arith.constant 0 : i32
    %c0_i32_0 = arith.constant 0 : i32
    return %arg0, %c0_i32 : i32, i32
  }
}

module attributes {stable_mosaic.version = 14 : i64} {
  func.func @body(%arg0: i32, %arg1: memref<16x65536xf32, #tpu.memory_space<vmem>>, %arg2: memref<8192x128xf32, #tpu.memory_space<vmem>>) attributes {dimension_semantics = [#tpu.dimension_semantics<arbitrary>], iteration_bounds = array<i64: 16>, scalar_prefetch = 0 : i64, scratch_operands = 0 : i64, tpu.core_type = #tpu.core_type<tc>, window_params = [{transform_indices = @transform_0, window_bounds = array<i64: 16, 65536>}, {transform_indices = @transform_1, window_bounds = array<i64: 8192, 128>}]} {
    %get3A = arith.constant 0 : index
    %get3A_0 = arith.constant 0 : index
    %get3A_1 = vector.load %arg1[%get3A, %get3A_0] : memref<16x65536xf32, #tpu.memory_space<vmem>>, vector<16x65536xf32>
    %convert_element_type3A = arith.truncf %get3A_1 : vector<16x65536xf32> to vector<16x65536xbf16>
    %slice3A = vector.extract_strided_slice %convert_element_type3A {offsets = [0, 0], sizes = [16, 8192], strides = [1, 1]} : vector<16x65536xbf16> to vector<16x8192xbf16>
    %slice3A_2 = vector.extract_strided_slice %convert_element_type3A {offsets = [0, 8192], sizes = [16, 8192], strides = [1, 1]} : vector<16x65536xbf16> to vector<16x8192xbf16>
    %slice3A_3 = vector.extract_strided_slice %convert_element_type3A {offsets = [0, 16384], sizes = [16, 8192], strides = [1, 1]} : vector<16x65536xbf16> to vector<16x8192xbf16>
    %slice3A_4 = vector.extract_strided_slice %convert_element_type3A {offsets = [0, 24576], sizes = [16, 8192], strides = [1, 1]} : vector<16x65536xbf16> to vector<16x8192xbf16>
    %slice3A_5 = vector.extract_strided_slice %convert_element_type3A {offsets = [0, 32768], sizes = [16, 8192], strides = [1, 1]} : vector<16x65536xbf16> to vector<16x8192xbf16>
    %slice3A_6 = vector.extract_strided_slice %convert_element_type3A {offsets = [0, 40960], sizes = [16, 8192], strides = [1, 1]} : vector<16x65536xbf16> to vector<16x8192xbf16>
    %slice3A_7 = vector.extract_strided_slice %convert_element_type3A {offsets = [0, 49152], sizes = [16, 8192], strides = [1, 1]} : vector<16x65536xbf16> to vector<16x8192xbf16>
    %slice3A_8 = vector.extract_strided_slice %convert_element_type3A {offsets = [0, 57344], sizes = [16, 8192], strides = [1, 1]} : vector<16x65536xbf16> to vector<16x8192xbf16>
    %concatenate3A = tpu.concatenate %slice3A, %slice3A_2, %slice3A_3, %slice3A_4, %slice3A_5, %slice3A_6, %slice3A_7, %slice3A_8 in 0 : vector<16x8192xbf16>, vector<16x8192xbf16>, vector<16x8192xbf16>, vector<16x8192xbf16>, vector<16x8192xbf16>, vector<16x8192xbf16>, vector<16x8192xbf16>, vector<16x8192xbf16> -> vector<128x8192xbf16>
    %iota3A = tpu.iota {dimensions = array<i32: 0>} : vector<128x128xi32>
    %iota3A_9 = tpu.iota {dimensions = array<i32: 1>} : vector<128x128xi32>
    %eq3A = arith.cmpi eq, %iota3A, %iota3A_9 : vector<128x128xi32>
    %convert_element_type3A_10 = arith.extui %eq3A : vector<128x128xi1> to vector<128x128xi32>
    %convert_element_type3A_11 = arith.sitofp %convert_element_type3A_10 : vector<128x128xi32> to vector<128x128xf32>
    %convert_element_type3A_12 = arith.truncf %convert_element_type3A_11 : vector<128x128xf32> to vector<128x128xbf16>
    %dot_general3A = arith.constant dense<0.000000e+00> : vector<8192x128xf32>
    %dot_general3A_13 = tpu.matmul %concatenate3A, %convert_element_type3A_12, %dot_general3A {dimension_numbers = #tpu.dot_dimension_numbers<[0], [0], [1], [1], [0, 1, 1, 1], [], []>, transpose_lhs_hint = false} : vector<128x8192xbf16>, vector<128x128xbf16>, vector<8192x128xf32> -> vector<8192x128xf32>
    %swap3A = arith.constant 0 : index
    %swap3A_14 = arith.constant 0 : index
    %swap3A_15 = vector.load %arg2[%swap3A, %swap3A_14] : memref<8192x128xf32, #tpu.memory_space<vmem>>, vector<8192x128xf32>
    tpu.vector_store %arg2[%swap3A, %swap3A_14], %dot_general3A_13 {strides = array<i32>} : memref<8192x128xf32, #tpu.memory_space<vmem>>, vector<8192x128xf32>,
    return
  }
  func.func @transform_0(%arg0: i32) -> (i32, i32) {
    %c0_i32 = arith.constant 0 : i32
    %c0_i32_0 = arith.constant 0 : i32
    return %c0_i32, %arg0 : i32, i32
  }
  func.func @transform_1(%arg0: i32) -> (i32, i32) {
    %c0_i32 = arith.constant 0 : i32
    %c0_i32_0 = arith.constant 0 : i32
    return %arg0, %c0_i32 : i32, i32
  }
}

module attributes {stable_mosaic.version = 14 : i64} {
  func.func @_mlp_body(%arg0: i32, %arg1: memref<2048x9xf32, #tpu.memory_space<vmem>>, %arg2: memref<2048x128xf32, #tpu.memory_space<vmem>>, %arg3: memref<2048x128xf32, #tpu.memory_space<vmem>>, %arg4: memref<2048x128xf32, #tpu.memory_space<vmem>>, %arg5: memref<2048x128xf32, #tpu.memory_space<vmem>>, %arg6: memref<512x128xbf16, #tpu.memory_space<vmem>>, %arg7: memref<8x128xbf16, #tpu.memory_space<vmem>>, %arg8: memref<8x128xbf16, #tpu.memory_space<vmem>>, %arg9: memref<3x128xbf16, #tpu.memory_space<vmem>>, %arg10: memref<1x128xf32, #tpu.memory_space<vmem>>, %arg11: memref<1x128xf32, #tpu.memory_space<vmem>>, %arg12: memref<1x1xf32, #tpu.memory_space<vmem>>, %arg13: memref<1x2048xf32, #tpu.memory_space<vmem>>) attributes {dimension_semantics = [#tpu.dimension_semantics<arbitrary>], iteration_bounds = array<i64: 8>, scalar_prefetch = 0 : i64, scratch_operands = 0 : i64, tpu.core_type = #tpu.core_type<tc>, window_params = [{transform_indices = @transform_0, window_bounds = array<i64: 2048, 9>}, {transform_indices = @transform_1, window_bounds = array<i64: 2048, 128>}, {transform_indices = @transform_2, window_bounds = array<i64: 2048, 128>}, {transform_indices = @transform_3, window_bounds = array<i64: 2048, 128>}, {transform_indices = @transform_4, window_bounds = array<i64: 2048, 128>}, {pipeline_mode = #tpu.pipeline_mode<synchronous>, transform_indices = @transform_5, window_bounds = array<i64: 512, 128>}, {pipeline_mode = #tpu.pipeline_mode<synchronous>, transform_indices = @transform_6, window_bounds = array<i64: 8, 128>}, {pipeline_mode = #tpu.pipeline_mode<synchronous>, transform_indices = @transform_7, window_bounds = array<i64: 8, 128>}, {pipeline_mode = #tpu.pipeline_mode<synchronous>, transform_indices = @transform_8, window_bounds = array<i64: 3, 128>}, {pipeline_mode = #tpu.pipeline_mode<synchronous>, transform_indices = @transform_9, window_bounds = array<i64: 1, 128>}, {pipeline_mode = #tpu.pipeline_mode<synchronous>, transform_indices = @transform_10, window_bounds = array<i64: 1, 128>}, {pipeline_mode = #tpu.pipeline_mode<synchronous>, transform_indices = @transform_11, window_bounds = array<i64: 1, 1>}, {transform_indices = @transform_12, window_bounds = array<i64: 1, 2048>}]} {
    %get3A = arith.constant 0 : index
    %get3A_0 = arith.constant 0 : index
    %get3A_1 = vector.load %arg1[%get3A, %get3A_0] : memref<2048x9xf32, #tpu.memory_space<vmem>>, vector<2048x9xf32>
    %iota3A = tpu.iota {dimensions = array<i32: 1>} : vector<2048x8xi32>
    %convert_element_type3A = arith.sitofp %iota3A : vector<2048x8xi32> to vector<2048x8xf32>
    %slice3A = vector.extract_strided_slice %get3A_1 {offsets = [0, 0], sizes = [2048, 1], strides = [1, 1]} : vector<2048x9xf32> to vector<2048x1xf32>
    %eq3A = vector.broadcast %slice3A : vector<2048x1xf32> to vector<2048x8xf32>
    %eq3A_2 = arith.cmpf oeq, %convert_element_type3A, %eq3A : vector<2048x8xf32>
    %convert_element_type3A_3 = arith.extui %eq3A_2 : vector<2048x8xi1> to vector<2048x8xi32>
    %convert_element_type3A_4 = arith.sitofp %convert_element_type3A_3 : vector<2048x8xi32> to vector<2048x8xf32>
    %convert_element_type3A_5 = arith.truncf %convert_element_type3A_4 : vector<2048x8xf32> to vector<2048x8xbf16>
    %slice3A_6 = vector.extract_strided_slice %get3A_1 {offsets = [0, 1], sizes = [2048, 1], strides = [1, 1]} : vector<2048x9xf32> to vector<2048x1xf32>
    %eq3A_7 = vector.broadcast %slice3A_6 : vector<2048x1xf32> to vector<2048x8xf32>
    %eq3A_8 = arith.cmpf oeq, %convert_element_type3A, %eq3A_7 : vector<2048x8xf32>
    %convert_element_type3A_9 = arith.extui %eq3A_8 : vector<2048x8xi1> to vector<2048x8xi32>
    %convert_element_type3A_10 = arith.sitofp %convert_element_type3A_9 : vector<2048x8xi32> to vector<2048x8xf32>
    %convert_element_type3A_11 = arith.truncf %convert_element_type3A_10 : vector<2048x8xf32> to vector<2048x8xbf16>
    %get3A_12 = arith.constant 0 : index
    %get3A_13 = arith.constant 0 : index
    %get3A_14 = vector.load %arg2[%get3A_12, %get3A_13] : memref<2048x128xf32, #tpu.memory_space<vmem>>, vector<2048x128xf32>
    %slice3A_15 = vector.extract_strided_slice %get3A_1 {offsets = [0, 2], sizes = [2048, 1], strides = [1, 1]} : vector<2048x9xf32> to vector<2048x1xf32>
    %iota3A_16 = tpu.iota {dimensions = array<i32: 1>} : vector<2048x128xi32>
    %jit3A = arith.constant 16 : i32
    %div3A = vector.broadcast %jit3A : i32 to vector<2048x128xi32>
    %div3A_17 = arith.divsi %iota3A_16, %div3A : vector<2048x128xi32>
    %sign3A = arith.constant 0 : i32
    %sign3A_18 = vector.broadcast %sign3A : i32 to vector<2048x128xi32>
    %sign3A_19 = arith.cmpi sgt, %iota3A_16, %sign3A_18 : vector<2048x128xi32>
    %sign3A_20 = arith.extui %sign3A_19 : vector<2048x128xi1> to vector<2048x128xi32>
    %sign3A_21 = arith.constant 0 : i32
    %sign3A_22 = vector.broadcast %sign3A_21 : i32 to vector<2048x128xi32>
    %sign3A_23 = arith.cmpi slt, %iota3A_16, %sign3A_22 : vector<2048x128xi32>
    %sign3A_24 = arith.extui %sign3A_23 : vector<2048x128xi1> to vector<2048x128xi32>
    %sign3A_25 = arith.subi %sign3A_20, %sign3A_24 : vector<2048x128xi32>
    %sign3A_26 = arith.constant 0 : i32
    %sign3A_27 = arith.cmpi sgt, %jit3A, %sign3A_26 : i32
    %sign3A_28 = arith.extui %sign3A_27 : i1 to i32
    %sign3A_29 = arith.constant 0 : i32
    %sign3A_30 = arith.cmpi slt, %jit3A, %sign3A_29 : i32
    %sign3A_31 = arith.extui %sign3A_30 : i1 to i32
    %sign3A_32 = arith.subi %sign3A_28, %sign3A_31 : i32
    %ne3A = vector.broadcast %sign3A_32 : i32 to vector<2048x128xi32>
    %ne3A_33 = arith.cmpi ne, %sign3A_25, %ne3A : vector<2048x128xi32>
    %rem3A = vector.broadcast %jit3A : i32 to vector<2048x128xi32>
    %rem3A_34 = arith.remsi %iota3A_16, %rem3A : vector<2048x128xi32>
    %ne3A_35 = arith.constant 0 : i32
    %ne3A_36 = vector.broadcast %ne3A_35 : i32 to vector<2048x128xi32>
    %ne3A_37 = arith.cmpi ne, %rem3A_34, %ne3A_36 : vector<2048x128xi32>
    %and3A = arith.andi %ne3A_33, %ne3A_37 : vector<2048x128xi1>
    %sub3A = arith.constant 1 : i32
    %sub3A_38 = vector.broadcast %sub3A : i32 to vector<2048x128xi32>
    %sub3A_39 = arith.subi %div3A_17, %sub3A_38 : vector<2048x128xi32>
    %select_n3A = arith.select %and3A, %sub3A_39, %div3A_17 : vector<2048x128xi1>, vector<2048x128xi32>
    %convert_element_type3A_40 = arith.sitofp %select_n3A : vector<2048x128xi32> to vector<2048x128xf32>
    %eq3A_41 = vector.broadcast %slice3A_15 : vector<2048x1xf32> to vector<2048x128xf32>
    %eq3A_42 = arith.cmpf oeq, %convert_element_type3A_40, %eq3A_41 : vector<2048x128xf32>
    %convert_element_type3A_43 = arith.extui %eq3A_42 : vector<2048x128xi1> to vector<2048x128xi32>
    %convert_element_type3A_44 = arith.sitofp %convert_element_type3A_43 : vector<2048x128xi32> to vector<2048x128xf32>
    %mul3A = arith.mulf %get3A_14, %convert_element_type3A_44 : vector<2048x128xf32>
    %get3A_45 = arith.constant 0 : index
    %get3A_46 = arith.constant 0 : index
    %get3A_47 = vector.load %arg3[%get3A_45, %get3A_46] : memref<2048x128xf32, #tpu.memory_space<vmem>>, vector<2048x128xf32>
    %slice3A_48 = vector.extract_strided_slice %get3A_1 {offsets = [0, 3], sizes = [2048, 1], strides = [1, 1]} : vector<2048x9xf32> to vector<2048x1xf32>
    %iota3A_49 = tpu.iota {dimensions = array<i32: 1>} : vector<2048x128xi32>
    %jit3A_50 = arith.constant 16 : i32
    %div3A_51 = vector.broadcast %jit3A_50 : i32 to vector<2048x128xi32>
    %div3A_52 = arith.divsi %iota3A_49, %div3A_51 : vector<2048x128xi32>
    %sign3A_53 = arith.constant 0 : i32
    %sign3A_54 = vector.broadcast %sign3A_53 : i32 to vector<2048x128xi32>
    %sign3A_55 = arith.cmpi sgt, %iota3A_49, %sign3A_54 : vector<2048x128xi32>
    %sign3A_56 = arith.extui %sign3A_55 : vector<2048x128xi1> to vector<2048x128xi32>
    %sign3A_57 = arith.constant 0 : i32
    %sign3A_58 = vector.broadcast %sign3A_57 : i32 to vector<2048x128xi32>
    %sign3A_59 = arith.cmpi slt, %iota3A_49, %sign3A_58 : vector<2048x128xi32>
    %sign3A_60 = arith.extui %sign3A_59 : vector<2048x128xi1> to vector<2048x128xi32>
    %sign3A_61 = arith.subi %sign3A_56, %sign3A_60 : vector<2048x128xi32>
    %sign3A_62 = arith.constant 0 : i32
    %sign3A_63 = arith.cmpi sgt, %jit3A_50, %sign3A_62 : i32
    %sign3A_64 = arith.extui %sign3A_63 : i1 to i32
    %sign3A_65 = arith.constant 0 : i32
    %sign3A_66 = arith.cmpi slt, %jit3A_50, %sign3A_65 : i32
    %sign3A_67 = arith.extui %sign3A_66 : i1 to i32
    %sign3A_68 = arith.subi %sign3A_64, %sign3A_67 : i32
    %ne3A_69 = vector.broadcast %sign3A_68 : i32 to vector<2048x128xi32>
    %ne3A_70 = arith.cmpi ne, %sign3A_61, %ne3A_69 : vector<2048x128xi32>
    %rem3A_71 = vector.broadcast %jit3A_50 : i32 to vector<2048x128xi32>
    %rem3A_72 = arith.remsi %iota3A_49, %rem3A_71 : vector<2048x128xi32>
    %ne3A_73 = arith.constant 0 : i32
    %ne3A_74 = vector.broadcast %ne3A_73 : i32 to vector<2048x128xi32>
    %ne3A_75 = arith.cmpi ne, %rem3A_72, %ne3A_74 : vector<2048x128xi32>
    %and3A_76 = arith.andi %ne3A_70, %ne3A_75 : vector<2048x128xi1>
    %sub3A_77 = arith.constant 1 : i32
    %sub3A_78 = vector.broadcast %sub3A_77 : i32 to vector<2048x128xi32>
    %sub3A_79 = arith.subi %div3A_52, %sub3A_78 : vector<2048x128xi32>
    %select_n3A_80 = arith.select %and3A_76, %sub3A_79, %div3A_52 : vector<2048x128xi1>, vector<2048x128xi32>
    %convert_element_type3A_81 = arith.sitofp %select_n3A_80 : vector<2048x128xi32> to vector<2048x128xf32>
    %eq3A_82 = vector.broadcast %slice3A_48 : vector<2048x1xf32> to vector<2048x128xf32>
    %eq3A_83 = arith.cmpf oeq, %convert_element_type3A_81, %eq3A_82 : vector<2048x128xf32>
    %convert_element_type3A_84 = arith.extui %eq3A_83 : vector<2048x128xi1> to vector<2048x128xi32>
    %convert_element_type3A_85 = arith.sitofp %convert_element_type3A_84 : vector<2048x128xi32> to vector<2048x128xf32>
    %mul3A_86 = arith.mulf %get3A_47, %convert_element_type3A_85 : vector<2048x128xf32>
    %get3A_87 = arith.constant 0 : index
    %get3A_88 = arith.constant 0 : index
    %get3A_89 = vector.load %arg4[%get3A_87, %get3A_88] : memref<2048x128xf32, #tpu.memory_space<vmem>>, vector<2048x128xf32>
    %slice3A_90 = vector.extract_strided_slice %get3A_1 {offsets = [0, 4], sizes = [2048, 1], strides = [1, 1]} : vector<2048x9xf32> to vector<2048x1xf32>
    %iota3A_91 = tpu.iota {dimensions = array<i32: 1>} : vector<2048x128xi32>
    %jit3A_92 = arith.constant 16 : i32
    %div3A_93 = vector.broadcast %jit3A_92 : i32 to vector<2048x128xi32>
    %div3A_94 = arith.divsi %iota3A_91, %div3A_93 : vector<2048x128xi32>
    %sign3A_95 = arith.constant 0 : i32
    %sign3A_96 = vector.broadcast %sign3A_95 : i32 to vector<2048x128xi32>
    %sign3A_97 = arith.cmpi sgt, %iota3A_91, %sign3A_96 : vector<2048x128xi32>
    %sign3A_98 = arith.extui %sign3A_97 : vector<2048x128xi1> to vector<2048x128xi32>
    %sign3A_99 = arith.constant 0 : i32
    %sign3A_100 = vector.broadcast %sign3A_99 : i32 to vector<2048x128xi32>
    %sign3A_101 = arith.cmpi slt, %iota3A_91, %sign3A_100 : vector<2048x128xi32>
    %sign3A_102 = arith.extui %sign3A_101 : vector<2048x128xi1> to vector<2048x128xi32>
    %sign3A_103 = arith.subi %sign3A_98, %sign3A_102 : vector<2048x128xi32>
    %sign3A_104 = arith.constant 0 : i32
    %sign3A_105 = arith.cmpi sgt, %jit3A_92, %sign3A_104 : i32
    %sign3A_106 = arith.extui %sign3A_105 : i1 to i32
    %sign3A_107 = arith.constant 0 : i32
    %sign3A_108 = arith.cmpi slt, %jit3A_92, %sign3A_107 : i32
    %sign3A_109 = arith.extui %sign3A_108 : i1 to i32
    %sign3A_110 = arith.subi %sign3A_106, %sign3A_109 : i32
    %ne3A_111 = vector.broadcast %sign3A_110 : i32 to vector<2048x128xi32>
    %ne3A_112 = arith.cmpi ne, %sign3A_103, %ne3A_111 : vector<2048x128xi32>
    %rem3A_113 = vector.broadcast %jit3A_92 : i32 to vector<2048x128xi32>
    %rem3A_114 = arith.remsi %iota3A_91, %rem3A_113 : vector<2048x128xi32>
    %ne3A_115 = arith.constant 0 : i32
    %ne3A_116 = vector.broadcast %ne3A_115 : i32 to vector<2048x128xi32>
    %ne3A_117 = arith.cmpi ne, %rem3A_114, %ne3A_116 : vector<2048x128xi32>
    %and3A_118 = arith.andi %ne3A_112, %ne3A_117 : vector<2048x128xi1>
    %sub3A_119 = arith.constant 1 : i32
    %sub3A_120 = vector.broadcast %sub3A_119 : i32 to vector<2048x128xi32>
    %sub3A_121 = arith.subi %div3A_94, %sub3A_120 : vector<2048x128xi32>
    %select_n3A_122 = arith.select %and3A_118, %sub3A_121, %div3A_94 : vector<2048x128xi1>, vector<2048x128xi32>
    %convert_element_type3A_123 = arith.sitofp %select_n3A_122 : vector<2048x128xi32> to vector<2048x128xf32>
    %eq3A_124 = vector.broadcast %slice3A_90 : vector<2048x1xf32> to vector<2048x128xf32>
    %eq3A_125 = arith.cmpf oeq, %convert_element_type3A_123, %eq3A_124 : vector<2048x128xf32>
    %convert_element_type3A_126 = arith.extui %eq3A_125 : vector<2048x128xi1> to vector<2048x128xi32>
    %convert_element_type3A_127 = arith.sitofp %convert_element_type3A_126 : vector<2048x128xi32> to vector<2048x128xf32>
    %mul3A_128 = arith.mulf %get3A_89, %convert_element_type3A_127 : vector<2048x128xf32>
    %get3A_129 = arith.constant 0 : index
    %get3A_130 = arith.constant 0 : index
    %get3A_131 = vector.load %arg5[%get3A_129, %get3A_130] : memref<2048x128xf32, #tpu.memory_space<vmem>>, vector<2048x128xf32>
    %slice3A_132 = vector.extract_strided_slice %get3A_1 {offsets = [0, 5], sizes = [2048, 1], strides = [1, 1]} : vector<2048x9xf32> to vector<2048x1xf32>
    %iota3A_133 = tpu.iota {dimensions = array<i32: 1>} : vector<2048x128xi32>
    %jit3A_134 = arith.constant 8 : i32
    %div3A_135 = vector.broadcast %jit3A_134 : i32 to vector<2048x128xi32>
    %div3A_136 = arith.divsi %iota3A_133, %div3A_135 : vector<2048x128xi32>
    %sign3A_137 = arith.constant 0 : i32
    %sign3A_138 = vector.broadcast %sign3A_137 : i32 to vector<2048x128xi32>
    %sign3A_139 = arith.cmpi sgt, %iota3A_133, %sign3A_138 : vector<2048x128xi32>
    %sign3A_140 = arith.extui %sign3A_139 : vector<2048x128xi1> to vector<2048x128xi32>
    %sign3A_141 = arith.constant 0 : i32
    %sign3A_142 = vector.broadcast %sign3A_141 : i32 to vector<2048x128xi32>
    %sign3A_143 = arith.cmpi slt, %iota3A_133, %sign3A_142 : vector<2048x128xi32>
    %sign3A_144 = arith.extui %sign3A_143 : vector<2048x128xi1> to vector<2048x128xi32>
    %sign3A_145 = arith.subi %sign3A_140, %sign3A_144 : vector<2048x128xi32>
    %sign3A_146 = arith.constant 0 : i32
    %sign3A_147 = arith.cmpi sgt, %jit3A_134, %sign3A_146 : i32
    %sign3A_148 = arith.extui %sign3A_147 : i1 to i32
    %sign3A_149 = arith.constant 0 : i32
    %sign3A_150 = arith.cmpi slt, %jit3A_134, %sign3A_149 : i32
    %sign3A_151 = arith.extui %sign3A_150 : i1 to i32
    %sign3A_152 = arith.subi %sign3A_148, %sign3A_151 : i32
    %ne3A_153 = vector.broadcast %sign3A_152 : i32 to vector<2048x128xi32>
    %ne3A_154 = arith.cmpi ne, %sign3A_145, %ne3A_153 : vector<2048x128xi32>
    %rem3A_155 = vector.broadcast %jit3A_134 : i32 to vector<2048x128xi32>
    %rem3A_156 = arith.remsi %iota3A_133, %rem3A_155 : vector<2048x128xi32>
    %ne3A_157 = arith.constant 0 : i32
    %ne3A_158 = vector.broadcast %ne3A_157 : i32 to vector<2048x128xi32>
    %ne3A_159 = arith.cmpi ne, %rem3A_156, %ne3A_158 : vector<2048x128xi32>
    %and3A_160 = arith.andi %ne3A_154, %ne3A_159 : vector<2048x128xi1>
    %sub3A_161 = arith.constant 1 : i32
    %sub3A_162 = vector.broadcast %sub3A_161 : i32 to vector<2048x128xi32>
    %sub3A_163 = arith.subi %div3A_136, %sub3A_162 : vector<2048x128xi32>
    %select_n3A_164 = arith.select %and3A_160, %sub3A_163, %div3A_136 : vector<2048x128xi1>, vector<2048x128xi32>
    %convert_element_type3A_165 = arith.sitofp %select_n3A_164 : vector<2048x128xi32> to vector<2048x128xf32>
    %eq3A_166 = vector.broadcast %slice3A_132 : vector<2048x1xf32> to vector<2048x128xf32>
    %eq3A_167 = arith.cmpf oeq, %convert_element_type3A_165, %eq3A_166 : vector<2048x128xf32>
    %convert_element_type3A_168 = arith.extui %eq3A_167 : vector<2048x128xi1> to vector<2048x128xi32>
    %convert_element_type3A_169 = arith.sitofp %convert_element_type3A_168 : vector<2048x128xi32> to vector<2048x128xf32>
    %mul3A_170 = arith.mulf %get3A_131, %convert_element_type3A_169 : vector<2048x128xf32>
    %concatenate3A = tpu.concatenate %mul3A, %mul3A_86, %mul3A_128, %mul3A_170 in 1 : vector<2048x128xf32>, vector<2048x128xf32>, vector<2048x128xf32>, vector<2048x128xf32> -> vector<2048x512xf32>
    %convert_element_type3A_171 = arith.truncf %concatenate3A : vector<2048x512xf32> to vector<2048x512xbf16>
    %get3A_172 = arith.constant 0 : index
    %get3A_173 = arith.constant 0 : index
    %get3A_174 = vector.load %arg6[%get3A_172, %get3A_173] : memref<512x128xbf16, #tpu.memory_space<vmem>>, vector<512x128xbf16>
    %dot_general3A = arith.constant dense<0.000000e+00> : vector<2048x128xf32>
    %dot_general3A_175 = tpu.matmul %convert_element_type3A_171, %get3A_174, %dot_general3A {dimension_numbers = #tpu.dot_dimension_numbers<[1], [0], [0], [1], [0, 0, 1, 1], [], []>, transpose_lhs_hint = false} : vector<2048x512xbf16>, vector<512x128xbf16>, vector<2048x128xf32> -> vector<2048x128xf32>
    %get3A_176 = arith.constant 0 : index
    %get3A_177 = arith.constant 0 : index
    %get3A_178 = vector.load %arg7[%get3A_176, %get3A_177] : memref<8x128xbf16, #tpu.memory_space<vmem>>, vector<8x128xbf16>
    %dot_general3A_179 = arith.constant dense<0.000000e+00> : vector<2048x128xf32>
    %dot_general3A_180 = tpu.matmul %convert_element_type3A_5, %get3A_178, %dot_general3A_179 {dimension_numbers = #tpu.dot_dimension_numbers<[1], [0], [0], [1], [0, 0, 1, 1], [], []>, transpose_lhs_hint = false} : vector<2048x8xbf16>, vector<8x128xbf16>, vector<2048x128xf32> -> vector<2048x128xf32>
    %add3A = arith.addf %dot_general3A_175, %dot_general3A_180 : vector<2048x128xf32>
    %get3A_181 = arith.constant 0 : index
    %get3A_182 = arith.constant 0 : index
    %get3A_183 = vector.load %arg8[%get3A_181, %get3A_182] : memref<8x128xbf16, #tpu.memory_space<vmem>>, vector<8x128xbf16>
    %dot_general3A_184 = arith.constant dense<0.000000e+00> : vector<2048x128xf32>
    %dot_general3A_185 = tpu.matmul %convert_element_type3A_11, %get3A_183, %dot_general3A_184 {dimension_numbers = #tpu.dot_dimension_numbers<[1], [0], [0], [1], [0, 0, 1, 1], [], []>, transpose_lhs_hint = false} : vector<2048x8xbf16>, vector<8x128xbf16>, vector<2048x128xf32> -> vector<2048x128xf32>
    %add3A_186 = arith.addf %add3A, %dot_general3A_185 : vector<2048x128xf32>
    %slice3A_187 = vector.extract_strided_slice %get3A_1 {offsets = [0, 6], sizes = [2048, 3], strides = [1, 1]} : vector<2048x9xf32> to vector<2048x3xf32>
    %convert_element_type3A_188 = arith.truncf %slice3A_187 : vector<2048x3xf32> to vector<2048x3xbf16>
    %get3A_189 = arith.constant 0 : index
    %get3A_190 = arith.constant 0 : index
    %get3A_191 = vector.load %arg9[%get3A_189, %get3A_190] : memref<3x128xbf16, #tpu.memory_space<vmem>>, vector<3x128xbf16>
    %dot_general3A_192 = arith.constant dense<0.000000e+00> : vector<2048x128xf32>
    %dot_general3A_193 = tpu.matmul %convert_element_type3A_188, %get3A_191, %dot_general3A_192 {dimension_numbers = #tpu.dot_dimension_numbers<[1], [0], [0], [1], [0, 0, 1, 1], [], []>, transpose_lhs_hint = false} : vector<2048x3xbf16>, vector<3x128xbf16>, vector<2048x128xf32> -> vector<2048x128xf32>
    %add3A_194 = arith.addf %add3A_186, %dot_general3A_193 : vector<2048x128xf32>
    %get3A_195 = arith.constant 0 : index
    %get3A_196 = arith.constant 0 : index
    %get3A_197 = vector.load %arg10[%get3A_195, %get3A_196] : memref<1x128xf32, #tpu.memory_space<vmem>>, vector<1x128xf32>
    %add3A_198 = vector.broadcast %get3A_197 : vector<1x128xf32> to vector<2048x128xf32>
    %add3A_199 = arith.addf %add3A_194, %add3A_198 : vector<2048x128xf32>
    %max3A = arith.constant 0.000000e+00 : f32
    %max3A_200 = vector.broadcast %max3A : f32 to vector<2048x128xf32>
    %max3A_201 = arith.maximumf %add3A_199, %max3A_200 : vector<2048x128xf32>
    %get3A_202 = arith.constant 0 : index
    %get3A_203 = arith.constant 0 : index
    %get3A_204 = vector.load %arg11[%get3A_202, %get3A_203] : memref<1x128xf32, #tpu.memory_space<vmem>>, vector<1x128xf32>
    %dot_general3A_205 = arith.constant dense<0.000000e+00> : vector<1x2048xf32>
    %dot_general3A_206 = tpu.matmul %get3A_204, %max3A_201, %dot_general3A_205 {dimension_numbers = #tpu.dot_dimension_numbers<[1], [1], [0], [0], [0, 0, 1, 0], [], []>, transpose_lhs_hint = false} : vector<1x128xf32>, vector<2048x128xf32>, vector<1x2048xf32> -> vector<1x2048xf32>
    %get3A_207 = arith.constant 0 : index
    %get3A_208 = arith.constant 0 : index
    %get3A_209 = vector.load %arg12[%get3A_207, %get3A_208] : memref<1x1xf32, #tpu.memory_space<vmem>>, vector<1x1xf32>
    %add3A_210 = vector.broadcast %get3A_209 : vector<1x1xf32> to vector<1x2048xf32>
    %add3A_211 = arith.addf %dot_general3A_206, %add3A_210 : vector<1x2048xf32>
    %swap3A = arith.constant 0 : index
    %swap3A_212 = arith.constant 0 : index
    %swap3A_213 = vector.load %arg13[%swap3A, %swap3A_212] : memref<1x2048xf32, #tpu.memory_space<vmem>>, vector<1x2048xf32>
    tpu.vector_store %arg13[%swap3A, %swap3A_212], %add3A_211 {strides = array<i32>} : memref<1x2048xf32, #tpu.memory_space<vmem>>, vector<1x2048xf32>,
    return
  }
  func.func @transform_0(%arg0: i32) -> (i32, i32) {
    %c0_i32 = arith.constant 0 : i32
    %c0_i32_0 = arith.constant 0 : i32
    return %arg0, %c0_i32 : i32, i32
  }
  func.func @transform_1(%arg0: i32) -> (i32, i32) {
    %c0_i32 = arith.constant 0 : i32
    %c0_i32_0 = arith.constant 0 : i32
    return %arg0, %c0_i32 : i32, i32
  }
  func.func @transform_2(%arg0: i32) -> (i32, i32) {
    %c0_i32 = arith.constant 0 : i32
    %c0_i32_0 = arith.constant 0 : i32
    return %arg0, %c0_i32 : i32, i32
  }
  func.func @transform_3(%arg0: i32) -> (i32, i32) {
    %c0_i32 = arith.constant 0 : i32
    %c0_i32_0 = arith.constant 0 : i32
    return %arg0, %c0_i32 : i32, i32
  }
  func.func @transform_4(%arg0: i32) -> (i32, i32) {
    %c0_i32 = arith.constant 0 : i32
    %c0_i32_0 = arith.constant 0 : i32
    return %arg0, %c0_i32 : i32, i32
  }
  func.func @transform_5(%arg0: i32) -> (i32, i32) {
    %c0_i32 = arith.constant 0 : i32
    %c0_i32_0 = arith.constant 0 : i32
    %c0_i32_1 = arith.constant 0 : i32
    return %c0_i32, %c0_i32_0 : i32, i32
  }
  func.func @transform_6(%arg0: i32) -> (i32, i32) {
    %c0_i32 = arith.constant 0 : i32
    %c0_i32_0 = arith.constant 0 : i32
    %c0_i32_1 = arith.constant 0 : i32
    return %c0_i32, %c0_i32_0 : i32, i32
  }
  func.func @transform_7(%arg0: i32) -> (i32, i32) {
    %c0_i32 = arith.constant 0 : i32
    %c0_i32_0 = arith.constant 0 : i32
    %c0_i32_1 = arith.constant 0 : i32
    return %c0_i32, %c0_i32_0 : i32, i32
  }
  func.func @transform_8(%arg0: i32) -> (i32, i32) {
    %c0_i32 = arith.constant 0 : i32
    %c0_i32_0 = arith.constant 0 : i32
    %c0_i32_1 = arith.constant 0 : i32
    return %c0_i32, %c0_i32_0 : i32, i32
  }
  func.func @transform_9(%arg0: i32) -> (i32, i32) {
    %c0_i32 = arith.constant 0 : i32
    %c0_i32_0 = arith.constant 0 : i32
    %c0_i32_1 = arith.constant 0 : i32
    return %c0_i32, %c0_i32_0 : i32, i32
  }
  func.func @transform_10(%arg0: i32) -> (i32, i32) {
    %c0_i32 = arith.constant 0 : i32
    %c0_i32_0 = arith.constant 0 : i32
    %c0_i32_1 = arith.constant 0 : i32
    return %c0_i32, %c0_i32_0 : i32, i32
  }
  func.func @transform_11(%arg0: i32) -> (i32, i32) {
    %c0_i32 = arith.constant 0 : i32
    %c0_i32_0 = arith.constant 0 : i32
    %c0_i32_1 = arith.constant 0 : i32
    return %c0_i32, %c0_i32_0 : i32, i32
  }
  func.func @transform_12(%arg0: i32) -> (i32, i32) {
    %c0_i32 = arith.constant 0 : i32
    %c0_i32_0 = arith.constant 0 : i32
    return %c0_i32, %arg0 : i32, i32
  }
}

</mosaic_0001>

<sc_bundles>
// kernel: kernel.8.cloned.1.call-start
scs
__scs_entry_jumppad:
0x0: {  	(pc) =	sbr.rel $0x88, $3  }
0x1: {  	(tag) =	ssettag $0x0;
	lr =	simm.s32 $0x1  }
0x2: {  	[smem:$0x3F8E] =	sst lr;
	_ =	strace $0xD0000000  }
0x3: {  	_ = 	snop  }
0x4: {  	_ = 	snop  }
0x5: {  	_ = 	snop  }
0x6: {  	_ = 	snop  }
0x7: {  	_ = 	snop  }
__scs_overlays_trampoline_lowered:
0x8: {  	[smem:$0x3F9D] =	sst s0  }
0x9: {  	[smem:$0x3F9E] =	sst s1  }
0xa: {  	[smem:$0x3F9F] =	sst s2  }
0xb: {  	[smem:$0x3FA0] =	sst s3  }
0xc: {  	[smem:$0x3FA1] =	sst s4  }
0xd: {  	[smem:$0x3FA2] =	sst s5  }
0xe: {  	[smem:$0x3FA3] =	sst s6  }
0xf: {  	[smem:$0x3FA4] =	sst s7  }
0x10: {  	[smem:$0x3FA5] =	sst s8  }
0x11: {  	[smem:$0x3FA6] =	sst s9;
	s0 =	simm.s32 @!p0 $0x0  }
0x12: {  	s1 =	sld [smem:$0x3F8C];
	s0 =	simm.s32 @p0 $0x1  }
0x13: {  	[smem:$0x3FA7] =	sst s0;
	s0 =	simm.s32 @!p1 $0x0  }
0x14: {  	s2 =	sld [smem:$0x3F8B];
	s0 =	simm.s32 @p1 $0x1  }
0x15: {  	[smem:$0x3FA8] =	sst s0;
	s0 =	simm.s32 @!p2 $0x0  }
0x16: {  	s3 =	sld [smem:$0x3FDB];
	s0 =	simm.s32 @p2 $0x1  }
0x17: {  	s4 =	simm.s32 $0x1BF5;
	[smem:$0x3FAA] =	sst s0  }
0x18: {  	s0 =	sld [smem:$0x3F8D];
	_ =	swait.ge [sflag:s4], $0x0  }
0x19: {  	s7 =	sld [smem:$0x3F8E]  }
0x1a: {  	s8 =	sadd.s32 $0xFFFFE003, lr  }
0x1b: {  	s9 =	sadd.s32 $0xFFFFFEF7, lr;
	s5 =	simm.s32 $0xFFFFFFFF;
	p2 =	slt.u32 s8, $0xFFFFF086  }
0x1c: {  	p1 =	slt.u32 s9, $0xF7A;
	s5 =	simm.s32 @!p2 $0x0  }
0x1d: {  	s5 =	simm.s32 @p1 $0x1;
	p0 =	seq.s32 s7, s2  }
0x1e: {  	s7 =	smul.u32 @!p0 $0xF7A, s2;
	p2 =	seq.s32 @!p0 s5, $0x0  }
0x1f: {  	s9 =	smul.u32 $0xF7A, s1;
	s8 =	simm.s32 @!p0 $0x1BF5;
	p2 =	por !p2, p0  }
0x20: {  	[sflag:s8] =	ssyncset.s32 @!p0 $0xFFFFF086;
	s6 =	sadd.s32 @!p0 s3, s7;
	s7 =	simm.s32 @!p0 $0x108  }
0x21: {  	s3 =	sadd.s32 s3, s9;
	s6 =	sadd.s32 @!p0 $0x88, s6;
	s7 =	simm.s32 @p2 $0x1082  }
0x22: {  	[simem:s7], [sflag:s8] =	dma.local @!p0 [hbm:s6], $0xF7A  }
0x23: {  	s9 =	sor.u32 $0xD0000000, s2;
	s6 =	simm.s32 $0x108;
	_ =	swait.ge @!p0 [sflag:s8], $0x0  }
0x24: {  	s3 =	sadd.s32 $0x88, s3;
	s6 =	simm.s32 @!p1 $0x1082;
	[sflag:s4] =	ssyncset.s32 $0xFFFFF086  }
0x25: {  	[simem:s6], [sflag:s4] =	dma.local [hbm:s3], $0xF7A  }
0x26: {  	[smem:$0x3F8E] =	sst s1;
	(tag) =	ssettag s2;
	_ =	strace s9  }
0x27: {  	s1 =	sld [smem:$0x3F9E]  }
0x28: {  	s2 =	sld [smem:$0x3F9F]  }
0x29: {  	s4 =	sld [smem:$0x3FA1]  }
0x2a: {  	p0 =	seq.s32 s5, $0x0;
	s5 =	sld [smem:$0x3FA2]  }
0x2b: {  	s6 =	sld [smem:$0x3FA3]  }
0x2c: {  	s7 =	sld [smem:$0x3FA4]  }
0x2d: {  	s3 =	simm.s32 $0x108;
	s8 =	sld [smem:$0x3FA5]  }
0x2e: {  	s3 =	simm.s32 @!p0 $0x1082;
	s9 =	sld [smem:$0x3FA6]  }
0x2f: {  	lr =	sadd.s32 s0, s3;
	s0 =	sld [smem:$0x3F9D]  }
0x30: {  	s3 =	sld [smem:$0x3FA0]  }
0x31: {  	[smem:$0x3FA9] =	sst s10  }
0x32: {  	s10 =	sld [smem:$0x3FA7];
	_ =	sdelay $0x3  }
0x33: {  	p0 =	seq.s32 s10, $0x1;
	s10 =	sld [smem:$0x3FA9];
	_ =	sdelay $0x3  }
0x34: {  	[smem:$0x3FA9] =	sst s10  }
0x35: {  	s10 =	sld [smem:$0x3FA8];
	_ =	sdelay $0x3  }
0x36: {  	p1 =	seq.s32 s10, $0x1;
	s10 =	sld [smem:$0x3FA9];
	_ =	sdelay $0x3  }
0x37: {  	[smem:$0x3FA9] =	sst s10  }
0x38: {  	s10 =	sld [smem:$0x3FAA]  }
0x39: {  	_ = 	snop;
	(pc) =	sbr.ind lr, $3  }
0x3a: {  	_ = 	snop  }
0x3b: {  	_ = 	snop  }
0x3c: {  	p2 =	seq.s32 s10, $0x1;
	s10 =	sld [smem:$0x3FA9]  }
0x3d: {  	_ =	shalt  }
0x3e: {  	_ =	shalt  }
0x3f: {  	_ =	shalt  }
0x40: {  	_ =	shalt  }
0x41: {  	_ =	shalt  }
0x42: {  	_ =	shalt  }
0x43: {  	_ =	shalt  }
0x44: {  	_ =	shalt  }
0x45: {  	_ =	shalt  }
0x46: {  	_ =	shalt  }
0x47: {  	_ =	shalt  }
0x48: {  	_ =	shalt  }
0x49: {  	_ =	shalt  }
0x4a: {  	_ =	shalt  }
0x4b: {  	_ =	shalt  }
0x4c: {  	_ =	shalt  }
0x4d: {  	_ =	shalt  }
0x4e: {  	_ =	shalt  }
0x4f: {  	_ =	shalt  }
0x50: {  	_ =	shalt  }
0x51: {  	_ =	shalt  }
0x52: {  	_ =	shalt  }
0x53: {  	_ =	shalt  }
0x54: {  	_ =	shalt  }
0x55: {  	_ =	shalt  }
0x56: {  	_ =	shalt  }
0x57: {  	_ =	shalt  }
0x58: {  	_ =	shalt  }
0x59: {  	_ =	shalt  }
0x5a: {  	_ =	shalt  }
0x5b: {  	_ =	shalt  }
0x5c: {  	_ =	shalt  }
0x5d: {  	_ =	shalt  }
0x5e: {  	_ =	shalt  }
0x5f: {  	_ =	shalt  }
0x60: {  	_ =	shalt  }
0x61: {  	_ =	shalt  }
0x62: {  	_ =	shalt  }
0x63: {  	_ =	shalt  }
0x64: {  	_ =	shalt  }
0x65: {  	_ =	shalt  }
0x66: {  	_ =	shalt  }
0x67: {  	_ =	shalt  }
0x68: {  	_ =	shalt  }
0x69: {  	_ =	shalt  }
0x6a: {  	_ =	shalt  }
0x6b: {  	_ =	shalt  }
0x6c: {  	_ =	shalt  }
0x6d: {  	_ =	shalt  }
0x6e: {  	_ =	shalt  }
0x6f: {  	_ =	shalt  }
0x70: {  	_ =	shalt  }
0x71: {  	_ =	shalt  }
0x72: {  	_ =	shalt  }
0x73: {  	_ =	shalt  }
0x74: {  	_ =	shalt  }
0x75: {  	_ =	shalt  }
0x76: {  	_ =	shalt  }
0x77: {  	_ =	shalt  }
0x78: {  	_ =	shalt  }
0x79: {  	_ =	shalt  }
0x7a: {  	_ =	shalt  }
0x7b: {  	_ =	shalt  }
0x7c: {  	_ =	shalt  }
0x7d: {  	_ =	shalt  }
0x7e: {  	_ =	shalt  }
0x7f: {  	_ =	shalt  }
0x80: {  	_ =	shalt  }
0x81: {  	_ =	shalt  }
0x82: {  	_ =	shalt  }
0x83: {  	_ =	shalt  }
0x84: {  	_ =	shalt  }
0x85: {  	_ =	shalt  }
0x86: {  	_ =	shalt  }
0x87: {  	_ =	shalt  }
.Lfunc_end0:
.L_simem_size_0:
called_computation_lowered:
.L_overlay_start_0:
0x88: {  	s2 =	sld [smem:$0x3FD9]  }
0x89: {  	s3 =	sld [smem:$0x3FFE];
	_ =	sdelay $0x1  }
0x8a: {  	s1 =	srdreg.scid  }
0x8b: {  	s0 =	sand.u32 $0x1, s1  }
0x8c: {  	s17 =	sshll.u32 s0, $0xA;
	s2 =	sadd.s32 s3, s2  }
0x8d: {  	s2 =	sadd.s32 s2, s17  }
0x8e: {  	[smem:$0x3FB5] =	sst s2  }
0x8f: {  	_ = 	snop  }
0x90: {  	s2 =	sld [smem:$0x3FD0];
	(tm) =	ssettm $0x1  }
0x91: {  	s18 =	sld [smem:$0x3FFB];
	_ =	sdelay $0x3  }
0x92: {  	_ =	strace s18  }
0x93: {  	s3 =	sld [smem:$0x3FFC];
	_ =	sdelay $0x3  }
0x94: {  	_ =	strace s3  }
0x95: {  	s3 =	sld [smem:$0x3FFD];
	_ =	sdelay $0x3  }
0x96: {  	_ =	strace s3  }
0x97: {  	_ =	strace $0x8FFFFFFF  }
0x98: {  	s19 =	sld [smem:$0x3FDB];
	_ =	sdelay $0x1  }
0x99: {  	s4 =	simm.s32 $_scs_section_size  }
0x9a: {  	s5 =	simm.s32 $_size__tile_overlayer_lowered;
	s6 =	simm.s32 $_tile_overlayer_lowered  }
0x9b: {  	s22 =	simm.s32 $0x1BFF;
	s21 =	sshll.u32 s6, $0x1;
	s3 =	sadd.s32 s4, s19  }
0x9c: {  	s7 =	simm.s32 $0x0;
	s20 =	sshll.u32 s5, $0x1;
	s5 =	sadd.s32 s21, s3  }
0x9d: {  	[timem:s7], [sflag:s22] =	dma.local [hbm:s5], s20  }
0x9e: {  	_ =	swait.ge [sflag:s22], s20  }
0x9f: {  	s4 =	ssub.s32 $0x0, s20;
	[sflag:s22] =	ssyncset.done $0x0  }
0xa0: {  	[sflag:s22] =	ssyncadd.s32 s4;
	_ =	sdelay $0x1  }
0xa1: {  	s23 =	simm.s32 $0x1B8B  }
0xa2: {  	_ =	swait.ge [sflag:s23], $0x1  }
0xa3: {  	[sflag:s23] =	ssyncset.done $0x0  }
0xa4: {  	s25 =	simm.s32 $0x1B8E;
	s24 =	sld [smem:$0x3FFE];
	[sflag:s23] =	ssyncadd.s32 $0xFFFFFFFF  }
0xa5: {  	s26 =	simm.s32 $execute0_lowered;
	[smem:$0x3FD2] =	sst s25  }
0xa6: {  	s5 =	sshll.u32 s26, $0x1;
	_ =	strace $0x80000046;
	[dreg:$0x1] =	wrdreg $0xFFFFFFFF  }
0xa7: {  	s28 =	simm.s32 $_size_execute0_lowered;
	s3 =	sadd.s32 s3, s5;
	[dreg:$0x0] =	wrdreg $0x0  }
0xa8: {  	s5 =	sshll.u32 s28, $0x1;
	[dreg:$0x2] =	wrdreg s3  }
0xa9: {  	[dreg:$0x3] =	wrdreg s5  }
0xaa: {  	[dreg:$0x4] =	wrdreg $0xC0  }
0xab: {  	_ =	task [dreg:s7], $0x5FFFF  }
0xac: {  	[dreg:$0x1] =	wrdreg $0xFFFFFFFF  }
0xad: {  	[dreg:$0x0] =	wrdreg $0x60  }
0xae: {  	[dreg:$0x2] =	wrdreg s24  }
0xaf: {  	[dreg:$0x3] =	wrdreg s2  }
0xb0: {  	[dreg:$0x4] =	wrdreg $0x9  }
0xb1: {  	_ =	task.clear_ibuf [dreg:s7], $0x5FFFF;
	_ =	strace $0x90000046  }
0xb2: {  	s29 =	simm.s32 $0x9;
	_ =	strace $0x80000048  }
0xb3: {  	_ =	swait.ge [sflag:s29], $0x1  }
0xb4: {  	[sflag:s29] =	ssyncadd.s32 $0xFFFFFFFF  }
0xb5: {  	_ =	strace $0x90000048  }
0xb6: {  	_ =	sfence  }
0xb7: {  	s30 =	sld [smem:$0x0];
	_ =	sdelay $0x2  }
0xb8: {  	s31 =	sshll.u32 s1, $0xD;
	s1 =	sshrl.u32 s1, $0x2  }
0xb9: {  	s3 =	sand.u32 $0x4000, s31;
	s1 =	sadd.s32 s1, s30  }
0xba: {  	s0 =	sor.u32 s3, s0;
	s1 =	sshll.u32 s1, $0x11  }
0xbb: {  	s0 =	sor.u32 s1, s0  }
0xbc: {  	s0 =	sadd.s32 $0x8F2B, s0  }
0xbd: {  	[sflag:s0] =	ssyncadd.remote.s32 $0x1  }
0xbe: {  	_ =	sfence.sel $0xFFFF  }
0xbf: {  	[dreg:$0x0] =	wrdreg $0xFFFFFFFF;
	(pc) =	sbr.abs _section_cstart, $3  }
0xc0: {  	[dreg:$0x1] =	wrdreg $0xFFFFFFFF  }
0xc1: {  	_ =	task.clear_ibuf [dreg:s7], $0x2FFFF;
	_ =	strace $0x9FFFFFFF  }
0xc2: {  	(tm) =	ssettm $0x7FFFFFFF  }
0xc3: {  	_ =	shalt  }
tec
execute0_lowered:
.L_overlay_start_1:
0x0: {  	(tag) =	ssettag $0x1  }
0x1: {  	s0 =	srdreg.scid;
	s1 =	rddreg [dreg:$0x0]  }
0x2: {  	s19 =	stileid.u32;
	s3 =	rddreg [dreg:$0x1]  }
0x3: {  	s2 =	simm.s32 $0x0;
	s30 =	simm.s32 $0x200;
	s31 =	simm.s32 $0x9  }
0x4: {  	p0 =	por $0x0, $0x0;
	s29 =	simm.s32 $0x480;
	s0 =	sand.u32 $0x1, s0  }
0x5: {  	s4 =	sshll.u32 s19, $0x7;
	[smem:$0x7FF] =	sst s2;
	s12 =	sadd.s32 $0x385200, s1  }
0x6: {  	s14 =	sshll.u32 s19, $0xE;
	s9 =	sadd.s32 $0x3C5200, s1;
	s5 =	sshll.u32 s0, $0x6  }
0x7: {  	s25 =	sadd.s32 $0x405200, s1;
	s7 =	sshll.u32 s0, $0xD;
	s4 =	sor.u32 s5, s4  }
0x8: {  	s28 =	sadd.s32 $0x303A00, s1;
	s16 =	sor.u32 s7, s14;
	s3 =	sadd.s32 s3, s4  }
0x9: {  	_ =	strace $0x80000047;
	s17 =	sadd.s32 s12, s16;
	[dreg:$0x4] =	wrdreg s3  }
0xa: {  	s5 =	sadd.s32 s4, s1;
	s22 =	sadd.s32 s9, s16;
	[dreg:$0x7] =	wrdreg s17  }
0xb: {  	s0 =	ssub.s32 $0x2, s0;
	s6 =	sadd.s32 $0x384A00, s5;
	[dreg:$0xb] =	wrdreg s22  }
0xc: {  	s7 =	sor.u32 $0x1000, s16;
	s13 =	sadd.s32 $0x384200, s5;
	[dreg:$0x3] =	wrdreg s6  }
0xd: {  	s8 =	sor.u32 $0x1800, s16;
	s15 =	sadd.s32 $0x383A00, s5;
	[dreg:$0x5] =	wrdreg s13  }
0xe: {  	s4 =	simm.s32 $0x5;
	s20 =	sadd.s32 s12, s7;
	[dreg:$0x6] =	wrdreg s15  }
0xf: {  	s21 =	sadd.s32 s12, s8;
	s24 =	sadd.s32 s9, s7;
	[dreg:$0x9] =	wrdreg s20  }
0x10: {  	s26 =	sadd.s32 s9, s8;
	s22 =	sadd.s32 $0x343A00, s1;
	[dreg:$0xa] =	wrdreg s21  }
0x11: {  	s11 =	sadd.s32 s25, s7;
	s17 =	sadd.s32 $0x3A00, s1;
	[dreg:$0xd] =	wrdreg s24  }
0x12: {  	s5 =	simm.s32 $0xC800;
	s3 =	simm.s32 $0x6;
	[dreg:$0xe] =	wrdreg s26  }
0x13: {  	s6 =	sor.u32 $0x800, s16;
	[dreg:$0x11] =	wrdreg s11;
	s13 =	sadd.s32 s25, s8  }
0x14: {  	s21 =	simm.s32 $0x100;
	s11 =	simm.s32 $0x800;
	[dreg:$0x12] =	wrdreg s13  }
0x15: {  	s24 =	simm.s32 $0x180;
	s26 =	simm.s32 $0x300;
	[dreg:$0x17] =	wrdreg s21  }
0x16: {  	s18 =	sadd.s32 s12, s6;
	s23 =	sadd.s32 s9, s6;
	[dreg:$0x18] =	wrdreg s24  }
0x17: {  	s9 =	sadd.s32 s25, s16;
	s10 =	sadd.s32 s25, s6;
	[dreg:$0x1a] =	wrdreg s26  }
0x18: {  	s12 =	sadd.s32 $0x445200, s1;
	s25 =	simm.s32 $0x280;
	[dreg:$0x8] =	wrdreg s18  }
0x19: {  	s13 =	simm.s32 $0x4;
	s26 =	simm.s32 $0x500;
	[dreg:$0xc] =	wrdreg s23  }
0x1a: {  	s24 =	simm.s32 $0x680;
	s21 =	simm.s32 $0x700;
	[dreg:$0xf] =	wrdreg s9  }
0x1b: {  	[dreg:$0x10] =	wrdreg s10;
	s14 =	sadd.s32 s12, s16;
	s15 =	sadd.s32 s12, s6  }
0x1c: {  	s16 =	sshrl.u32 s0, $0x1;
	s18 =	sadd.s32 s12, s7;
	s20 =	sadd.s32 s12, s8  }
0x1d: {  	s9 =	sadd.s32 $0x203A00, s1;
	s23 =	simm.s32 $0x400;
	s0 =	ssub.s32 s0, s16  }
0x1e: {  	s12 =	simm.s32 $0x80;
	[dreg:$0x19] =	wrdreg s25;
	s0 =	smax.u32 s0, $0x1  }
0x1f: {  	s10 =	simm.s32 $0x4800;
	[dreg:$0x13] =	wrdreg s14;
	p1 =	sne.s32 s0, $0x1  }
.Ltmp0:
0x20: {  	s8 =	simm.s32 $0x8800;
	[dreg:$0x14] =	wrdreg s15;
	(pc) =	sbr.rel @!p1 .LBB2_1-.Ltmp0, $4  }
0x21: {  	s6 =	simm.s32 $0x7;
	s7 =	simm.s32 $0x8;
	[dreg:$0x15] =	wrdreg s18  }
0x22: {  	s25 =	simm.s32 $0x580;
	[dreg:$0x16] =	wrdreg s20;
	s18 =	simm.s32 $0x600  }
0x23: {  	s16 =	simm.s32 $0x1;
	s15 =	simm.s32 $0x2;
	s14 =	simm.s32 $0x3  }
0x24: {  	s20 =	simm.s32 $0x780;
	s1 =	sadd.s32 $0xFFFFFFFF, s0;
	s0 =	rddreg [dreg:$0x3]  }
0x25: {  	[tilespmem:s2], [sflag:$0x9] =	stream.linear.gather [hbm4b:s0+s2], $0x200, $0x38;
	[tilespmem:$0x10800] =	vst v63  }
0x26: {  	s19 =	smov.u32 s1;
	s1 =	rddreg [dreg:$0x4]  }
0x27: {  	[tilespmem:s30], [sflag:$0x9] =	stream.linear.gather [hbm4b:s1+s2], $0x200, $0x38;
	[tilespmem:$0x10800] =	vst v63  }
0x28: {  	s0 =	rddreg [dreg:$0x5]  }
0x29: {  	[tilespmem:s23], [sflag:$0x9] =	stream.linear.gather [hbm4b:s0+s2], $0x200, $0x38;
	[tilespmem:$0x10800] =	vst v63  }
0x2a: {  	s1 =	rddreg [dreg:$0x6]  }
0x2b: {  	[tilespmem:s18], [sflag:$0x9] =	stream.linear.gather [hbm4b:s1+s2], $0x200, $0x38;
	[tilespmem:$0x10800] =	vst v63  }
0x2c: {  	_ =	swait.ge [sflag:s31], $0x200  }
0x2d: {  	[sflag:s31] =	ssyncset.done $0x0  }
0x2e: {  	[sflag:s31] =	ssyncadd.s32 $0xFFFFFE00  }
0x2f: {  	_ =	swait.ge [sflag:s31], $0x200  }
0x30: {  	[sflag:s31] =	ssyncset.done $0x0  }
0x31: {  	[sflag:s31] =	ssyncadd.s32 $0xFFFFFE00  }
0x32: {  	_ =	swait.ge [sflag:s31], $0x200  }
0x33: {  	[sflag:s31] =	ssyncset.done $0x0  }
0x34: {  	[sflag:s31] =	ssyncadd.s32 $0xFFFFFE00  }
0x35: {  	_ =	swait.ge [sflag:s31], $0x200  }
0x36: {  	[sflag:s31] =	ssyncset.done $0x0  }
0x37: {  	[sflag:s31] =	ssyncadd.s32 $0xFFFFFE00  }
0x38: {  	[tilespmem:s11], [sflag:$0x1] =	stream.indirect.gather [hbm4b:s28+s12], $0x80, s2, s12, $0xb8;
	[tilespmem:$0x10800] =	vst v63  }
0x39: {  	_ = 	snop  }
0x3a: {  	[tilespmem:s10], [sflag:$0x2] =	stream.indirect.gather [hbm4b:s28+s12], $0x80, s12, s12, $0xb8;
	[tilespmem:$0x10800] =	vst v63  }
0x3b: {  	s0 =	rddreg [dreg:$0x17]  }
0x3c: {  	[tilespmem:s8], [sflag:$0x3] =	stream.indirect.gather [hbm4b:s28+s12], $0x80, s0, s12, $0xb8;
	[tilespmem:$0x10800] =	vst v63  }
0x3d: {  	s1 =	rddreg [dreg:$0x18]  }
0x3e: {  	[tilespmem:s5], [sflag:$0x4] =	stream.indirect.gather [hbm4b:s28+s12], $0x80, s1, s12, $0xb8;
	[tilespmem:$0x10800] =	vst v63  }
0x3f: {  	_ =	swait.ge [sflag:s16], $0x4000  }
0x40: {  	[sflag:s16] =	ssyncset.done $0x0  }
0x41: {  	s1 =	rddreg [dreg:$0x7];
	[sflag:s16] =	ssyncadd.s32 $0xFFFFC000  }
0x42: {  	[hbm4b:s1+s2] =	stream.linear.scatter [tilespmem:s11], [sflag:$0x5], $0x4000, $0x38;
	[tilespmem:$0x10800] =	vst v63  }
0x43: {  	_ =	swait.ge [sflag:s4], $0x4000  }
0x44: {  	[sflag:s4] =	ssyncset.done $0x0  }
0x45: {  	[sflag:s4] =	ssyncadd.s32 $0xFFFFC000  }
0x46: {  	[tilespmem:s11], [sflag:$0x1] =	stream.indirect.gather [hbm4b:s22+s12], $0x80, s30, s12, $0xb8;
	[tilespmem:$0x10800] =	vst v63  }
0x47: {  	_ =	swait.ge [sflag:s15], $0x4000  }
0x48: {  	[sflag:s15] =	ssyncset.done $0x0  }
0x49: {  	s1 =	rddreg [dreg:$0x8];
	[sflag:s15] =	ssyncadd.s32 $0xFFFFC000  }
0x4a: {  	[hbm4b:s1+s2] =	stream.linear.scatter [tilespmem:s10], [sflag:$0x6], $0x4000, $0x38;
	[tilespmem:$0x10800] =	vst v63  }
0x4b: {  	_ =	swait.ge [sflag:s3], $0x4000  }
0x4c: {  	[sflag:s3] =	ssyncset.done $0x0  }
0x4d: {  	s1 =	rddreg [dreg:$0x19];
	[sflag:s3] =	ssyncadd.s32 $0xFFFFC000  }
0x4e: {  	[tilespmem:s10], [sflag:$0x2] =	stream.indirect.gather [hbm4b:s22+s12], $0x80, s1, s12, $0xb8;
	[tilespmem:$0x10800] =	vst v63  }
0x4f: {  	_ =	swait.ge [sflag:s14], $0x4000  }
0x50: {  	[sflag:s14] =	ssyncset.done $0x0  }
0x51: {  	s1 =	rddreg [dreg:$0x9];
	[sflag:s14] =	ssyncadd.s32 $0xFFFFC000  }
0x52: {  	[hbm4b:s1+s2] =	stream.linear.scatter [tilespmem:s8], [sflag:$0x7], $0x4000, $0x38;
	[tilespmem:$0x10800] =	vst v63  }
0x53: {  	_ =	swait.ge [sflag:s6], $0x4000  }
0x54: {  	[sflag:s6] =	ssyncset.done $0x0  }
0x55: {  	s1 =	rddreg [dreg:$0x1a];
	[sflag:s6] =	ssyncadd.s32 $0xFFFFC000  }
0x56: {  	[tilespmem:s8], [sflag:$0x3] =	stream.indirect.gather [hbm4b:s22+s12], $0x80, s1, s12, $0xb8;
	[tilespmem:$0x10800] =	vst v63  }
0x57: {  	_ =	swait.ge [sflag:s13], $0x4000  }
0x58: {  	[sflag:s13] =	ssyncset.done $0x0  }
0x59: {  	s1 =	rddreg [dreg:$0xa];
	[sflag:s13] =	ssyncadd.s32 $0xFFFFC000  }
0x5a: {  	[hbm4b:s1+s2] =	stream.linear.scatter [tilespmem:s5], [sflag:$0x8], $0x4000, $0x38;
	[tilespmem:$0x10800] =	vst v63  }
0x5b: {  	_ =	swait.ge [sflag:s7], $0x4000  }
0x5c: {  	[sflag:s7] =	ssyncset.done $0x0  }
0x5d: {  	s1 =	simm.s32 $0x380;
	[sflag:s7] =	ssyncadd.s32 $0xFFFFC000  }
0x5e: {  	[tilespmem:s5], [sflag:$0x4] =	stream.indirect.gather [hbm4b:s22+s12], $0x80, s1, s12, $0xb8;
	[tilespmem:$0x10800] =	vst v63  }
0x5f: {  	_ =	swait.ge [sflag:s16], $0x4000  }
0x60: {  	[sflag:s16] =	ssyncset.done $0x0  }
0x61: {  	s1 =	rddreg [dreg:$0xb];
	[sflag:s16] =	ssyncadd.s32 $0xFFFFC000  }
0x62: {  	[hbm4b:s1+s2] =	stream.linear.scatter [tilespmem:s11], [sflag:$0x5], $0x4000, $0x38;
	[tilespmem:$0x10800] =	vst v63  }
0x63: {  	_ =	swait.ge [sflag:s4], $0x4000  }
0x64: {  	[sflag:s4] =	ssyncset.done $0x0  }
0x65: {  	[sflag:s4] =	ssyncadd.s32 $0xFFFFC000  }
0x66: {  	[tilespmem:s11], [sflag:$0x1] =	stream.indirect.gather [hbm4b:s17+s12], $0x80, s23, s12, $0xb8;
	[tilespmem:$0x10800] =	vst v63  }
0x67: {  	_ =	swait.ge [sflag:s15], $0x4000  }
0x68: {  	[sflag:s15] =	ssyncset.done $0x0  }
0x69: {  	s1 =	rddreg [dreg:$0xc];
	[sflag:s15] =	ssyncadd.s32 $0xFFFFC000  }
0x6a: {  	[hbm4b:s1+s2] =	stream.linear.scatter [tilespmem:s10], [sflag:$0x6], $0x4000, $0x38;
	[tilespmem:$0x10800] =	vst v63  }
0x6b: {  	_ =	swait.ge [sflag:s3], $0x4000  }
0x6c: {  	[sflag:s3] =	ssyncset.done $0x0  }
0x6d: {  	[sflag:s3] =	ssyncadd.s32 $0xFFFFC000  }
0x6e: {  	[tilespmem:s10], [sflag:$0x2] =	stream.indirect.gather [hbm4b:s17+s12], $0x80, s29, s12, $0xb8;
	[tilespmem:$0x10800] =	vst v63  }
0x6f: {  	_ =	swait.ge [sflag:s14], $0x4000  }
0x70: {  	[sflag:s14] =	ssyncset.done $0x0  }
0x71: {  	s1 =	rddreg [dreg:$0xd];
	[sflag:s14] =	ssyncadd.s32 $0xFFFFC000  }
0x72: {  	[hbm4b:s1+s2] =	stream.linear.scatter [tilespmem:s8], [sflag:$0x7], $0x4000, $0x38;
	[tilespmem:$0x10800] =	vst v63  }
0x73: {  	_ =	swait.ge [sflag:s6], $0x4000  }
0x74: {  	[sflag:s6] =	ssyncset.done $0x0  }
0x75: {  	[sflag:s6] =	ssyncadd.s32 $0xFFFFC000  }
0x76: {  	[tilespmem:s8], [sflag:$0x3] =	stream.indirect.gather [hbm4b:s17+s12], $0x80, s26, s12, $0xb8;
	[tilespmem:$0x10800] =	vst v63  }
0x77: {  	_ =	swait.ge [sflag:s13], $0x4000  }
0x78: {  	[sflag:s13] =	ssyncset.done $0x0  }
0x79: {  	s1 =	rddreg [dreg:$0xe];
	[sflag:s13] =	ssyncadd.s32 $0xFFFFC000  }
0x7a: {  	[hbm4b:s1+s2] =	stream.linear.scatter [tilespmem:s5], [sflag:$0x8], $0x4000, $0x38;
	[tilespmem:$0x10800] =	vst v63  }
0x7b: {  	_ =	swait.ge [sflag:s7], $0x4000  }
0x7c: {  	[sflag:s7] =	ssyncset.done $0x0  }
0x7d: {  	[sflag:s7] =	ssyncadd.s32 $0xFFFFC000  }
0x7e: {  	[tilespmem:s5], [sflag:$0x4] =	stream.indirect.gather [hbm4b:s17+s12], $0x80, s25, s12, $0xb8;
	[tilespmem:$0x10800] =	vst v63  }
0x7f: {  	_ =	swait.ge [sflag:s16], $0x4000  }
0x80: {  	[sflag:s16] =	ssyncset.done $0x0  }
0x81: {  	s1 =	rddreg [dreg:$0xf];
	[sflag:s16] =	ssyncadd.s32 $0xFFFFC000  }
0x82: {  	[hbm4b:s1+s2] =	stream.linear.scatter [tilespmem:s11], [sflag:$0x5], $0x4000, $0x38;
	[tilespmem:$0x10800] =	vst v63  }
0x83: {  	_ =	swait.ge [sflag:s4], $0x4000  }
0x84: {  	[sflag:s4] =	ssyncset.done $0x0  }
0x85: {  	[sflag:s4] =	ssyncadd.s32 $0xFFFFC000  }
0x86: {  	[tilespmem:s11], [sflag:$0x1] =	stream.indirect.gather [hbm4b:s9+s12], $0x80, s18, s12, $0xb8;
	[tilespmem:$0x10800] =	vst v63  }
0x87: {  	_ =	swait.ge [sflag:s15], $0x4000  }
0x88: {  	[sflag:s15] =	ssyncset.done $0x0  }
0x89: {  	s1 =	rddreg [dreg:$0x10];
	[sflag:s15] =	ssyncadd.s32 $0xFFFFC000  }
0x8a: {  	[hbm4b:s1+s2] =	stream.linear.scatter [tilespmem:s10], [sflag:$0x6], $0x4000, $0x38;
	[tilespmem:$0x10800] =	vst v63  }
0x8b: {  	_ =	swait.ge [sflag:s3], $0x4000  }
0x8c: {  	[sflag:s3] =	ssyncset.done $0x0  }
0x8d: {  	[sflag:s3] =	ssyncadd.s32 $0xFFFFC000  }
0x8e: {  	[tilespmem:s10], [sflag:$0x2] =	stream.indirect.gather [hbm4b:s9+s12], $0x80, s24, s12, $0xb8;
	[tilespmem:$0x10800] =	vst v63  }
0x8f: {  	_ =	swait.ge [sflag:s14], $0x4000  }
0x90: {  	[sflag:s14] =	ssyncset.done $0x0  }
0x91: {  	s1 =	rddreg [dreg:$0x11];
	[sflag:s14] =	ssyncadd.s32 $0xFFFFC000  }
0x92: {  	[hbm4b:s1+s2] =	stream.linear.scatter [tilespmem:s8], [sflag:$0x7], $0x4000, $0x38;
	[tilespmem:$0x10800] =	vst v63  }
0x93: {  	_ =	swait.ge [sflag:s6], $0x4000  }
0x94: {  	[sflag:s6] =	ssyncset.done $0x0  }
0x95: {  	[sflag:s6] =	ssyncadd.s32 $0xFFFFC000  }
0x96: {  	[tilespmem:s8], [sflag:$0x3] =	stream.indirect.gather [hbm4b:s9+s12], $0x80, s21, s12, $0xb8;
	[tilespmem:$0x10800] =	vst v63  }
0x97: {  	_ =	swait.ge [sflag:s13], $0x4000  }
0x98: {  	[sflag:s13] =	ssyncset.done $0x0  }
0x99: {  	s1 =	rddreg [dreg:$0x12];
	[sflag:s13] =	ssyncadd.s32 $0xFFFFC000  }
0x9a: {  	[hbm4b:s1+s2] =	stream.linear.scatter [tilespmem:s5], [sflag:$0x8], $0x4000, $0x38;
	[tilespmem:$0x10800] =	vst v63  }
0x9b: {  	_ =	swait.ge [sflag:s7], $0x4000  }
0x9c: {  	[sflag:s7] =	ssyncset.done $0x0  }
0x9d: {  	[sflag:s7] =	ssyncadd.s32 $0xFFFFC000  }
0x9e: {  	[tilespmem:s5], [sflag:$0x4] =	stream.indirect.gather [hbm4b:s9+s12], $0x80, s20, s12, $0xb8;
	[tilespmem:$0x10800] =	vst v63  }
0x9f: {  	_ =	swait.ge [sflag:s16], $0x4000  }
0xa0: {  	[sflag:s16] =	ssyncset.done $0x0  }
0xa1: {  	s1 =	rddreg [dreg:$0x13];
	[sflag:s16] =	ssyncadd.s32 $0xFFFFC000  }
0xa2: {  	[hbm4b:s1+s2] =	stream.linear.scatter [tilespmem:s11], [sflag:$0x5], $0x4000, $0x38;
	[tilespmem:$0x10800] =	vst v63  }
0xa3: {  	_ =	swait.ge [sflag:s15], $0x4000  }
0xa4: {  	[sflag:s15] =	ssyncset.done $0x0  }
0xa5: {  	s1 =	rddreg [dreg:$0x14];
	[sflag:s15] =	ssyncadd.s32 $0xFFFFC000  }
0xa6: {  	[hbm4b:s1+s2] =	stream.linear.scatter [tilespmem:s10], [sflag:$0x6], $0x4000, $0x38;
	[tilespmem:$0x10800] =	vst v63  }
0xa7: {  	_ =	swait.ge [sflag:s14], $0x4000  }
0xa8: {  	[sflag:s14] =	ssyncset.done $0x0  }
0xa9: {  	s1 =	rddreg [dreg:$0x15];
	[sflag:s14] =	ssyncadd.s32 $0xFFFFC000  }
0xaa: {  	[hbm4b:s1+s2] =	stream.linear.scatter [tilespmem:s8], [sflag:$0x7], $0x4000, $0x38;
	[tilespmem:$0x10800] =	vst v63  }
0xab: {  	_ =	swait.ge [sflag:s13], $0x4000  }
0xac: {  	[sflag:s13] =	ssyncset.done $0x0  }
0xad: {  	s1 =	rddreg [dreg:$0x16];
	[sflag:s13] =	ssyncadd.s32 $0xFFFFC000  }
0xae: {  	[hbm4b:s1+s2] =	stream.linear.scatter [tilespmem:s5], [sflag:$0x8], $0x4000, $0x38;
	[tilespmem:$0x10800] =	vst v63  }
0xaf: {  	_ =	swait.ge [sflag:s4], $0x4000  }
0xb0: {  	[sflag:s4] =	ssyncset.done $0x0  }
0xb1: {  	[sflag:s4] =	ssyncadd.s32 $0xFFFFC000  }
0xb2: {  	_ =	swait.ge [sflag:s3], $0x4000  }
0xb3: {  	[sflag:s3] =	ssyncset.done $0x0  }
0xb4: {  	p1 =	sne.s32 s19, $0x1;
	[sflag:s3] =	ssyncadd.s32 $0xFFFFC000  }
.Ltmp1:
0xb5: {  	_ =	swait.ge [sflag:s6], $0x4000;
	(pc) =	sbr.rel @!p1 .LBB2_3-.Ltmp1, $4  }
0xb6: {  	[sflag:s6] =	ssyncset.done $0x0  }
0xb7: {  	[sflag:s6] =	ssyncadd.s32 $0xFFFFC000  }
0xb8: {  	p0 =	por $0x1, $0x1;
	_ =	swait.ge [sflag:s7], $0x4000  }
0xb9: {  	s1 =	sadd.s32 $0xFFFFFFFF, s19;
	s0 =	rddreg [dreg:$0x3];
	[sflag:s7] =	ssyncset.done $0x0  }
.LBB2_4:
0xba: {  	[sflag:s7] =	ssyncadd.s32 $0xFFFFC000  }
0xbb: {  	[tilespmem:s2], [sflag:$0x9] =	stream.linear.gather [hbm4b:s0+s2], $0x200, $0x38;
	[tilespmem:$0x10800] =	vst v63  }
0xbc: {  	s19 =	rddreg [dreg:$0x4]  }
0xbd: {  	[tilespmem:s30], [sflag:$0x9] =	stream.linear.gather [hbm4b:s19+s2], $0x200, $0x38;
	[tilespmem:$0x10800] =	vst v63  }
0xbe: {  	s0 =	rddreg [dreg:$0x5]  }
0xbf: {  	[tilespmem:s23], [sflag:$0x9] =	stream.linear.gather [hbm4b:s0+s2], $0x200, $0x38;
	[tilespmem:$0x10800] =	vst v63  }
0xc0: {  	s19 =	rddreg [dreg:$0x6]  }
0xc1: {  	[tilespmem:s18], [sflag:$0x9] =	stream.linear.gather [hbm4b:s19+s2], $0x200, $0x38;
	[tilespmem:$0x10800] =	vst v63  }
0xc2: {  	_ =	swait.ge [sflag:s31], $0x200  }
0xc3: {  	[sflag:s31] =	ssyncset.done $0x0  }
0xc4: {  	[sflag:s31] =	ssyncadd.s32 $0xFFFFFE00  }
0xc5: {  	_ =	swait.ge [sflag:s31], $0x200  }
0xc6: {  	[sflag:s31] =	ssyncset.done $0x0  }
0xc7: {  	[sflag:s31] =	ssyncadd.s32 $0xFFFFFE00  }
0xc8: {  	_ =	swait.ge [sflag:s31], $0x200  }
0xc9: {  	[sflag:s31] =	ssyncset.done $0x0  }
0xca: {  	[sflag:s31] =	ssyncadd.s32 $0xFFFFFE00  }
0xcb: {  	_ =	swait.ge [sflag:s31], $0x200  }
0xcc: {  	[sflag:s31] =	ssyncset.done $0x0  }
0xcd: {  	[sflag:s31] =	ssyncadd.s32 $0xFFFFFE00  }
0xce: {  	[tilespmem:s11], [sflag:$0x1] =	stream.indirect.gather [hbm4b:s28+s12], $0x80, s2, s12, $0xb8;
	[tilespmem:$0x10800] =	vst v63  }
0xcf: {  	_ = 	snop  }
0xd0: {  	[tilespmem:s10], [sflag:$0x2] =	stream.indirect.gather [hbm4b:s28+s12], $0x80, s12, s12, $0xb8;
	[tilespmem:$0x10800] =	vst v63  }
0xd1: {  	s0 =	rddreg [dreg:$0x17]  }
0xd2: {  	[tilespmem:s8], [sflag:$0x3] =	stream.indirect.gather [hbm4b:s28+s12], $0x80, s0, s12, $0xb8;
	[tilespmem:$0x10800] =	vst v63  }
0xd3: {  	s19 =	rddreg [dreg:$0x18]  }
0xd4: {  	[tilespmem:s5], [sflag:$0x4] =	stream.indirect.gather [hbm4b:s28+s12], $0x80, s19, s12, $0xb8;
	[tilespmem:$0x10800] =	vst v63  }
0xd5: {  	_ =	swait.ge [sflag:s16], $0x4000  }
0xd6: {  	[sflag:s16] =	ssyncset.done $0x0  }
0xd7: {  	s19 =	rddreg [dreg:$0x7];
	[sflag:s16] =	ssyncadd.s32 $0xFFFFC000  }
0xd8: {  	[hbm4b:s19+s2] =	stream.linear.scatter [tilespmem:s11], [sflag:$0x5], $0x4000, $0x38;
	[tilespmem:$0x10800] =	vst v63  }
0xd9: {  	_ =	swait.ge [sflag:s4], $0x4000  }
0xda: {  	[sflag:s4] =	ssyncset.done $0x0  }
0xdb: {  	[sflag:s4] =	ssyncadd.s32 $0xFFFFC000  }
0xdc: {  	[tilespmem:s11], [sflag:$0x1] =	stream.indirect.gather [hbm4b:s22+s12], $0x80, s30, s12, $0xb8;
	[tilespmem:$0x10800] =	vst v63  }
0xdd: {  	_ =	swait.ge [sflag:s15], $0x4000  }
0xde: {  	[sflag:s15] =	ssyncset.done $0x0  }
0xdf: {  	s19 =	rddreg [dreg:$0x8];
	[sflag:s15] =	ssyncadd.s32 $0xFFFFC000  }
0xe0: {  	[hbm4b:s19+s2] =	stream.linear.scatter [tilespmem:s10], [sflag:$0x6], $0x4000, $0x38;
	[tilespmem:$0x10800] =	vst v63  }
0xe1: {  	_ =	swait.ge [sflag:s3], $0x4000  }
0xe2: {  	[sflag:s3] =	ssyncset.done $0x0  }
0xe3: {  	s19 =	rddreg [dreg:$0x19];
	[sflag:s3] =	ssyncadd.s32 $0xFFFFC000  }
0xe4: {  	[tilespmem:s10], [sflag:$0x2] =	stream.indirect.gather [hbm4b:s22+s12], $0x80, s19, s12, $0xb8;
	[tilespmem:$0x10800] =	vst v63  }
0xe5: {  	_ =	swait.ge [sflag:s14], $0x4000  }
0xe6: {  	[sflag:s14] =	ssyncset.done $0x0  }
0xe7: {  	s19 =	rddreg [dreg:$0x9];
	[sflag:s14] =	ssyncadd.s32 $0xFFFFC000  }
0xe8: {  	[hbm4b:s19+s2] =	stream.linear.scatter [tilespmem:s8], [sflag:$0x7], $0x4000, $0x38;
	[tilespmem:$0x10800] =	vst v63  }
0xe9: {  	_ =	swait.ge [sflag:s6], $0x4000  }
0xea: {  	[sflag:s6] =	ssyncset.done $0x0  }
0xeb: {  	s19 =	rddreg [dreg:$0x1a];
	[sflag:s6] =	ssyncadd.s32 $0xFFFFC000  }
0xec: {  	[tilespmem:s8], [sflag:$0x3] =	stream.indirect.gather [hbm4b:s22+s12], $0x80, s19, s12, $0xb8;
	[tilespmem:$0x10800] =	vst v63  }
0xed: {  	_ =	swait.ge [sflag:s13], $0x4000  }
0xee: {  	[sflag:s13] =	ssyncset.done $0x0  }
0xef: {  	s19 =	rddreg [dreg:$0xa];
	[sflag:s13] =	ssyncadd.s32 $0xFFFFC000  }
0xf0: {  	[hbm4b:s19+s2] =	stream.linear.scatter [tilespmem:s5], [sflag:$0x8], $0x4000, $0x38;
	[tilespmem:$0x10800] =	vst v63  }
0xf1: {  	_ =	swait.ge [sflag:s7], $0x4000  }
0xf2: {  	[sflag:s7] =	ssyncset.done $0x0  }
0xf3: {  	s19 =	simm.s32 $0x380;
	[sflag:s7] =	ssyncadd.s32 $0xFFFFC000  }
0xf4: {  	[tilespmem:s5], [sflag:$0x4] =	stream.indirect.gather [hbm4b:s22+s12], $0x80, s19, s12, $0xb8;
	[tilespmem:$0x10800] =	vst v63  }
0xf5: {  	_ =	swait.ge [sflag:s16], $0x4000  }
0xf6: {  	[sflag:s16] =	ssyncset.done $0x0  }
0xf7: {  	s19 =	rddreg [dreg:$0xb];
	[sflag:s16] =	ssyncadd.s32 $0xFFFFC000  }
0xf8: {  	[hbm4b:s19+s2] =	stream.linear.scatter [tilespmem:s11], [sflag:$0x5], $0x4000, $0x38;
	[tilespmem:$0x10800] =	vst v63  }
0xf9: {  	_ =	swait.ge [sflag:s4], $0x4000  }
0xfa: {  	[sflag:s4] =	ssyncset.done $0x0  }
0xfb: {  	[sflag:s4] =	ssyncadd.s32 $0xFFFFC000  }
0xfc: {  	[tilespmem:s11], [sflag:$0x1] =	stream.indirect.gather [hbm4b:s17+s12], $0x80, s23, s12, $0xb8;
	[tilespmem:$0x10800] =	vst v63  }
0xfd: {  	_ =	swait.ge [sflag:s15], $0x4000  }
0xfe: {  	[sflag:s15] =	ssyncset.done $0x0  }
0xff: {  	s19 =	rddreg [dreg:$0xc];
	[sflag:s15] =	ssyncadd.s32 $0xFFFFC000  }
0x100: {  	[hbm4b:s19+s2] =	stream.linear.scatter [tilespmem:s10], [sflag:$0x6], $0x4000, $0x38;
	[tilespmem:$0x10800] =	vst v63  }
0x101: {  	_ =	swait.ge [sflag:s3], $0x4000  }
0x102: {  	[sflag:s3] =	ssyncset.done $0x0  }
0x103: {  	[sflag:s3] =	ssyncadd.s32 $0xFFFFC000  }
0x104: {  	[tilespmem:s10], [sflag:$0x2] =	stream.indirect.gather [hbm4b:s17+s12], $0x80, s29, s12, $0xb8;
	[tilespmem:$0x10800] =	vst v63  }
0x105: {  	_ =	swait.ge [sflag:s14], $0x4000  }
0x106: {  	[sflag:s14] =	ssyncset.done $0x0  }
0x107: {  	s19 =	rddreg [dreg:$0xd];
	[sflag:s14] =	ssyncadd.s32 $0xFFFFC000  }
0x108: {  	[hbm4b:s19+s2] =	stream.linear.scatter [tilespmem:s8], [sflag:$0x7], $0x4000, $0x38;
	[tilespmem:$0x10800] =	vst v63  }
0x109: {  	_ =	swait.ge [sflag:s6], $0x4000  }
0x10a: {  	[sflag:s6] =	ssyncset.done $0x0  }
0x10b: {  	[sflag:s6] =	ssyncadd.s32 $0xFFFFC000  }
0x10c: {  	[tilespmem:s8], [sflag:$0x3] =	stream.indirect.gather [hbm4b:s17+s12], $0x80, s26, s12, $0xb8;
	[tilespmem:$0x10800] =	vst v63  }
0x10d: {  	_ =	swait.ge [sflag:s13], $0x4000  }
0x10e: {  	[sflag:s13] =	ssyncset.done $0x0  }
0x10f: {  	s19 =	rddreg [dreg:$0xe];
	[sflag:s13] =	ssyncadd.s32 $0xFFFFC000  }
0x110: {  	[hbm4b:s19+s2] =	stream.linear.scatter [tilespmem:s5], [sflag:$0x8], $0x4000, $0x38;
	[tilespmem:$0x10800] =	vst v63  }
0x111: {  	_ =	swait.ge [sflag:s7], $0x4000  }
0x112: {  	[sflag:s7] =	ssyncset.done $0x0  }
0x113: {  	[sflag:s7] =	ssyncadd.s32 $0xFFFFC000  }
0x114: {  	[tilespmem:s5], [sflag:$0x4] =	stream.indirect.gather [hbm4b:s17+s12], $0x80, s25, s12, $0xb8;
	[tilespmem:$0x10800] =	vst v63  }
0x115: {  	_ =	swait.ge [sflag:s16], $0x4000  }
0x116: {  	[sflag:s16] =	ssyncset.done $0x0  }
0x117: {  	s19 =	rddreg [dreg:$0xf];
	[sflag:s16] =	ssyncadd.s32 $0xFFFFC000  }
0x118: {  	[hbm4b:s19+s2] =	stream.linear.scatter [tilespmem:s11], [sflag:$0x5], $0x4000, $0x38;
	[tilespmem:$0x10800] =	vst v63  }
0x119: {  	_ =	swait.ge [sflag:s4], $0x4000  }
0x11a: {  	[sflag:s4] =	ssyncset.done $0x0  }
0x11b: {  	[sflag:s4] =	ssyncadd.s32 $0xFFFFC000  }
0x11c: {  	[tilespmem:s11], [sflag:$0x1] =	stream.indirect.gather [hbm4b:s9+s12], $0x80, s18, s12, $0xb8;
	[tilespmem:$0x10800] =	vst v63  }
0x11d: {  	_ =	swait.ge [sflag:s15], $0x4000  }
0x11e: {  	[sflag:s15] =	ssyncset.done $0x0  }
0x11f: {  	s19 =	rddreg [dreg:$0x10];
	[sflag:s15] =	ssyncadd.s32 $0xFFFFC000  }
0x120: {  	[hbm4b:s19+s2] =	stream.linear.scatter [tilespmem:s10], [sflag:$0x6], $0x4000, $0x38;
	[tilespmem:$0x10800] =	vst v63  }
0x121: {  	_ =	swait.ge [sflag:s3], $0x4000  }
0x122: {  	[sflag:s3] =	ssyncset.done $0x0  }
0x123: {  	[sflag:s3] =	ssyncadd.s32 $0xFFFFC000  }
0x124: {  	[tilespmem:s10], [sflag:$0x2] =	stream.indirect.gather [hbm4b:s9+s12], $0x80, s24, s12, $0xb8;
	[tilespmem:$0x10800] =	vst v63  }
0x125: {  	_ =	swait.ge [sflag:s14], $0x4000  }
0x126: {  	[sflag:s14] =	ssyncset.done $0x0  }
0x127: {  	s19 =	rddreg [dreg:$0x11];
	[sflag:s14] =	ssyncadd.s32 $0xFFFFC000  }
0x128: {  	[hbm4b:s19+s2] =	stream.linear.scatter [tilespmem:s8], [sflag:$0x7], $0x4000, $0x38;
	[tilespmem:$0x10800] =	vst v63  }
0x129: {  	_ =	swait.ge [sflag:s6], $0x4000  }
0x12a: {  	[sflag:s6] =	ssyncset.done $0x0  }
0x12b: {  	[sflag:s6] =	ssyncadd.s32 $0xFFFFC000  }
0x12c: {  	[tilespmem:s8], [sflag:$0x3] =	stream.indirect.gather [hbm4b:s9+s12], $0x80, s21, s12, $0xb8;
	[tilespmem:$0x10800] =	vst v63  }
0x12d: {  	_ =	swait.ge [sflag:s13], $0x4000  }
0x12e: {  	[sflag:s13] =	ssyncset.done $0x0  }
0x12f: {  	s19 =	rddreg [dreg:$0x12];
	[sflag:s13] =	ssyncadd.s32 $0xFFFFC000  }
0x130: {  	[hbm4b:s19+s2] =	stream.linear.scatter [tilespmem:s5], [sflag:$0x8], $0x4000, $0x38;
	[tilespmem:$0x10800] =	vst v63  }
0x131: {  	_ =	swait.ge [sflag:s7], $0x4000  }
0x132: {  	[sflag:s7] =	ssyncset.done $0x0  }
0x133: {  	[sflag:s7] =	ssyncadd.s32 $0xFFFFC000  }
0x134: {  	[tilespmem:s5], [sflag:$0x4] =	stream.indirect.gather [hbm4b:s9+s12], $0x80, s20, s12, $0xb8;
	[tilespmem:$0x10800] =	vst v63  }
0x135: {  	_ =	swait.ge [sflag:s16], $0x4000  }
0x136: {  	[sflag:s16] =	ssyncset.done $0x0  }
0x137: {  	s19 =	rddreg [dreg:$0x13];
	[sflag:s16] =	ssyncadd.s32 $0xFFFFC000  }
0x138: {  	[hbm4b:s19+s2] =	stream.linear.scatter [tilespmem:s11], [sflag:$0x5], $0x4000, $0x38;
	[tilespmem:$0x10800] =	vst v63  }
0x139: {  	_ =	swait.ge [sflag:s15], $0x4000  }
0x13a: {  	[sflag:s15] =	ssyncset.done $0x0  }
0x13b: {  	s19 =	rddreg [dreg:$0x14];
	[sflag:s15] =	ssyncadd.s32 $0xFFFFC000  }
0x13c: {  	[hbm4b:s19+s2] =	stream.linear.scatter [tilespmem:s10], [sflag:$0x6], $0x4000, $0x38;
	[tilespmem:$0x10800] =	vst v63  }
0x13d: {  	_ =	swait.ge [sflag:s14], $0x4000  }
0x13e: {  	[sflag:s14] =	ssyncset.done $0x0  }
0x13f: {  	s19 =	rddreg [dreg:$0x15];
	[sflag:s14] =	ssyncadd.s32 $0xFFFFC000  }
0x140: {  	[hbm4b:s19+s2] =	stream.linear.scatter [tilespmem:s8], [sflag:$0x7], $0x4000, $0x38;
	[tilespmem:$0x10800] =	vst v63  }
0x141: {  	_ =	swait.ge [sflag:s13], $0x4000  }
0x142: {  	[sflag:s13] =	ssyncset.done $0x0  }
0x143: {  	s19 =	rddreg [dreg:$0x16];
	[sflag:s13] =	ssyncadd.s32 $0xFFFFC000  }
0x144: {  	[hbm4b:s19+s2] =	stream.linear.scatter [tilespmem:s5], [sflag:$0x8], $0x4000, $0x38;
	[tilespmem:$0x10800] =	vst v63  }
0x145: {  	_ =	swait.ge [sflag:s4], $0x4000  }
0x146: {  	[sflag:s4] =	ssyncset.done $0x0  }
0x147: {  	[sflag:s4] =	ssyncadd.s32 $0xFFFFC000  }
0x148: {  	_ =	swait.ge [sflag:s3], $0x4000  }
0x149: {  	[sflag:s3] =	ssyncset.done $0x0  }
0x14a: {  	p1 =	sne.s32 s1, $0x1;
	[sflag:s3] =	ssyncadd.s32 $0xFFFFC000  }
.Ltmp2:
0x14b: {  	_ =	swait.ge [sflag:s6], $0x4000;
	(pc) =	sbr.rel @p1 .LBB2_4-.Ltmp2, $4  }
0x14c: {  	[sflag:s6] =	ssyncset.done $0x0  }
0x14d: {  	[sflag:s6] =	ssyncadd.s32 $0xFFFFC000  }
0x14e: {  	_ =	swait.ge [sflag:s7], $0x4000  }
0x14f: {  	s1 =	sadd.s32 $0xFFFFFFFF, s1;
	s0 =	rddreg [dreg:$0x3];
	[sflag:s7] =	ssyncset.done $0x0  }
0x150: {  	s20 =	simm.s32 $0x380  }
0x151: {  	s29 =	simm.s32 $0x480;
	s26 =	simm.s32 $0x500;
	s25 =	simm.s32 $0x580  }
0x152: {  	s24 =	simm.s32 $0x680;
	s21 =	simm.s32 $0x700;
	s19 =	stileid.u32  }
.LBB2_6:
0x153: {  	[sflag:s7] =	ssyncadd.s32 @p0 $0xFFFFC000  }
0x154: {  	[tilespmem:s2], [sflag:$0x9] =	stream.linear.gather [hbm4b:s0+s2], $0x200, $0x38;
	[tilespmem:$0x10800] =	vst v63  }
0x155: {  	s1 =	rddreg [dreg:$0x4]  }
0x156: {  	[tilespmem:s30], [sflag:$0x9] =	stream.linear.gather [hbm4b:s1+s2], $0x200, $0x38;
	[tilespmem:$0x10800] =	vst v63  }
0x157: {  	s0 =	rddreg [dreg:$0x5]  }
0x158: {  	[tilespmem:s23], [sflag:$0x9] =	stream.linear.gather [hbm4b:s0+s2], $0x200, $0x38;
	[tilespmem:$0x10800] =	vst v63  }
0x159: {  	s1 =	rddreg [dreg:$0x6]  }
0x15a: {  	[tilespmem:s18], [sflag:$0x9] =	stream.linear.gather [hbm4b:s1+s2], $0x200, $0x38;
	[tilespmem:$0x10800] =	vst v63  }
0x15b: {  	_ =	swait.ge [sflag:s31], $0x200  }
0x15c: {  	[sflag:s31] =	ssyncset.done $0x0  }
0x15d: {  	[sflag:s31] =	ssyncadd.s32 $0xFFFFFE00  }
0x15e: {  	_ =	swait.ge [sflag:s31], $0x200  }
0x15f: {  	[sflag:s31] =	ssyncset.done $0x0  }
0x160: {  	[sflag:s31] =	ssyncadd.s32 $0xFFFFFE00  }
0x161: {  	_ =	swait.ge [sflag:s31], $0x200  }
0x162: {  	[sflag:s31] =	ssyncset.done $0x0  }
0x163: {  	[sflag:s31] =	ssyncadd.s32 $0xFFFFFE00  }
0x164: {  	_ =	swait.ge [sflag:s31], $0x200  }
0x165: {  	[sflag:s31] =	ssyncset.done $0x0  }
0x166: {  	[sflag:s31] =	ssyncadd.s32 $0xFFFFFE00  }
0x167: {  	[tilespmem:s11], [sflag:$0x1] =	stream.indirect.gather [hbm4b:s28+s12], $0x80, s2, s12, $0xb8;
	[tilespmem:$0x10800] =	vst v63  }
0x168: {  	_ = 	snop  }
0x169: {  	[tilespmem:s10], [sflag:$0x2] =	stream.indirect.gather [hbm4b:s28+s12], $0x80, s12, s12, $0xb8;
	[tilespmem:$0x10800] =	vst v63  }
0x16a: {  	s1 =	rddreg [dreg:$0x17]  }
0x16b: {  	[tilespmem:s8], [sflag:$0x3] =	stream.indirect.gather [hbm4b:s28+s12], $0x80, s1, s12, $0xb8;
	[tilespmem:$0x10800] =	vst v63  }
0x16c: {  	s31 =	rddreg [dreg:$0x18]  }
0x16d: {  	[tilespmem:s5], [sflag:$0x4] =	stream.indirect.gather [hbm4b:s28+s12], $0x80, s31, s12, $0xb8;
	[tilespmem:$0x10800] =	vst v63  }
0x16e: {  	_ =	swait.ge [sflag:s16], $0x4000  }
0x16f: {  	[sflag:s16] =	ssyncset.done $0x0  }
0x170: {  	s1 =	rddreg [dreg:$0x7];
	[sflag:s16] =	ssyncadd.s32 $0xFFFFC000  }
0x171: {  	[hbm4b:s1+s2] =	stream.linear.scatter [tilespmem:s11], [sflag:$0x5], $0x4000, $0x38;
	[tilespmem:$0x10800] =	vst v63  }
0x172: {  	_ =	swait.ge [sflag:s4], $0x4000  }
0x173: {  	[sflag:s4] =	ssyncset.done $0x0  }
0x174: {  	[sflag:s4] =	ssyncadd.s32 $0xFFFFC000  }
0x175: {  	[tilespmem:s11], [sflag:$0x1] =	stream.indirect.gather [hbm4b:s22+s12], $0x80, s30, s12, $0xb8;
	[tilespmem:$0x10800] =	vst v63  }
0x176: {  	_ =	swait.ge [sflag:s15], $0x4000  }
0x177: {  	[sflag:s15] =	ssyncset.done $0x0  }
0x178: {  	s28 =	rddreg [dreg:$0x8];
	[sflag:s15] =	ssyncadd.s32 $0xFFFFC000  }
0x179: {  	[hbm4b:s28+s2] =	stream.linear.scatter [tilespmem:s10], [sflag:$0x6], $0x4000, $0x38;
	[tilespmem:$0x10800] =	vst v63  }
0x17a: {  	_ =	swait.ge [sflag:s3], $0x4000  }
0x17b: {  	[sflag:s3] =	ssyncset.done $0x0  }
0x17c: {  	s30 =	rddreg [dreg:$0x19];
	[sflag:s3] =	ssyncadd.s32 $0xFFFFC000  }
0x17d: {  	[tilespmem:s10], [sflag:$0x2] =	stream.indirect.gather [hbm4b:s22+s12], $0x80, s30, s12, $0xb8;
	[tilespmem:$0x10800] =	vst v63  }
0x17e: {  	_ =	swait.ge [sflag:s14], $0x4000  }
0x17f: {  	[sflag:s14] =	ssyncset.done $0x0  }
0x180: {  	s31 =	rddreg [dreg:$0x9];
	[sflag:s14] =	ssyncadd.s32 $0xFFFFC000  }
0x181: {  	[hbm4b:s31+s2] =	stream.linear.scatter [tilespmem:s8], [sflag:$0x7], $0x4000, $0x38;
	[tilespmem:$0x10800] =	vst v63  }
0x182: {  	_ =	swait.ge [sflag:s6], $0x4000  }
0x183: {  	[sflag:s6] =	ssyncset.done $0x0  }
0x184: {  	s1 =	rddreg [dreg:$0x1a];
	[sflag:s6] =	ssyncadd.s32 $0xFFFFC000  }
0x185: {  	[tilespmem:s8], [sflag:$0x3] =	stream.indirect.gather [hbm4b:s22+s12], $0x80, s1, s12, $0xb8;
	[tilespmem:$0x10800] =	vst v63  }
0x186: {  	_ =	swait.ge [sflag:s13], $0x4000  }
0x187: {  	[sflag:s13] =	ssyncset.done $0x0  }
0x188: {  	s28 =	rddreg [dreg:$0xa];
	[sflag:s13] =	ssyncadd.s32 $0xFFFFC000  }
0x189: {  	[hbm4b:s28+s2] =	stream.linear.scatter [tilespmem:s5], [sflag:$0x8], $0x4000, $0x38;
	[tilespmem:$0x10800] =	vst v63  }
0x18a: {  	_ =	swait.ge [sflag:s7], $0x4000  }
0x18b: {  	[sflag:s7] =	ssyncset.done $0x0  }
0x18c: {  	[sflag:s7] =	ssyncadd.s32 $0xFFFFC000  }
0x18d: {  	[tilespmem:s5], [sflag:$0x4] =	stream.indirect.gather [hbm4b:s22+s12], $0x80, s20, s12, $0xb8;
	[tilespmem:$0x10800] =	vst v63  }
0x18e: {  	_ =	swait.ge [sflag:s16], $0x4000  }
0x18f: {  	[sflag:s16] =	ssyncset.done $0x0  }
0x190: {  	s30 =	rddreg [dreg:$0xb];
	[sflag:s16] =	ssyncadd.s32 $0xFFFFC000  }
0x191: {  	[hbm4b:s30+s2] =	stream.linear.scatter [tilespmem:s11], [sflag:$0x5], $0x4000, $0x38;
	[tilespmem:$0x10800] =	vst v63  }
0x192: {  	_ =	swait.ge [sflag:s4], $0x4000  }
0x193: {  	[sflag:s4] =	ssyncset.done $0x0  }
0x194: {  	[sflag:s4] =	ssyncadd.s32 $0xFFFFC000  }
0x195: {  	[tilespmem:s11], [sflag:$0x1] =	stream.indirect.gather [hbm4b:s17+s12], $0x80, s23, s12, $0xb8;
	[tilespmem:$0x10800] =	vst v63  }
0x196: {  	_ =	swait.ge [sflag:s15], $0x4000  }
0x197: {  	[sflag:s15] =	ssyncset.done $0x0  }
0x198: {  	s31 =	rddreg [dreg:$0xc];
	[sflag:s15] =	ssyncadd.s32 $0xFFFFC000  }
0x199: {  	[hbm4b:s31+s2] =	stream.linear.scatter [tilespmem:s10], [sflag:$0x6], $0x4000, $0x38;
	[tilespmem:$0x10800] =	vst v63  }
0x19a: {  	_ =	swait.ge [sflag:s3], $0x4000  }
0x19b: {  	[sflag:s3] =	ssyncset.done $0x0  }
0x19c: {  	[sflag:s3] =	ssyncadd.s32 $0xFFFFC000  }
0x19d: {  	[tilespmem:s10], [sflag:$0x2] =	stream.indirect.gather [hbm4b:s17+s12], $0x80, s29, s12, $0xb8;
	[tilespmem:$0x10800] =	vst v63  }
0x19e: {  	_ =	swait.ge [sflag:s14], $0x4000  }
0x19f: {  	[sflag:s14] =	ssyncset.done $0x0  }
0x1a0: {  	s1 =	rddreg [dreg:$0xd];
	[sflag:s14] =	ssyncadd.s32 $0xFFFFC000  }
0x1a1: {  	[hbm4b:s1+s2] =	stream.linear.scatter [tilespmem:s8], [sflag:$0x7], $0x4000, $0x38;
	[tilespmem:$0x10800] =	vst v63  }
0x1a2: {  	_ =	swait.ge [sflag:s6], $0x4000  }
0x1a3: {  	[sflag:s6] =	ssyncset.done $0x0  }
0x1a4: {  	[sflag:s6] =	ssyncadd.s32 $0xFFFFC000  }
0x1a5: {  	[tilespmem:s8], [sflag:$0x3] =	stream.indirect.gather [hbm4b:s17+s12], $0x80, s26, s12, $0xb8;
	[tilespmem:$0x10800] =	vst v63  }
0x1a6: {  	_ =	swait.ge [sflag:s13], $0x4000  }
0x1a7: {  	[sflag:s13] =	ssyncset.done $0x0  }
0x1a8: {  	s20 =	rddreg [dreg:$0xe];
	[sflag:s13] =	ssyncadd.s32 $0xFFFFC000  }
0x1a9: {  	[hbm4b:s20+s2] =	stream.linear.scatter [tilespmem:s5], [sflag:$0x8], $0x4000, $0x38;
	[tilespmem:$0x10800] =	vst v63  }
0x1aa: {  	_ =	swait.ge [sflag:s7], $0x4000  }
0x1ab: {  	[sflag:s7] =	ssyncset.done $0x0  }
0x1ac: {  	[sflag:s7] =	ssyncadd.s32 $0xFFFFC000  }
0x1ad: {  	[tilespmem:s5], [sflag:$0x4] =	stream.indirect.gather [hbm4b:s17+s12], $0x80, s25, s12, $0xb8;
	[tilespmem:$0x10800] =	vst v63  }
0x1ae: {  	_ =	swait.ge [sflag:s16], $0x4000  }
0x1af: {  	[sflag:s16] =	ssyncset.done $0x0  }
0x1b0: {  	s22 =	rddreg [dreg:$0xf];
	[sflag:s16] =	ssyncadd.s32 $0xFFFFC000  }
0x1b1: {  	[hbm4b:s22+s2] =	stream.linear.scatter [tilespmem:s11], [sflag:$0x5], $0x4000, $0x38;
	[tilespmem:$0x10800] =	vst v63  }
0x1b2: {  	_ =	swait.ge [sflag:s4], $0x4000  }
0x1b3: {  	[sflag:s4] =	ssyncset.done $0x0  }
0x1b4: {  	[sflag:s4] =	ssyncadd.s32 $0xFFFFC000  }
0x1b5: {  	[tilespmem:s11], [sflag:$0x1] =	stream.indirect.gather [hbm4b:s9+s12], $0x80, s18, s12, $0xb8;
	[tilespmem:$0x10800] =	vst v63  }
0x1b6: {  	_ =	swait.ge [sflag:s15], $0x4000  }
0x1b7: {  	[sflag:s15] =	ssyncset.done $0x0  }
0x1b8: {  	s23 =	rddreg [dreg:$0x10];
	[sflag:s15] =	ssyncadd.s32 $0xFFFFC000  }
0x1b9: {  	[hbm4b:s23+s2] =	stream.linear.scatter [tilespmem:s10], [sflag:$0x6], $0x4000, $0x38;
	[tilespmem:$0x10800] =	vst v63  }
0x1ba: {  	_ =	swait.ge [sflag:s3], $0x4000  }
0x1bb: {  	[sflag:s3] =	ssyncset.done $0x0  }
0x1bc: {  	[sflag:s3] =	ssyncadd.s32 $0xFFFFC000  }
0x1bd: {  	[tilespmem:s10], [sflag:$0x2] =	stream.indirect.gather [hbm4b:s9+s12], $0x80, s24, s12, $0xb8;
	[tilespmem:$0x10800] =	vst v63  }
0x1be: {  	_ =	swait.ge [sflag:s14], $0x4000  }
0x1bf: {  	[sflag:s14] =	ssyncset.done $0x0  }
0x1c0: {  	s24 =	rddreg [dreg:$0x11];
	[sflag:s14] =	ssyncadd.s32 $0xFFFFC000  }
0x1c1: {  	[hbm4b:s24+s2] =	stream.linear.scatter [tilespmem:s8], [sflag:$0x7], $0x4000, $0x38;
	[tilespmem:$0x10800] =	vst v63  }
0x1c2: {  	_ =	swait.ge [sflag:s6], $0x4000  }
0x1c3: {  	[sflag:s6] =	ssyncset.done $0x0  }
0x1c4: {  	[sflag:s6] =	ssyncadd.s32 $0xFFFFC000  }
0x1c5: {  	[tilespmem:s8], [sflag:$0x3] =	stream.indirect.gather [hbm4b:s9+s12], $0x80, s21, s12, $0xb8;
	[tilespmem:$0x10800] =	vst v63  }
0x1c6: {  	_ =	swait.ge [sflag:s13], $0x4000  }
0x1c7: {  	[sflag:s13] =	ssyncset.done $0x0  }
0x1c8: {  	s25 =	rddreg [dreg:$0x12];
	[sflag:s13] =	ssyncadd.s32 $0xFFFFC000  }
0x1c9: {  	[hbm4b:s25+s2] =	stream.linear.scatter [tilespmem:s5], [sflag:$0x8], $0x4000, $0x38;
	[tilespmem:$0x10800] =	vst v63  }
0x1ca: {  	_ =	swait.ge [sflag:s7], $0x4000  }
0x1cb: {  	[sflag:s7] =	ssyncset.done $0x0  }
0x1cc: {  	s26 =	simm.s32 $0x780;
	[sflag:s7] =	ssyncadd.s32 $0xFFFFC000  }
0x1cd: {  	[tilespmem:s5], [sflag:$0x4] =	stream.indirect.gather [hbm4b:s9+s12], $0x80, s26, s12, $0xb8;
	[tilespmem:$0x10800] =	vst v63  }
0x1ce: {  	_ =	swait.ge [sflag:s16], $0x4000  }
0x1cf: {  	[sflag:s16] =	ssyncset.done $0x0  }
0x1d0: {  	s28 =	rddreg [dreg:$0x13];
	[sflag:s16] =	ssyncadd.s32 $0xFFFFC000  }
0x1d1: {  	[hbm4b:s28+s2] =	stream.linear.scatter [tilespmem:s11], [sflag:$0x5], $0x4000, $0x38;
	[tilespmem:$0x10800] =	vst v63  }
0x1d2: {  	_ =	swait.ge [sflag:s15], $0x4000  }
0x1d3: {  	[sflag:s15] =	ssyncset.done $0x0  }
0x1d4: {  	s29 =	rddreg [dreg:$0x14];
	[sflag:s15] =	ssyncadd.s32 $0xFFFFC000  }
0x1d5: {  	[hbm4b:s29+s2] =	stream.linear.scatter [tilespmem:s10], [sflag:$0x6], $0x4000, $0x38;
	[tilespmem:$0x10800] =	vst v63  }
0x1d6: {  	_ =	swait.ge [sflag:s14], $0x4000  }
0x1d7: {  	[sflag:s14] =	ssyncset.done $0x0  }
0x1d8: {  	s30 =	rddreg [dreg:$0x15];
	[sflag:s14] =	ssyncadd.s32 $0xFFFFC000  }
0x1d9: {  	[hbm4b:s30+s2] =	stream.linear.scatter [tilespmem:s8], [sflag:$0x7], $0x4000, $0x38;
	[tilespmem:$0x10800] =	vst v63  }
0x1da: {  	_ =	swait.ge [sflag:s13], $0x4000  }
0x1db: {  	[sflag:s13] =	ssyncset.done $0x0  }
0x1dc: {  	s31 =	rddreg [dreg:$0x16];
	[sflag:s13] =	ssyncadd.s32 $0xFFFFC000  }
0x1dd: {  	[hbm4b:s31+s2] =	stream.linear.scatter [tilespmem:s5], [sflag:$0x8], $0x4000, $0x38;
	[tilespmem:$0x10800] =	vst v63  }
0x1de: {  	_ =	swait.ge [sflag:s4], $0x4000  }
0x1df: {  	[sflag:s4] =	ssyncset.done $0x0  }
0x1e0: {  	[sflag:s4] =	ssyncadd.s32 $0xFFFFC000  }
0x1e1: {  	_ =	swait.ge [sflag:s3], $0x4000  }
0x1e2: {  	[sflag:s3] =	ssyncset.done $0x0  }
0x1e3: {  	[sflag:s3] =	ssyncadd.s32 $0xFFFFC000  }
0x1e4: {  	_ =	swait.ge [sflag:s6], $0x4000  }
0x1e5: {  	[sflag:s6] =	ssyncset.done $0x0  }
0x1e6: {  	[sflag:s6] =	ssyncadd.s32 $0xFFFFC000  }
0x1e7: {  	_ =	swait.ge [sflag:s7], $0x4000  }
0x1e8: {  	[sflag:s7] =	ssyncset.done $0x0  }
0x1e9: {  	[sflag:s7] =	ssyncadd.s32 $0xFFFFC000  }
0x1ea: {  	_ =	sfence.sel $0x180000  }
0x1eb: {  	[bflag:$0x0] =	sbarrier.arrive $0xFFFF  }
0x1ec: {  	_ =	strace $0x90000047  }
0x1ed: {  	[bflag:$0x2] =	sbarrier.arrive $0xFFFF  }
0x1ee: {  	p0 =	sne.s32 s19, $0x0;
	s0 =	rddreg [dreg:$0x2]  }
0x1ef: {  	s0 =	sadd.s32 @!p0 $0x100000, s0  }
0x1f0: {  	[sflag:s0] =	ssyncadd.tile.s32 @!p0 $0x1;
	_ =	shalt  }
.LBB2_1:
.Ltmp3:
0x1f1: {  	(pc) =	sbr.rel .LBB2_6-.Ltmp3, $3  }
0x1f2: {  	_ =	sdelay $0x1  }
0x1f3: {  	s20 =	simm.s32 $0x380;
	s29 =	simm.s32 $0x480;
	s26 =	simm.s32 $0x500  }
0x1f4: {  	s25 =	simm.s32 $0x580;
	s24 =	simm.s32 $0x680;
	s21 =	simm.s32 $0x700  }
.LBB2_3:
.Ltmp4:
0x1f5: {  	(pc) =	sbr.rel .LBB2_6-.Ltmp4, $4  }
0x1f6: {  	_ = 	snop  }
0x1f7: {  	s20 =	simm.s32 $0x380  }
0x1f8: {  	s29 =	simm.s32 $0x480;
	s26 =	simm.s32 $0x500;
	s25 =	simm.s32 $0x580  }
0x1f9: {  	s24 =	simm.s32 $0x680;
	s21 =	simm.s32 $0x700;
	s19 =	stileid.u32  }
.Lfunc_end2:
_tile_overlayer_lowered:
.L_overlay_start_2:
0x1fa: {  	(tag) =	ssettag $0x2  }
0x1fb: {  	s0 =	rddreg [dreg:$0x0];
	s2 =	stileid.u32  }
0x1fc: {  	s1 =	rddreg [dreg:$0x1];
	p0 =	sne.s32 s2, $0x0  }
0x1fd: {  	s3 =	rddreg [dreg:$0x2];
	[bflag:$0x3] =	sbarrier.arrive $0xFFFF;
	s2 =	simm.s32 @!p0 $0x1C0A  }
0x1fe: {  	[timem:s3], [sflag:s2] =	dma.local @!p0 [hbm:s0], s1  }
0x1ff: {  	s0 =	simm.s32 @!p0 $0xA  }
0x200: {  	_ =	swait.ge @!p0 [sflag:s0], s1  }
0x201: {  	s1 =	ssub.s32 @!p0 $0x0, s1;
	[sflag:s0] =	ssyncset.done @!p0 $0x0  }
0x202: {  	[sflag:s0] =	ssyncadd.s32 @!p0 s1  }
0x203: {  	[bflag:$0x3] =	sbarrier.arrive $0xFFFF  }
0x204: {  	_ =	shalt  }

</sc_bundles>
